<compile_context>
chip_gen: v7x
topology: tpu7x:2x2x1
jax: 0.10.2.dev20260603
libtpu: 0.0.44.dev20260713+nightly
codegen_flags: <defaults>
</compile_context>

<pallas_src>
import jax
import jax.numpy as jnp
from jax import lax
from jax.experimental import pallas as pl
from jax.experimental.pallas import tpu as pltpu
from jax.experimental.pallas import tpu_sc as plsc

B = 16384
V = 1000000
D = 64
P = V // 2

NC = 2
NS = 16
NW = NC * NS
BPW = B // NW
CHUNK = 128
NCHUNK = BPW // CHUNK
NBUF = 6


def _sc_gather_body(uq_hbm, iq_hbm, gmf_t, mu_t, mi_t,
                    pm_o, qm_o, gu_o, gi_o,
                    uq_v, iq_v, bufs, gsem, ssem):
  wid = lax.axis_index("s") * NC + lax.axis_index("c")
  base = wid * BPW

  pltpu.sync_copy(uq_hbm.at[wid], uq_v)
  pltpu.sync_copy(iq_hbm.at[wid], iq_v)

  tasks = []
  for j in range(NCHUNK):
    tasks.append((mu_t, uq_v, j, pm_o))
    tasks.append((mi_t, iq_v, j, qm_o))
    tasks.append((gmf_t, uq_v, j, gu_o))
    tasks.append((gmf_t, iq_v, j, gi_o))

  NT = len(tasks)
  g = [None] * NT
  s = [None] * NT

  def fire(k):
    tbl, idx, j, _ = tasks[k]
    b = k % NBUF
    g[k] = pltpu.async_copy(tbl.at[idx.at[j]], bufs.at[b], gsem.at[b])

  def store(k):
    _, _, j, out = tasks[k]
    b = k % NBUF
    g[k].wait()
    s[k] = pltpu.async_copy(bufs.at[b],
                            out.at[pl.ds(base + j * CHUNK, CHUNK)],
                            ssem.at[b])

  for k in range(NT):
    if k >= NBUF:
      s[k - NBUF].wait()
    fire(k)
    if k >= NBUF - 1:
      store(k - (NBUF - 1))
  for k in range(NT - (NBUF - 1), NT):
    store(k)
  for k in range(NT - NBUF, NT):
    s[k].wait()


def _sc_gather(uq_r, iq_r, gmf_p, mu_p, mi_p):
  mesh = plsc.VectorSubcoreMesh(core_axis_name="c", subcore_axis_name="s")
  out = jax.ShapeDtypeStruct((B, 128), jnp.int32)
  run = pl.kernel(
      _sc_gather_body,
      out_type=[out, out, out, out],
      mesh=mesh,
      compiler_params=pltpu.CompilerParams(use_tc_tiling_on_sc=True),
      scratch_types=[
          pltpu.VMEM((NCHUNK, CHUNK), jnp.int32),
          pltpu.VMEM((NCHUNK, CHUNK), jnp.int32),
          pltpu.VMEM((NBUF, CHUNK, 128), jnp.int32),
          pltpu.SemaphoreType.DMA((NBUF,)),
          pltpu.SemaphoreType.DMA((NBUF,)),
      ],
  )
  return run(uq_r, iq_r, gmf_p, mu_p, mi_p)


def _extract_row(x_ref, hsel, ssel):
  xs = x_ref[...]
  ls = jnp.where(ssel == 0, xs[:, :D], xs[:, D:])
  lu = lax.bitcast_convert_type(ls, jnp.uint32)
  lo = lax.bitcast_convert_type(lu << 16, jnp.float32)
  hi = lax.bitcast_convert_type(lu & jnp.uint32(0xFFFF0000), jnp.float32)
  return jnp.where(hsel == 0, lo, hi)


def _tc_mlp_body(um_ref, im_ref, pm_ref, qm_ref, gu_ref, gi_ref,
                 w1a_ref, w1b_ref, b1_ref, w2t_ref, b2_ref, wog_ref, woh_ref,
                 out_ref):
  hi = jax.lax.Precision.HIGHEST
  f32 = jnp.float32
  um = um_ref[...]
  im = im_ref[...]
  uh, us = um % 2, (um % 4) // 2
  ih, i_s = im % 2, (im % 4) // 2

  pm = _extract_row(pm_ref, uh, us)
  qm = _extract_row(qm_ref, ih, i_s)
  gu = _extract_row(gu_ref, uh, us)
  gi = _extract_row(gi_ref, ih, i_s)

  h = jnp.dot(pm, w1a_ref[...], precision=hi, preferred_element_type=f32)
  h = h + jnp.dot(qm, w1b_ref[...], precision=hi, preferred_element_type=f32)
  h = h + b1_ref[...]
  h = jnp.where(h >= 0, h, 0.01 * h)
  h = jnp.dot(h, w2t_ref[...], precision=hi, preferred_element_type=f32) + b2_ref[...]
  h = jnp.where(h >= 0, h, 0.01 * h)
  gmf = gu * gi
  out = jnp.dot(gmf, wog_ref[...], precision=hi, preferred_element_type=f32)
  out = out + jnp.dot(h, woh_ref[...], precision=hi, preferred_element_type=f32)
  out_ref[...] = out


def _tc_mlp(um, im, pm, qm, gu, gi, w1a, w1b, b1, w2t, b2, wog, woh):
  R = 2048
  grid = B // R
  full = lambda shape: pl.BlockSpec(shape, lambda i: (0, 0))
  pair = pl.BlockSpec((R, 128), lambda i: (i, 0))
  return pl.pallas_call(
      _tc_mlp_body,
      grid=(grid,),
      in_specs=[
          pl.BlockSpec((R, 1), lambda i: (i, 0)),
          pl.BlockSpec((R, 1), lambda i: (i, 0)),
          pair, pair, pair, pair,
          full((D, 128)),
          full((D, 128)),
          full((1, 128)),
          full((128, D)),
          full((1, D)),
          full((D, 1)),
          full((D, 1)),
      ],
      out_specs=pl.BlockSpec((R, 1), lambda i: (i, 0)),
      out_shape=jax.ShapeDtypeStruct((B, 1), jnp.float32),
  )(um, im, pm, qm, gu, gi, w1a, w1b, b1, w2t, b2, wog, woh)


def kernel(user_id, item_id, gmf_item_emb, mlp_user_emb, mlp_item_emb,
           W1, b1, W2, b2, W_out):
  uid = user_id.astype(jnp.int32)
  iid = item_id.astype(jnp.int32)
  uq_r = (uid // 4).reshape(NW, NCHUNK, CHUNK)
  iq_r = (iid // 4).reshape(NW, NCHUNK, CHUNK)

  def pack(t):
    y = t.astype(jnp.bfloat16).reshape(V // 4, 2, 2, D)
    y = y.transpose(0, 1, 3, 2)
    return lax.bitcast_convert_type(y, jnp.int32).reshape(V // 4, 128)

  pm, qm, gu, gi = _sc_gather(uq_r, iq_r, pack(gmf_item_emb),
                              pack(mlp_user_emb), pack(mlp_item_emb))

  w1t = W1.T
  w1a = w1t[:D]
  w1b = w1t[D:]
  w2t = W2.T
  wot = W_out.T
  wog = wot[:D]
  woh = wot[D:]

  return _tc_mlp(uid.reshape(B, 1), iid.reshape(B, 1), pm, qm, gu, gi,
                 w1a, w1b, b1.reshape(1, 128), w2t, b2.reshape(1, D),
                 wog, woh)

# --- scband reference (transcript-rebuilt; emitter-appended) ---
"""Pipeline reference for scband-neu-fm-61323543052456 (READ-ONLY COPY).

The authoritative reference and input builder live on the scoring server;
editing this copy changes nothing except your own understanding.
"""

import jax, jax.numpy as jnp
import numpy as np

B = 16384
V = 1000000
D = 64

def leaky_relu(x):
    return jnp.where(x >= 0, x, 0.01 * x)

def setup_inputs(seed: int = 0):
    key = jax.random.key(seed)
    ks = jax.random.split(key, 10)
    user_id = jax.random.randint(ks[0], (B,), 0, V)
    item_id = jax.random.randint(ks[1], (B,), 0, V)
    # NOTE: the torch module's forward never uses gmf_user_embedding (it calls
    # gmf_item_embedding for both user_id and item_id), and all used tables have
    # num_items rows. We replicate that faithfully.
    gmf_item_emb = jax.random.normal(ks[2], (V, D), dtype=jnp.float32) * 0.01
    mlp_user_emb = jax.random.normal(ks[3], (V, D), dtype=jnp.float32) * 0.01
    mlp_item_emb = jax.random.normal(ks[4], (V, D), dtype=jnp.float32) * 0.01
    W1 = jax.random.normal(ks[5], (128, 2 * D), dtype=jnp.float32) * (1.0 / np.sqrt(2 * D))
    b1 = jnp.zeros((128,), dtype=jnp.float32)
    W2 = jax.random.normal(ks[6], (64, 128), dtype=jnp.float32) * (1.0 / np.sqrt(128))
    b2 = jnp.zeros((64,), dtype=jnp.float32)
    W_out = jax.random.normal(ks[7], (1, 64 + D), dtype=jnp.float32) * (1.0 / np.sqrt(64 + D))
    return {
        'user_id': user_id,
        'item_id': item_id,
        'gmf_item_emb': gmf_item_emb,
        'mlp_user_emb': mlp_user_emb,
        'mlp_item_emb': mlp_item_emb,
        'W1': W1, 'b1': b1,
        'W2': W2, 'b2': b2,
        'W_out': W_out,
    }

def reference(user_id, item_id, gmf_item_emb, mlp_user_emb, mlp_item_emb, W1, b1, W2, b2, W_out):
    # GMF branch (faithful to the original: item table used for both lookups)
    p_mf = jnp.take(gmf_item_emb, user_id, axis=0)
    q_mf = jnp.take(gmf_item_emb, item_id, axis=0)
    gmf = p_mf * q_mf
    # MLP branch
    p_mlp = jnp.take(mlp_user_emb, user_id, axis=0)
    q_mlp = jnp.take(mlp_item_emb, item_id, axis=0)
    h = jnp.concatenate([p_mlp, q_mlp], axis=-1)
    h = leaky_relu(h @ W1.T + b1)
    h = leaky_relu(h @ W2.T + b2)
    out = jnp.concatenate([gmf, h], axis=-1) @ W_out.T
    return out

if __name__ == "__main__":
    import jax
    _d = setup_inputs()
    print(jax.jit(kernel)(*tuple(_d.values())))

</pallas_src>

<mosaic_0001>
#map = affine_map<(d0, d1) -> (0, 0, 0)>
#map1 = affine_map<(d0, d1) -> (0, 0)>
module attributes {stable_mosaic.version = 14 : i64} {
  func.func @_sc_gather_body(%arg0: i32, %arg1: i32, %arg2: memref<32x4x128xi32, #tpu.memory_space<hbm>>, %arg3: memref<32x4x128xi32, #tpu.memory_space<hbm>>, %arg4: memref<250000x128xi32, #tpu.memory_space<hbm>>, %arg5: memref<250000x128xi32, #tpu.memory_space<hbm>>, %arg6: memref<250000x128xi32, #tpu.memory_space<hbm>>, %arg7: memref<16384x128xi32, #tpu.memory_space<hbm>>, %arg8: memref<16384x128xi32, #tpu.memory_space<hbm>>, %arg9: memref<16384x128xi32, #tpu.memory_space<hbm>>, %arg10: memref<16384x128xi32, #tpu.memory_space<hbm>>, %arg11: memref<4x128xi32, #tpu.memory_space<vmem>>, %arg12: memref<4x128xi32, #tpu.memory_space<vmem>>, %arg13: memref<6x128x128xi32, #tpu.memory_space<vmem>>, %arg14: memref<6x!tpu.dma_semaphore, #tpu.memory_space<semaphore_mem>>, %arg15: memref<6x!tpu.dma_semaphore, #tpu.memory_space<semaphore_mem>>) attributes {dimension_semantics = [#tpu.dimension_semantics<core_parallel>, #tpu.dimension_semantics<subcore_parallel>], iteration_bounds = array<i64: 2, 16>, scalar_prefetch = 0 : i64, scratch_operands = 5 : i64, tpu.core_type = #tpu.core_type<sc_vector_subcore>, window_params = [{transform_indices = #map}, {transform_indices = #map}, {transform_indices = #map1}, {transform_indices = #map1}, {transform_indices = #map1}, {transform_indices = #map1}, {transform_indices = #map1}, {transform_indices = #map1}, {transform_indices = #map1}]} {
    %mul3A = arith.constant 2 : i32
    %mul3A_0 = arith.muli %arg1, %mul3A : i32
    %add3A = arith.addi %mul3A_0, %arg0 : i32
    %mul3A_1 = arith.constant 512 : i32
    %mul3A_2 = arith.muli %add3A, %mul3A_1 : i32
    "tpu.region"() ({
      %run_scoped3A = tpu.sem_alloc : memref<!tpu.dma_semaphore, #tpu.memory_space<semaphore_mem>>
      %dma_start3A_1025 = arith.constant 0 : i32
      %dma_start3A_1026 = arith.constant 0 : i32
      %dma_start3A_1027 = tpu.memref_slice %arg2[%add3A, %dma_start3A_1025, %dma_start3A_1026] : memref<32x4x128xi32, #tpu.memory_space<hbm>> -> memref<1x4x128xi32, #tpu.memory_space<hbm>>
      %dma_start3A_1028 = tpu.memref_squeeze %dma_start3A_1027 : memref<1x4x128xi32, #tpu.memory_space<hbm>> -> memref<4x128xi32, #tpu.memory_space<hbm>>
      %dma_start3A_1029 = arith.constant 0 : i32
      %dma_start3A_1030 = arith.constant 0 : i32
      %dma_start3A_1031 = tpu.memref_slice %arg2[%add3A, %dma_start3A_1029, %dma_start3A_1030] : memref<32x4x128xi32, #tpu.memory_space<hbm>> -> memref<1x4x128xi32, #tpu.memory_space<hbm>>
      %dma_start3A_1032 = tpu.memref_squeeze %dma_start3A_1031 : memref<1x4x128xi32, #tpu.memory_space<hbm>> -> memref<4x128xi32, #tpu.memory_space<hbm>>
      tpu.enqueue_dma source(%dma_start3A_1032 : memref<4x128xi32, #tpu.memory_space<hbm>>) target(%arg11 : memref<4x128xi32, #tpu.memory_space<vmem>>) target_semaphore(%run_scoped3A : memref<!tpu.dma_semaphore, #tpu.memory_space<semaphore_mem>>)
      %dma_wait3A_1033 = arith.constant 0 : i32
      %dma_wait3A_1034 = arith.constant 0 : i32
      %dma_wait3A_1035 = tpu.memref_slice %arg2[%add3A, %dma_wait3A_1033, %dma_wait3A_1034] : memref<32x4x128xi32, #tpu.memory_space<hbm>> -> memref<1x4x128xi32, #tpu.memory_space<hbm>>
      %dma_wait3A_1036 = tpu.memref_squeeze %dma_wait3A_1035 : memref<1x4x128xi32, #tpu.memory_space<hbm>> -> memref<4x128xi32, #tpu.memory_space<hbm>>
      %dma_wait3A_1037 = arith.constant 0 : i32
      %dma_wait3A_1038 = arith.constant 0 : i32
      %dma_wait3A_1039 = tpu.memref_slice %arg2[%add3A, %dma_wait3A_1037, %dma_wait3A_1038] : memref<32x4x128xi32, #tpu.memory_space<hbm>> -> memref<1x4x128xi32, #tpu.memory_space<hbm>>
      %dma_wait3A_1040 = tpu.memref_squeeze %dma_wait3A_1039 : memref<1x4x128xi32, #tpu.memory_space<hbm>> -> memref<4x128xi32, #tpu.memory_space<hbm>>
      tpu.wait_dma2 semaphore(%run_scoped3A : memref<!tpu.dma_semaphore, #tpu.memory_space<semaphore_mem>>) src(%dma_wait3A_1040 : memref<4x128xi32, #tpu.memory_space<hbm>>) dst(%arg11 : memref<4x128xi32, #tpu.memory_space<vmem>>)
      tpu.yield
    }) : () -> ()
    "tpu.region"() ({
      %run_scoped3A = tpu.sem_alloc : memref<!tpu.dma_semaphore, #tpu.memory_space<semaphore_mem>>
      %dma_start3A_1025 = arith.constant 0 : i32
      %dma_start3A_1026 = arith.constant 0 : i32
      %dma_start3A_1027 = tpu.memref_slice %arg3[%add3A, %dma_start3A_1025, %dma_start3A_1026] : memref<32x4x128xi32, #tpu.memory_space<hbm>> -> memref<1x4x128xi32, #tpu.memory_space<hbm>>
      %dma_start3A_1028 = tpu.memref_squeeze %dma_start3A_1027 : memref<1x4x128xi32, #tpu.memory_space<hbm>> -> memref<4x128xi32, #tpu.memory_space<hbm>>
      %dma_start3A_1029 = arith.constant 0 : i32
      %dma_start3A_1030 = arith.constant 0 : i32
      %dma_start3A_1031 = tpu.memref_slice %arg3[%add3A, %dma_start3A_1029, %dma_start3A_1030] : memref<32x4x128xi32, #tpu.memory_space<hbm>> -> memref<1x4x128xi32, #tpu.memory_space<hbm>>
      %dma_start3A_1032 = tpu.memref_squeeze %dma_start3A_1031 : memref<1x4x128xi32, #tpu.memory_space<hbm>> -> memref<4x128xi32, #tpu.memory_space<hbm>>
      tpu.enqueue_dma source(%dma_start3A_1032 : memref<4x128xi32, #tpu.memory_space<hbm>>) target(%arg12 : memref<4x128xi32, #tpu.memory_space<vmem>>) target_semaphore(%run_scoped3A : memref<!tpu.dma_semaphore, #tpu.memory_space<semaphore_mem>>)
      %dma_wait3A_1033 = arith.constant 0 : i32
      %dma_wait3A_1034 = arith.constant 0 : i32
      %dma_wait3A_1035 = tpu.memref_slice %arg3[%add3A, %dma_wait3A_1033, %dma_wait3A_1034] : memref<32x4x128xi32, #tpu.memory_space<hbm>> -> memref<1x4x128xi32, #tpu.memory_space<hbm>>
      %dma_wait3A_1036 = tpu.memref_squeeze %dma_wait3A_1035 : memref<1x4x128xi32, #tpu.memory_space<hbm>> -> memref<4x128xi32, #tpu.memory_space<hbm>>
      %dma_wait3A_1037 = arith.constant 0 : i32
      %dma_wait3A_1038 = arith.constant 0 : i32
      %dma_wait3A_1039 = tpu.memref_slice %arg3[%add3A, %dma_wait3A_1037, %dma_wait3A_1038] : memref<32x4x128xi32, #tpu.memory_space<hbm>> -> memref<1x4x128xi32, #tpu.memory_space<hbm>>
      %dma_wait3A_1040 = tpu.memref_squeeze %dma_wait3A_1039 : memref<1x4x128xi32, #tpu.memory_space<hbm>> -> memref<4x128xi32, #tpu.memory_space<hbm>>
      tpu.wait_dma2 semaphore(%run_scoped3A : memref<!tpu.dma_semaphore, #tpu.memory_space<semaphore_mem>>) src(%dma_wait3A_1040 : memref<4x128xi32, #tpu.memory_space<hbm>>) dst(%arg12 : memref<4x128xi32, #tpu.memory_space<vmem>>)
      tpu.yield
    }) : () -> ()
    %dma_start3A = arith.constant 0 : i32
    %dma_start3A_3 = arith.constant 0 : i32
    %dma_start3A_4 = arith.constant 0 : i32
    %dma_start3A_5 = arith.constant 0 : i32
    %dma_start3A_6 = arith.constant 0 : i32
    %dma_start3A_7 = tpu.memref_slice %arg13[%dma_start3A_3, %dma_start3A_5, %dma_start3A_6] : memref<6x128x128xi32, #tpu.memory_space<vmem>> -> memref<1x128x128xi32, #tpu.memory_space<vmem>>
    %dma_start3A_8 = tpu.memref_squeeze %dma_start3A_7 : memref<1x128x128xi32, #tpu.memory_space<vmem>> -> memref<128x128xi32, #tpu.memory_space<vmem>>
    %dma_start3A_9 = arith.constant 0 : i32
    %dma_start3A_10 = tpu.memref_slice %arg11[%dma_start3A, %dma_start3A_9] : memref<4x128xi32, #tpu.memory_space<vmem>> -> memref<1x128xi32, #tpu.memory_space<vmem>>
    %dma_start3A_11 = tpu.memref_squeeze %dma_start3A_10 : memref<1x128xi32, #tpu.memory_space<vmem>> -> memref<128xi32, #tpu.memory_space<vmem>>
    %dma_start3A_12 = arith.constant 0 : i32
    %dma_start3A_13 = arith.constant 0 : i32
    %dma_start3A_14 = tpu.memref_slice %arg5[%dma_start3A_12, %dma_start3A_13] : memref<250000x128xi32, #tpu.memory_space<hbm>> -> memref<250000x128xi32, #tpu.memory_space<hbm>>
    %dma_start3A_15 = tpu.memref_slice %arg14[%dma_start3A_4] : memref<6x!tpu.dma_semaphore, #tpu.memory_space<semaphore_mem>> -> memref<1x!tpu.dma_semaphore, #tpu.memory_space<semaphore_mem>>
    %dma_start3A_16 = tpu.memref_squeeze %dma_start3A_15 : memref<1x!tpu.dma_semaphore, #tpu.memory_space<semaphore_mem>> -> memref<!tpu.dma_semaphore, #tpu.memory_space<semaphore_mem>>
    tpu.enqueue_indirect_dma source(%dma_start3A_14 : memref<250000x128xi32, #tpu.memory_space<hbm>>) target(%dma_start3A_8 : memref<128x128xi32, #tpu.memory_space<vmem>>) offsets(%dma_start3A_11 : memref<128xi32, #tpu.memory_space<vmem>>) semaphore(%dma_start3A_16 : memref<!tpu.dma_semaphore, #tpu.memory_space<semaphore_mem>>)
    %dma_start3A_17 = arith.constant 0 : i32
    %dma_start3A_18 = arith.constant 1 : i32
    %dma_start3A_19 = arith.constant 1 : i32
    %dma_start3A_20 = arith.constant 0 : i32
    %dma_start3A_21 = arith.constant 0 : i32
    %dma_start3A_22 = tpu.memref_slice %arg13[%dma_start3A_18, %dma_start3A_20, %dma_start3A_21] : memref<6x128x128xi32, #tpu.memory_space<vmem>> -> memref<1x128x128xi32, #tpu.memory_space<vmem>>
    %dma_start3A_23 = tpu.memref_squeeze %dma_start3A_22 : memref<1x128x128xi32, #tpu.memory_space<vmem>> -> memref<128x128xi32, #tpu.memory_space<vmem>>
    %dma_start3A_24 = arith.constant 0 : i32
    %dma_start3A_25 = tpu.memref_slice %arg12[%dma_start3A_17, %dma_start3A_24] : memref<4x128xi32, #tpu.memory_space<vmem>> -> memref<1x128xi32, #tpu.memory_space<vmem>>
    %dma_start3A_26 = tpu.memref_squeeze %dma_start3A_25 : memref<1x128xi32, #tpu.memory_space<vmem>> -> memref<128xi32, #tpu.memory_space<vmem>>
    %dma_start3A_27 = arith.constant 0 : i32
    %dma_start3A_28 = arith.constant 0 : i32
    %dma_start3A_29 = tpu.memref_slice %arg6[%dma_start3A_27, %dma_start3A_28] : memref<250000x128xi32, #tpu.memory_space<hbm>> -> memref<250000x128xi32, #tpu.memory_space<hbm>>
    %dma_start3A_30 = tpu.memref_slice %arg14[%dma_start3A_19] : memref<6x!tpu.dma_semaphore, #tpu.memory_space<semaphore_mem>> -> memref<1x!tpu.dma_semaphore, #tpu.memory_space<semaphore_mem>>
    %dma_start3A_31 = tpu.memref_squeeze %dma_start3A_30 : memref<1x!tpu.dma_semaphore, #tpu.memory_space<semaphore_mem>> -> memref<!tpu.dma_semaphore, #tpu.memory_space<semaphore_mem>>
    tpu.enqueue_indirect_dma source(%dma_start3A_29 : memref<250000x128xi32, #tpu.memory_space<hbm>>) target(%dma_start3A_23 : memref<128x128xi32, #tpu.memory_space<vmem>>) offsets(%dma_start3A_26 : memref<128xi32, #tpu.memory_space<vmem>>) semaphore(%dma_start3A_31 : memref<!tpu.dma_semaphore, #tpu.memory_space<semaphore_mem>>)
    %dma_start3A_32 = arith.constant 0 : i32
    %dma_start3A_33 = arith.constant 2 : i32
    %dma_start3A_34 = arith.constant 2 : i32
    %dma_start3A_35 = arith.constant 0 : i32
    %dma_start3A_36 = arith.constant 0 : i32
    %dma_start3A_37 = tpu.memref_slice %arg13[%dma_start3A_33, %dma_start3A_35, %dma_start3A_36] : memref<6x128x128xi32, #tpu.memory_space<vmem>> -> memref<1x128x128xi32, #tpu.memory_space<vmem>>
    %dma_start3A_38 = tpu.memref_squeeze %dma_start3A_37 : memref<1x128x128xi32, #tpu.memory_space<vmem>> -> memref<128x128xi32, #tpu.memory_space<vmem>>
    %dma_start3A_39 = arith.constant 0 : i32
    %dma_start3A_40 = tpu.memref_slice %arg11[%dma_start3A_32, %dma_start3A_39] : memref<4x128xi32, #tpu.memory_space<vmem>> -> memref<1x128xi32, #tpu.memory_space<vmem>>
    %dma_start3A_41 = tpu.memref_squeeze %dma_start3A_40 : memref<1x128xi32, #tpu.memory_space<vmem>> -> memref<128xi32, #tpu.memory_space<vmem>>
    %dma_start3A_42 = arith.constant 0 : i32
    %dma_start3A_43 = arith.constant 0 : i32
    %dma_start3A_44 = tpu.memref_slice %arg4[%dma_start3A_42, %dma_start3A_43] : memref<250000x128xi32, #tpu.memory_space<hbm>> -> memref<250000x128xi32, #tpu.memory_space<hbm>>
    %dma_start3A_45 = tpu.memref_slice %arg14[%dma_start3A_34] : memref<6x!tpu.dma_semaphore, #tpu.memory_space<semaphore_mem>> -> memref<1x!tpu.dma_semaphore, #tpu.memory_space<semaphore_mem>>
    %dma_start3A_46 = tpu.memref_squeeze %dma_start3A_45 : memref<1x!tpu.dma_semaphore, #tpu.memory_space<semaphore_mem>> -> memref<!tpu.dma_semaphore, #tpu.memory_space<semaphore_mem>>
    tpu.enqueue_indirect_dma source(%dma_start3A_44 : memref<250000x128xi32, #tpu.memory_space<hbm>>) target(%dma_start3A_38 : memref<128x128xi32, #tpu.memory_space<vmem>>) offsets(%dma_start3A_41 : memref<128xi32, #tpu.memory_space<vmem>>) semaphore(%dma_start3A_46 : memref<!tpu.dma_semaphore, #tpu.memory_space<semaphore_mem>>)
    %dma_start3A_47 = arith.constant 0 : i32
    %dma_start3A_48 = arith.constant 3 : i32
    %dma_start3A_49 = arith.constant 3 : i32
    %dma_start3A_50 = arith.constant 0 : i32
    %dma_start3A_51 = arith.constant 0 : i32
    %dma_start3A_52 = tpu.memref_slice %arg13[%dma_start3A_48, %dma_start3A_50, %dma_start3A_51] : memref<6x128x128xi32, #tpu.memory_space<vmem>> -> memref<1x128x128xi32, #tpu.memory_space<vmem>>
    %dma_start3A_53 = tpu.memref_squeeze %dma_start3A_52 : memref<1x128x128xi32, #tpu.memory_space<vmem>> -> memref<128x128xi32, #tpu.memory_space<vmem>>
    %dma_start3A_54 = arith.constant 0 : i32
    %dma_start3A_55 = tpu.memref_slice %arg12[%dma_start3A_47, %dma_start3A_54] : memref<4x128xi32, #tpu.memory_space<vmem>> -> memref<1x128xi32, #tpu.memory_space<vmem>>
    %dma_start3A_56 = tpu.memref_squeeze %dma_start3A_55 : memref<1x128xi32, #tpu.memory_space<vmem>> -> memref<128xi32, #tpu.memory_space<vmem>>
    %dma_start3A_57 = arith.constant 0 : i32
    %dma_start3A_58 = arith.constant 0 : i32
    %dma_start3A_59 = tpu.memref_slice %arg4[%dma_start3A_57, %dma_start3A_58] : memref<250000x128xi32, #tpu.memory_space<hbm>> -> memref<250000x128xi32, #tpu.memory_space<hbm>>
    %dma_start3A_60 = tpu.memref_slice %arg14[%dma_start3A_49] : memref<6x!tpu.dma_semaphore, #tpu.memory_space<semaphore_mem>> -> memref<1x!tpu.dma_semaphore, #tpu.memory_space<semaphore_mem>>
    %dma_start3A_61 = tpu.memref_squeeze %dma_start3A_60 : memref<1x!tpu.dma_semaphore, #tpu.memory_space<semaphore_mem>> -> memref<!tpu.dma_semaphore, #tpu.memory_space<semaphore_mem>>
    tpu.enqueue_indirect_dma source(%dma_start3A_59 : memref<250000x128xi32, #tpu.memory_space<hbm>>) target(%dma_start3A_53 : memref<128x128xi32, #tpu.memory_space<vmem>>) offsets(%dma_start3A_56 : memref<128xi32, #tpu.memory_space<vmem>>) semaphore(%dma_start3A_61 : memref<!tpu.dma_semaphore, #tpu.memory_space<semaphore_mem>>)
    %dma_start3A_62 = arith.constant 1 : i32
    %dma_start3A_63 = arith.constant 4 : i32
    %dma_start3A_64 = arith.constant 4 : i32
    %dma_start3A_65 = arith.constant 0 : i32
    %dma_start3A_66 = arith.constant 0 : i32
    %dma_start3A_67 = tpu.memref_slice %arg13[%dma_start3A_63, %dma_start3A_65, %dma_start3A_66] : memref<6x128x128xi32, #tpu.memory_space<vmem>> -> memref<1x128x128xi32, #tpu.memory_space<vmem>>
    %dma_start3A_68 = tpu.memref_squeeze %dma_start3A_67 : memref<1x128x128xi32, #tpu.memory_space<vmem>> -> memref<128x128xi32, #tpu.memory_space<vmem>>
    %dma_start3A_69 = arith.constant 0 : i32
    %dma_start3A_70 = tpu.memref_slice %arg11[%dma_start3A_62, %dma_start3A_69] : memref<4x128xi32, #tpu.memory_space<vmem>> -> memref<1x128xi32, #tpu.memory_space<vmem>>
    %dma_start3A_71 = tpu.memref_squeeze %dma_start3A_70 : memref<1x128xi32, #tpu.memory_space<vmem>> -> memref<128xi32, #tpu.memory_space<vmem>>
    %dma_start3A_72 = arith.constant 0 : i32
    %dma_start3A_73 = arith.constant 0 : i32
    %dma_start3A_74 = tpu.memref_slice %arg5[%dma_start3A_72, %dma_start3A_73] : memref<250000x128xi32, #tpu.memory_space<hbm>> -> memref<250000x128xi32, #tpu.memory_space<hbm>>
    %dma_start3A_75 = tpu.memref_slice %arg14[%dma_start3A_64] : memref<6x!tpu.dma_semaphore, #tpu.memory_space<semaphore_mem>> -> memref<1x!tpu.dma_semaphore, #tpu.memory_space<semaphore_mem>>
    %dma_start3A_76 = tpu.memref_squeeze %dma_start3A_75 : memref<1x!tpu.dma_semaphore, #tpu.memory_space<semaphore_mem>> -> memref<!tpu.dma_semaphore, #tpu.memory_space<semaphore_mem>>
    tpu.enqueue_indirect_dma source(%dma_start3A_74 : memref<250000x128xi32, #tpu.memory_space<hbm>>) target(%dma_start3A_68 : memref<128x128xi32, #tpu.memory_space<vmem>>) offsets(%dma_start3A_71 : memref<128xi32, #tpu.memory_space<vmem>>) semaphore(%dma_start3A_76 : memref<!tpu.dma_semaphore, #tpu.memory_space<semaphore_mem>>)
    %dma_start3A_77 = arith.constant 1 : i32
    %dma_start3A_78 = arith.constant 5 : i32
    %dma_start3A_79 = arith.constant 5 : i32
    %dma_start3A_80 = arith.constant 0 : i32
    %dma_start3A_81 = arith.constant 0 : i32
    %dma_start3A_82 = tpu.memref_slice %arg13[%dma_start3A_78, %dma_start3A_80, %dma_start3A_81] : memref<6x128x128xi32, #tpu.memory_space<vmem>> -> memref<1x128x128xi32, #tpu.memory_space<vmem>>
    %dma_start3A_83 = tpu.memref_squeeze %dma_start3A_82 : memref<1x128x128xi32, #tpu.memory_space<vmem>> -> memref<128x128xi32, #tpu.memory_space<vmem>>
    %dma_start3A_84 = arith.constant 0 : i32
    %dma_start3A_85 = tpu.memref_slice %arg12[%dma_start3A_77, %dma_start3A_84] : memref<4x128xi32, #tpu.memory_space<vmem>> -> memref<1x128xi32, #tpu.memory_space<vmem>>
    %dma_start3A_86 = tpu.memref_squeeze %dma_start3A_85 : memref<1x128xi32, #tpu.memory_space<vmem>> -> memref<128xi32, #tpu.memory_space<vmem>>
    %dma_start3A_87 = arith.constant 0 : i32
    %dma_start3A_88 = arith.constant 0 : i32
    %dma_start3A_89 = tpu.memref_slice %arg6[%dma_start3A_87, %dma_start3A_88] : memref<250000x128xi32, #tpu.memory_space<hbm>> -> memref<250000x128xi32, #tpu.memory_space<hbm>>
    %dma_start3A_90 = tpu.memref_slice %arg14[%dma_start3A_79] : memref<6x!tpu.dma_semaphore, #tpu.memory_space<semaphore_mem>> -> memref<1x!tpu.dma_semaphore, #tpu.memory_space<semaphore_mem>>
    %dma_start3A_91 = tpu.memref_squeeze %dma_start3A_90 : memref<1x!tpu.dma_semaphore, #tpu.memory_space<semaphore_mem>> -> memref<!tpu.dma_semaphore, #tpu.memory_space<semaphore_mem>>
    tpu.enqueue_indirect_dma source(%dma_start3A_89 : memref<250000x128xi32, #tpu.memory_space<hbm>>) target(%dma_start3A_83 : memref<128x128xi32, #tpu.memory_space<vmem>>) offsets(%dma_start3A_86 : memref<128xi32, #tpu.memory_space<vmem>>) semaphore(%dma_start3A_91 : memref<!tpu.dma_semaphore, #tpu.memory_space<semaphore_mem>>)
    %dma_wait3A = arith.constant 0 : i32
    %dma_wait3A_92 = arith.constant 0 : i32
    %dma_wait3A_93 = arith.constant 0 : i32
    %dma_wait3A_94 = arith.constant 0 : i32
    %dma_wait3A_95 = arith.constant 0 : i32
    %dma_wait3A_96 = tpu.memref_slice %arg13[%dma_wait3A_92, %dma_wait3A_94, %dma_wait3A_95] : memref<6x128x128xi32, #tpu.memory_space<vmem>> -> memref<1x128x128xi32, #tpu.memory_space<vmem>>
    %dma_wait3A_97 = tpu.memref_squeeze %dma_wait3A_96 : memref<1x128x128xi32, #tpu.memory_space<vmem>> -> memref<128x128xi32, #tpu.memory_space<vmem>>
    %dma_wait3A_98 = arith.constant 0 : i32
    %dma_wait3A_99 = tpu.memref_slice %arg11[%dma_wait3A, %dma_wait3A_98] : memref<4x128xi32, #tpu.memory_space<vmem>> -> memref<1x128xi32, #tpu.memory_space<vmem>>
    %dma_wait3A_100 = tpu.memref_squeeze %dma_wait3A_99 : memref<1x128xi32, #tpu.memory_space<vmem>> -> memref<128xi32, #tpu.memory_space<vmem>>
    %dma_wait3A_101 = arith.constant 0 : i32
    %dma_wait3A_102 = arith.constant 0 : i32
    %dma_wait3A_103 = tpu.memref_slice %arg5[%dma_wait3A_101, %dma_wait3A_102] : memref<250000x128xi32, #tpu.memory_space<hbm>> -> memref<250000x128xi32, #tpu.memory_space<hbm>>
    %dma_wait3A_104 = tpu.memref_slice %arg14[%dma_wait3A_93] : memref<6x!tpu.dma_semaphore, #tpu.memory_space<semaphore_mem>> -> memref<1x!tpu.dma_semaphore, #tpu.memory_space<semaphore_mem>>
    %dma_wait3A_105 = tpu.memref_squeeze %dma_wait3A_104 : memref<1x!tpu.dma_semaphore, #tpu.memory_space<semaphore_mem>> -> memref<!tpu.dma_semaphore, #tpu.memory_space<semaphore_mem>>
    tpu.wait_indirect_dma semaphore(%dma_wait3A_105 : memref<!tpu.dma_semaphore, #tpu.memory_space<semaphore_mem>>) src(%dma_wait3A_103 : memref<250000x128xi32, #tpu.memory_space<hbm>>) dst(%dma_wait3A_97 : memref<128x128xi32, #tpu.memory_space<vmem>>)
    %add3A_106 = arith.constant 0 : i32
    %add3A_107 = arith.addi %mul3A_2, %add3A_106 : i32
    %dma_start3A_108 = arith.constant 0 : i32
    %dma_start3A_109 = arith.constant 0 : i32
    %dma_start3A_110 = arith.constant 0 : i32
    %dma_start3A_111 = arith.constant 0 : i32
    %dma_start3A_112 = tpu.memref_slice %arg13[%dma_start3A_108, %dma_start3A_110, %dma_start3A_111] : memref<6x128x128xi32, #tpu.memory_space<vmem>> -> memref<1x128x128xi32, #tpu.memory_space<vmem>>
    %dma_start3A_113 = tpu.memref_squeeze %dma_start3A_112 : memref<1x128x128xi32, #tpu.memory_space<vmem>> -> memref<128x128xi32, #tpu.memory_space<vmem>>
    %dma_start3A_114 = arith.constant 0 : i32
    %dma_start3A_115 = tpu.memref_slice %arg7[%add3A_107, %dma_start3A_114] : memref<16384x128xi32, #tpu.memory_space<hbm>> -> memref<128x128xi32, #tpu.memory_space<hbm>>
    %dma_start3A_116 = tpu.memref_slice %arg15[%dma_start3A_109] : memref<6x!tpu.dma_semaphore, #tpu.memory_space<semaphore_mem>> -> memref<1x!tpu.dma_semaphore, #tpu.memory_space<semaphore_mem>>
    %dma_start3A_117 = tpu.memref_squeeze %dma_start3A_116 : memref<1x!tpu.dma_semaphore, #tpu.memory_space<semaphore_mem>> -> memref<!tpu.dma_semaphore, #tpu.memory_space<semaphore_mem>>
    %dma_start3A_118 = arith.constant 0 : i32
    %dma_start3A_119 = tpu.memref_slice %arg7[%add3A_107, %dma_start3A_118] : memref<16384x128xi32, #tpu.memory_space<hbm>> -> memref<128x128xi32, #tpu.memory_space<hbm>>
    %dma_start3A_120 = arith.constant 0 : i32
    %dma_start3A_121 = arith.constant 0 : i32
    %dma_start3A_122 = tpu.memref_slice %arg13[%dma_start3A_108, %dma_start3A_120, %dma_start3A_121] : memref<6x128x128xi32, #tpu.memory_space<vmem>> -> memref<1x128x128xi32, #tpu.memory_space<vmem>>
    %dma_start3A_123 = tpu.memref_squeeze %dma_start3A_122 : memref<1x128x128xi32, #tpu.memory_space<vmem>> -> memref<128x128xi32, #tpu.memory_space<vmem>>
    tpu.enqueue_dma source(%dma_start3A_123 : memref<128x128xi32, #tpu.memory_space<vmem>>) target(%dma_start3A_119 : memref<128x128xi32, #tpu.memory_space<hbm>>) target_semaphore(%dma_start3A_117 : memref<!tpu.dma_semaphore, #tpu.memory_space<semaphore_mem>>)
    %dma_wait3A_124 = arith.constant 0 : i32
    %dma_wait3A_125 = arith.constant 0 : i32
    %dma_wait3A_126 = arith.constant 0 : i32
    %dma_wait3A_127 = arith.constant 0 : i32
    %dma_wait3A_128 = tpu.memref_slice %arg13[%dma_wait3A_124, %dma_wait3A_126, %dma_wait3A_127] : memref<6x128x128xi32, #tpu.memory_space<vmem>> -> memref<1x128x128xi32, #tpu.memory_space<vmem>>
    %dma_wait3A_129 = tpu.memref_squeeze %dma_wait3A_128 : memref<1x128x128xi32, #tpu.memory_space<vmem>> -> memref<128x128xi32, #tpu.memory_space<vmem>>
    %dma_wait3A_130 = arith.constant 0 : i32
    %dma_wait3A_131 = tpu.memref_slice %arg7[%add3A_107, %dma_wait3A_130] : memref<16384x128xi32, #tpu.memory_space<hbm>> -> memref<128x128xi32, #tpu.memory_space<hbm>>
    %dma_wait3A_132 = tpu.memref_slice %arg15[%dma_wait3A_125] : memref<6x!tpu.dma_semaphore, #tpu.memory_space<semaphore_mem>> -> memref<1x!tpu.dma_semaphore, #tpu.memory_space<semaphore_mem>>
    %dma_wait3A_133 = tpu.memref_squeeze %dma_wait3A_132 : memref<1x!tpu.dma_semaphore, #tpu.memory_space<semaphore_mem>> -> memref<!tpu.dma_semaphore, #tpu.memory_space<semaphore_mem>>
    %dma_wait3A_134 = arith.constant 0 : i32
    %dma_wait3A_135 = tpu.memref_slice %arg7[%add3A_107, %dma_wait3A_134] : memref<16384x128xi32, #tpu.memory_space<hbm>> -> memref<128x128xi32, #tpu.memory_space<hbm>>
    %dma_wait3A_136 = arith.constant 0 : i32
    %dma_wait3A_137 = arith.constant 0 : i32
    %dma_wait3A_138 = tpu.memref_slice %arg13[%dma_wait3A_124, %dma_wait3A_136, %dma_wait3A_137] : memref<6x128x128xi32, #tpu.memory_space<vmem>> -> memref<1x128x128xi32, #tpu.memory_space<vmem>>
    %dma_wait3A_139 = tpu.memref_squeeze %dma_wait3A_138 : memref<1x128x128xi32, #tpu.memory_space<vmem>> -> memref<128x128xi32, #tpu.memory_space<vmem>>
    tpu.wait_dma2 semaphore(%dma_wait3A_133 : memref<!tpu.dma_semaphore, #tpu.memory_space<semaphore_mem>>) src(%dma_wait3A_139 : memref<128x128xi32, #tpu.memory_space<vmem>>) dst(%dma_wait3A_135 : memref<128x128xi32, #tpu.memory_space<hbm>>)
    %dma_start3A_140 = arith.constant 1 : i32
    %dma_start3A_141 = arith.constant 0 : i32
    %dma_start3A_142 = arith.constant 0 : i32
    %dma_start3A_143 = arith.constant 0 : i32
    %dma_start3A_144 = arith.constant 0 : i32
    %dma_start3A_145 = tpu.memref_slice %arg13[%dma_start3A_141, %dma_start3A_143, %dma_start3A_144] : memref<6x128x128xi32, #tpu.memory_space<vmem>> -> memref<1x128x128xi32, #tpu.memory_space<vmem>>
    %dma_start3A_146 = tpu.memref_squeeze %dma_start3A_145 : memref<1x128x128xi32, #tpu.memory_space<vmem>> -> memref<128x128xi32, #tpu.memory_space<vmem>>
    %dma_start3A_147 = arith.constant 0 : i32
    %dma_start3A_148 = tpu.memref_slice %arg11[%dma_start3A_140, %dma_start3A_147] : memref<4x128xi32, #tpu.memory_space<vmem>> -> memref<1x128xi32, #tpu.memory_space<vmem>>
    %dma_start3A_149 = tpu.memref_squeeze %dma_start3A_148 : memref<1x128xi32, #tpu.memory_space<vmem>> -> memref<128xi32, #tpu.memory_space<vmem>>
    %dma_start3A_150 = arith.constant 0 : i32
    %dma_start3A_151 = arith.constant 0 : i32
    %dma_start3A_152 = tpu.memref_slice %arg4[%dma_start3A_150, %dma_start3A_151] : memref<250000x128xi32, #tpu.memory_space<hbm>> -> memref<250000x128xi32, #tpu.memory_space<hbm>>
    %dma_start3A_153 = tpu.memref_slice %arg14[%dma_start3A_142] : memref<6x!tpu.dma_semaphore, #tpu.memory_space<semaphore_mem>> -> memref<1x!tpu.dma_semaphore, #tpu.memory_space<semaphore_mem>>
    %dma_start3A_154 = tpu.memref_squeeze %dma_start3A_153 : memref<1x!tpu.dma_semaphore, #tpu.memory_space<semaphore_mem>> -> memref<!tpu.dma_semaphore, #tpu.memory_space<semaphore_mem>>
    tpu.enqueue_indirect_dma source(%dma_start3A_152 : memref<250000x128xi32, #tpu.memory_space<hbm>>) target(%dma_start3A_146 : memref<128x128xi32, #tpu.memory_space<vmem>>) offsets(%dma_start3A_149 : memref<128xi32, #tpu.memory_space<vmem>>) semaphore(%dma_start3A_154 : memref<!tpu.dma_semaphore, #tpu.memory_space<semaphore_mem>>)
    %dma_wait3A_155 = arith.constant 0 : i32
    %dma_wait3A_156 = arith.constant 1 : i32
    %dma_wait3A_157 = arith.constant 1 : i32
    %dma_wait3A_158 = arith.constant 0 : i32
    %dma_wait3A_159 = arith.constant 0 : i32
    %dma_wait3A_160 = tpu.memref_slice %arg13[%dma_wait3A_156, %dma_wait3A_158, %dma_wait3A_159] : memref<6x128x128xi32, #tpu.memory_space<vmem>> -> memref<1x128x128xi32, #tpu.memory_space<vmem>>
    %dma_wait3A_161 = tpu.memref_squeeze %dma_wait3A_160 : memref<1x128x128xi32, #tpu.memory_space<vmem>> -> memref<128x128xi32, #tpu.memory_space<vmem>>
    %dma_wait3A_162 = arith.constant 0 : i32
    %dma_wait3A_163 = tpu.memref_slice %arg12[%dma_wait3A_155, %dma_wait3A_162] : memref<4x128xi32, #tpu.memory_space<vmem>> -> memref<1x128xi32, #tpu.memory_space<vmem>>
    %dma_wait3A_164 = tpu.memref_squeeze %dma_wait3A_163 : memref<1x128xi32, #tpu.memory_space<vmem>> -> memref<128xi32, #tpu.memory_space<vmem>>
    %dma_wait3A_165 = arith.constant 0 : i32
    %dma_wait3A_166 = arith.constant 0 : i32
    %dma_wait3A_167 = tpu.memref_slice %arg6[%dma_wait3A_165, %dma_wait3A_166] : memref<250000x128xi32, #tpu.memory_space<hbm>> -> memref<250000x128xi32, #tpu.memory_space<hbm>>
    %dma_wait3A_168 = tpu.memref_slice %arg14[%dma_wait3A_157] : memref<6x!tpu.dma_semaphore, #tpu.memory_space<semaphore_mem>> -> memref<1x!tpu.dma_semaphore, #tpu.memory_space<semaphore_mem>>
    %dma_wait3A_169 = tpu.memref_squeeze %dma_wait3A_168 : memref<1x!tpu.dma_semaphore, #tpu.memory_space<semaphore_mem>> -> memref<!tpu.dma_semaphore, #tpu.memory_space<semaphore_mem>>
    tpu.wait_indirect_dma semaphore(%dma_wait3A_169 : memref<!tpu.dma_semaphore, #tpu.memory_space<semaphore_mem>>) src(%dma_wait3A_167 : memref<250000x128xi32, #tpu.memory_space<hbm>>) dst(%dma_wait3A_161 : memref<128x128xi32, #tpu.memory_space<vmem>>)
    %add3A_170 = arith.constant 0 : i32
    %add3A_171 = arith.addi %mul3A_2, %add3A_170 : i32
    %dma_start3A_172 = arith.constant 1 : i32
    %dma_start3A_173 = arith.constant 1 : i32
    %dma_start3A_174 = arith.constant 0 : i32
    %dma_start3A_175 = arith.constant 0 : i32
    %dma_start3A_176 = tpu.memref_slice %arg13[%dma_start3A_172, %dma_start3A_174, %dma_start3A_175] : memref<6x128x128xi32, #tpu.memory_space<vmem>> -> memref<1x128x128xi32, #tpu.memory_space<vmem>>
    %dma_start3A_177 = tpu.memref_squeeze %dma_start3A_176 : memref<1x128x128xi32, #tpu.memory_space<vmem>> -> memref<128x128xi32, #tpu.memory_space<vmem>>
    %dma_start3A_178 = arith.constant 0 : i32
    %dma_start3A_179 = tpu.memref_slice %arg8[%add3A_171, %dma_start3A_178] : memref<16384x128xi32, #tpu.memory_space<hbm>> -> memref<128x128xi32, #tpu.memory_space<hbm>>
    %dma_start3A_180 = tpu.memref_slice %arg15[%dma_start3A_173] : memref<6x!tpu.dma_semaphore, #tpu.memory_space<semaphore_mem>> -> memref<1x!tpu.dma_semaphore, #tpu.memory_space<semaphore_mem>>
    %dma_start3A_181 = tpu.memref_squeeze %dma_start3A_180 : memref<1x!tpu.dma_semaphore, #tpu.memory_space<semaphore_mem>> -> memref<!tpu.dma_semaphore, #tpu.memory_space<semaphore_mem>>
    %dma_start3A_182 = arith.constant 0 : i32
    %dma_start3A_183 = tpu.memref_slice %arg8[%add3A_171, %dma_start3A_182] : memref<16384x128xi32, #tpu.memory_space<hbm>> -> memref<128x128xi32, #tpu.memory_space<hbm>>
    %dma_start3A_184 = arith.constant 0 : i32
    %dma_start3A_185 = arith.constant 0 : i32
    %dma_start3A_186 = tpu.memref_slice %arg13[%dma_start3A_172, %dma_start3A_184, %dma_start3A_185] : memref<6x128x128xi32, #tpu.memory_space<vmem>> -> memref<1x128x128xi32, #tpu.memory_space<vmem>>
    %dma_start3A_187 = tpu.memref_squeeze %dma_start3A_186 : memref<1x128x128xi32, #tpu.memory_space<vmem>> -> memref<128x128xi32, #tpu.memory_space<vmem>>
    tpu.enqueue_dma source(%dma_start3A_187 : memref<128x128xi32, #tpu.memory_space<vmem>>) target(%dma_start3A_183 : memref<128x128xi32, #tpu.memory_space<hbm>>) target_semaphore(%dma_start3A_181 : memref<!tpu.dma_semaphore, #tpu.memory_space<semaphore_mem>>)
    %dma_wait3A_188 = arith.constant 1 : i32
    %dma_wait3A_189 = arith.constant 1 : i32
    %dma_wait3A_190 = arith.constant 0 : i32
    %dma_wait3A_191 = arith.constant 0 : i32
    %dma_wait3A_192 = tpu.memref_slice %arg13[%dma_wait3A_188, %dma_wait3A_190, %dma_wait3A_191] : memref<6x128x128xi32, #tpu.memory_space<vmem>> -> memref<1x128x128xi32, #tpu.memory_space<vmem>>
    %dma_wait3A_193 = tpu.memref_squeeze %dma_wait3A_192 : memref<1x128x128xi32, #tpu.memory_space<vmem>> -> memref<128x128xi32, #tpu.memory_space<vmem>>
    %dma_wait3A_194 = arith.constant 0 : i32
    %dma_wait3A_195 = tpu.memref_slice %arg8[%add3A_171, %dma_wait3A_194] : memref<16384x128xi32, #tpu.memory_space<hbm>> -> memref<128x128xi32, #tpu.memory_space<hbm>>
    %dma_wait3A_196 = tpu.memref_slice %arg15[%dma_wait3A_189] : memref<6x!tpu.dma_semaphore, #tpu.memory_space<semaphore_mem>> -> memref<1x!tpu.dma_semaphore, #tpu.memory_space<semaphore_mem>>
    %dma_wait3A_197 = tpu.memref_squeeze %dma_wait3A_196 : memref<1x!tpu.dma_semaphore, #tpu.memory_space<semaphore_mem>> -> memref<!tpu.dma_semaphore, #tpu.memory_space<semaphore_mem>>
    %dma_wait3A_198 = arith.constant 0 : i32
    %dma_wait3A_199 = tpu.memref_slice %arg8[%add3A_171, %dma_wait3A_198] : memref<16384x128xi32, #tpu.memory_space<hbm>> -> memref<128x128xi32, #tpu.memory_space<hbm>>
    %dma_wait3A_200 = arith.constant 0 : i32
    %dma_wait3A_201 = arith.constant 0 : i32
    %dma_wait3A_202 = tpu.memref_slice %arg13[%dma_wait3A_188, %dma_wait3A_200, %dma_wait3A_201] : memref<6x128x128xi32, #tpu.memory_space<vmem>> -> memref<1x128x128xi32, #tpu.memory_space<vmem>>
    %dma_wait3A_203 = tpu.memref_squeeze %dma_wait3A_202 : memref<1x128x128xi32, #tpu.memory_space<vmem>> -> memref<128x128xi32, #tpu.memory_space<vmem>>
    tpu.wait_dma2 semaphore(%dma_wait3A_197 : memref<!tpu.dma_semaphore, #tpu.memory_space<semaphore_mem>>) src(%dma_wait3A_203 : memref<128x128xi32, #tpu.memory_space<vmem>>) dst(%dma_wait3A_199 : memref<128x128xi32, #tpu.memory_space<hbm>>)
    %dma_start3A_204 = arith.constant 1 : i32
    %dma_start3A_205 = arith.constant 1 : i32
    %dma_start3A_206 = arith.constant 1 : i32
    %dma_start3A_207 = arith.constant 0 : i32
    %dma_start3A_208 = arith.constant 0 : i32
    %dma_start3A_209 = tpu.memref_slice %arg13[%dma_start3A_205, %dma_start3A_207, %dma_start3A_208] : memref<6x128x128xi32, #tpu.memory_space<vmem>> -> memref<1x128x128xi32, #tpu.memory_space<vmem>>
    %dma_start3A_210 = tpu.memref_squeeze %dma_start3A_209 : memref<1x128x128xi32, #tpu.memory_space<vmem>> -> memref<128x128xi32, #tpu.memory_space<vmem>>
    %dma_start3A_211 = arith.constant 0 : i32
    %dma_start3A_212 = tpu.memref_slice %arg12[%dma_start3A_204, %dma_start3A_211] : memref<4x128xi32, #tpu.memory_space<vmem>> -> memref<1x128xi32, #tpu.memory_space<vmem>>
    %dma_start3A_213 = tpu.memref_squeeze %dma_start3A_212 : memref<1x128xi32, #tpu.memory_space<vmem>> -> memref<128xi32, #tpu.memory_space<vmem>>
    %dma_start3A_214 = arith.constant 0 : i32
    %dma_start3A_215 = arith.constant 0 : i32
    %dma_start3A_216 = tpu.memref_slice %arg4[%dma_start3A_214, %dma_start3A_215] : memref<250000x128xi32, #tpu.memory_space<hbm>> -> memref<250000x128xi32, #tpu.memory_space<hbm>>
    %dma_start3A_217 = tpu.memref_slice %arg14[%dma_start3A_206] : memref<6x!tpu.dma_semaphore, #tpu.memory_space<semaphore_mem>> -> memref<1x!tpu.dma_semaphore, #tpu.memory_space<semaphore_mem>>
    %dma_start3A_218 = tpu.memref_squeeze %dma_start3A_217 : memref<1x!tpu.dma_semaphore, #tpu.memory_space<semaphore_mem>> -> memref<!tpu.dma_semaphore, #tpu.memory_space<semaphore_mem>>
    tpu.enqueue_indirect_dma source(%dma_start3A_216 : memref<250000x128xi32, #tpu.memory_space<hbm>>) target(%dma_start3A_210 : memref<128x128xi32, #tpu.memory_space<vmem>>) offsets(%dma_start3A_213 : memref<128xi32, #tpu.memory_space<vmem>>) semaphore(%dma_start3A_218 : memref<!tpu.dma_semaphore, #tpu.memory_space<semaphore_mem>>)
    %dma_wait3A_219 = arith.constant 0 : i32
    %dma_wait3A_220 = arith.constant 2 : i32
    %dma_wait3A_221 = arith.constant 2 : i32
    %dma_wait3A_222 = arith.constant 0 : i32
    %dma_wait3A_223 = arith.constant 0 : i32
    %dma_wait3A_224 = tpu.memref_slice %arg13[%dma_wait3A_220, %dma_wait3A_222, %dma_wait3A_223] : memref<6x128x128xi32, #tpu.memory_space<vmem>> -> memref<1x128x128xi32, #tpu.memory_space<vmem>>
    %dma_wait3A_225 = tpu.memref_squeeze %dma_wait3A_224 : memref<1x128x128xi32, #tpu.memory_space<vmem>> -> memref<128x128xi32, #tpu.memory_space<vmem>>
    %dma_wait3A_226 = arith.constant 0 : i32
    %dma_wait3A_227 = tpu.memref_slice %arg11[%dma_wait3A_219, %dma_wait3A_226] : memref<4x128xi32, #tpu.memory_space<vmem>> -> memref<1x128xi32, #tpu.memory_space<vmem>>
    %dma_wait3A_228 = tpu.memref_squeeze %dma_wait3A_227 : memref<1x128xi32, #tpu.memory_space<vmem>> -> memref<128xi32, #tpu.memory_space<vmem>>
    %dma_wait3A_229 = arith.constant 0 : i32
    %dma_wait3A_230 = arith.constant 0 : i32
    %dma_wait3A_231 = tpu.memref_slice %arg4[%dma_wait3A_229, %dma_wait3A_230] : memref<250000x128xi32, #tpu.memory_space<hbm>> -> memref<250000x128xi32, #tpu.memory_space<hbm>>
    %dma_wait3A_232 = tpu.memref_slice %arg14[%dma_wait3A_221] : memref<6x!tpu.dma_semaphore, #tpu.memory_space<semaphore_mem>> -> memref<1x!tpu.dma_semaphore, #tpu.memory_space<semaphore_mem>>
    %dma_wait3A_233 = tpu.memref_squeeze %dma_wait3A_232 : memref<1x!tpu.dma_semaphore, #tpu.memory_space<semaphore_mem>> -> memref<!tpu.dma_semaphore, #tpu.memory_space<semaphore_mem>>
    tpu.wait_indirect_dma semaphore(%dma_wait3A_233 : memref<!tpu.dma_semaphore, #tpu.memory_space<semaphore_mem>>) src(%dma_wait3A_231 : memref<250000x128xi32, #tpu.memory_space<hbm>>) dst(%dma_wait3A_225 : memref<128x128xi32, #tpu.memory_space<vmem>>)
    %add3A_234 = arith.constant 0 : i32
    %add3A_235 = arith.addi %mul3A_2, %add3A_234 : i32
    %dma_start3A_236 = arith.constant 2 : i32
    %dma_start3A_237 = arith.constant 2 : i32
    %dma_start3A_238 = arith.constant 0 : i32
    %dma_start3A_239 = arith.constant 0 : i32
    %dma_start3A_240 = tpu.memref_slice %arg13[%dma_start3A_236, %dma_start3A_238, %dma_start3A_239] : memref<6x128x128xi32, #tpu.memory_space<vmem>> -> memref<1x128x128xi32, #tpu.memory_space<vmem>>
    %dma_start3A_241 = tpu.memref_squeeze %dma_start3A_240 : memref<1x128x128xi32, #tpu.memory_space<vmem>> -> memref<128x128xi32, #tpu.memory_space<vmem>>
    %dma_start3A_242 = arith.constant 0 : i32
    %dma_start3A_243 = tpu.memref_slice %arg9[%add3A_235, %dma_start3A_242] : memref<16384x128xi32, #tpu.memory_space<hbm>> -> memref<128x128xi32, #tpu.memory_space<hbm>>
    %dma_start3A_244 = tpu.memref_slice %arg15[%dma_start3A_237] : memref<6x!tpu.dma_semaphore, #tpu.memory_space<semaphore_mem>> -> memref<1x!tpu.dma_semaphore, #tpu.memory_space<semaphore_mem>>
    %dma_start3A_245 = tpu.memref_squeeze %dma_start3A_244 : memref<1x!tpu.dma_semaphore, #tpu.memory_space<semaphore_mem>> -> memref<!tpu.dma_semaphore, #tpu.memory_space<semaphore_mem>>
    %dma_start3A_246 = arith.constant 0 : i32
    %dma_start3A_247 = tpu.memref_slice %arg9[%add3A_235, %dma_start3A_246] : memref<16384x128xi32, #tpu.memory_space<hbm>> -> memref<128x128xi32, #tpu.memory_space<hbm>>
    %dma_start3A_248 = arith.constant 0 : i32
    %dma_start3A_249 = arith.constant 0 : i32
    %dma_start3A_250 = tpu.memref_slice %arg13[%dma_start3A_236, %dma_start3A_248, %dma_start3A_249] : memref<6x128x128xi32, #tpu.memory_space<vmem>> -> memref<1x128x128xi32, #tpu.memory_space<vmem>>
    %dma_start3A_251 = tpu.memref_squeeze %dma_start3A_250 : memref<1x128x128xi32, #tpu.memory_space<vmem>> -> memref<128x128xi32, #tpu.memory_space<vmem>>
    tpu.enqueue_dma source(%dma_start3A_251 : memref<128x128xi32, #tpu.memory_space<vmem>>) target(%dma_start3A_247 : memref<128x128xi32, #tpu.memory_space<hbm>>) target_semaphore(%dma_start3A_245 : memref<!tpu.dma_semaphore, #tpu.memory_space<semaphore_mem>>)
    %dma_wait3A_252 = arith.constant 2 : i32
    %dma_wait3A_253 = arith.constant 2 : i32
    %dma_wait3A_254 = arith.constant 0 : i32
    %dma_wait3A_255 = arith.constant 0 : i32
    %dma_wait3A_256 = tpu.memref_slice %arg13[%dma_wait3A_252, %dma_wait3A_254, %dma_wait3A_255] : memref<6x128x128xi32, #tpu.memory_space<vmem>> -> memref<1x128x128xi32, #tpu.memory_space<vmem>>
    %dma_wait3A_257 = tpu.memref_squeeze %dma_wait3A_256 : memref<1x128x128xi32, #tpu.memory_space<vmem>> -> memref<128x128xi32, #tpu.memory_space<vmem>>
    %dma_wait3A_258 = arith.constant 0 : i32
    %dma_wait3A_259 = tpu.memref_slice %arg9[%add3A_235, %dma_wait3A_258] : memref<16384x128xi32, #tpu.memory_space<hbm>> -> memref<128x128xi32, #tpu.memory_space<hbm>>
    %dma_wait3A_260 = tpu.memref_slice %arg15[%dma_wait3A_253] : memref<6x!tpu.dma_semaphore, #tpu.memory_space<semaphore_mem>> -> memref<1x!tpu.dma_semaphore, #tpu.memory_space<semaphore_mem>>
    %dma_wait3A_261 = tpu.memref_squeeze %dma_wait3A_260 : memref<1x!tpu.dma_semaphore, #tpu.memory_space<semaphore_mem>> -> memref<!tpu.dma_semaphore, #tpu.memory_space<semaphore_mem>>
    %dma_wait3A_262 = arith.constant 0 : i32
    %dma_wait3A_263 = tpu.memref_slice %arg9[%add3A_235, %dma_wait3A_262] : memref<16384x128xi32, #tpu.memory_space<hbm>> -> memref<128x128xi32, #tpu.memory_space<hbm>>
    %dma_wait3A_264 = arith.constant 0 : i32
    %dma_wait3A_265 = arith.constant 0 : i32
    %dma_wait3A_266 = tpu.memref_slice %arg13[%dma_wait3A_252, %dma_wait3A_264, %dma_wait3A_265] : memref<6x128x128xi32, #tpu.memory_space<vmem>> -> memref<1x128x128xi32, #tpu.memory_space<vmem>>
    %dma_wait3A_267 = tpu.memref_squeeze %dma_wait3A_266 : memref<1x128x128xi32, #tpu.memory_space<vmem>> -> memref<128x128xi32, #tpu.memory_space<vmem>>
    tpu.wait_dma2 semaphore(%dma_wait3A_261 : memref<!tpu.dma_semaphore, #tpu.memory_space<semaphore_mem>>) src(%dma_wait3A_267 : memref<128x128xi32, #tpu.memory_space<vmem>>) dst(%dma_wait3A_263 : memref<128x128xi32, #tpu.memory_space<hbm>>)
    %dma_start3A_268 = arith.constant 2 : i32
    %dma_start3A_269 = arith.constant 2 : i32
    %dma_start3A_270 = arith.constant 2 : i32
    %dma_start3A_271 = arith.constant 0 : i32
    %dma_start3A_272 = arith.constant 0 : i32
    %dma_start3A_273 = tpu.memref_slice %arg13[%dma_start3A_269, %dma_start3A_271, %dma_start3A_272] : memref<6x128x128xi32, #tpu.memory_space<vmem>> -> memref<1x128x128xi32, #tpu.memory_space<vmem>>
    %dma_start3A_274 = tpu.memref_squeeze %dma_start3A_273 : memref<1x128x128xi32, #tpu.memory_space<vmem>> -> memref<128x128xi32, #tpu.memory_space<vmem>>
    %dma_start3A_275 = arith.constant 0 : i32
    %dma_start3A_276 = tpu.memref_slice %arg11[%dma_start3A_268, %dma_start3A_275] : memref<4x128xi32, #tpu.memory_space<vmem>> -> memref<1x128xi32, #tpu.memory_space<vmem>>
    %dma_start3A_277 = tpu.memref_squeeze %dma_start3A_276 : memref<1x128xi32, #tpu.memory_space<vmem>> -> memref<128xi32, #tpu.memory_space<vmem>>
    %dma_start3A_278 = arith.constant 0 : i32
    %dma_start3A_279 = arith.constant 0 : i32
    %dma_start3A_280 = tpu.memref_slice %arg5[%dma_start3A_278, %dma_start3A_279] : memref<250000x128xi32, #tpu.memory_space<hbm>> -> memref<250000x128xi32, #tpu.memory_space<hbm>>
    %dma_start3A_281 = tpu.memref_slice %arg14[%dma_start3A_270] : memref<6x!tpu.dma_semaphore, #tpu.memory_space<semaphore_mem>> -> memref<1x!tpu.dma_semaphore, #tpu.memory_space<semaphore_mem>>
    %dma_start3A_282 = tpu.memref_squeeze %dma_start3A_281 : memref<1x!tpu.dma_semaphore, #tpu.memory_space<semaphore_mem>> -> memref<!tpu.dma_semaphore, #tpu.memory_space<semaphore_mem>>
    tpu.enqueue_indirect_dma source(%dma_start3A_280 : memref<250000x128xi32, #tpu.memory_space<hbm>>) target(%dma_start3A_274 : memref<128x128xi32, #tpu.memory_space<vmem>>) offsets(%dma_start3A_277 : memref<128xi32, #tpu.memory_space<vmem>>) semaphore(%dma_start3A_282 : memref<!tpu.dma_semaphore, #tpu.memory_space<semaphore_mem>>)
    %dma_wait3A_283 = arith.constant 0 : i32
    %dma_wait3A_284 = arith.constant 3 : i32
    %dma_wait3A_285 = arith.constant 3 : i32
    %dma_wait3A_286 = arith.constant 0 : i32
    %dma_wait3A_287 = arith.constant 0 : i32
    %dma_wait3A_288 = tpu.memref_slice %arg13[%dma_wait3A_284, %dma_wait3A_286, %dma_wait3A_287] : memref<6x128x128xi32, #tpu.memory_space<vmem>> -> memref<1x128x128xi32, #tpu.memory_space<vmem>>
    %dma_wait3A_289 = tpu.memref_squeeze %dma_wait3A_288 : memref<1x128x128xi32, #tpu.memory_space<vmem>> -> memref<128x128xi32, #tpu.memory_space<vmem>>
    %dma_wait3A_290 = arith.constant 0 : i32
    %dma_wait3A_291 = tpu.memref_slice %arg12[%dma_wait3A_283, %dma_wait3A_290] : memref<4x128xi32, #tpu.memory_space<vmem>> -> memref<1x128xi32, #tpu.memory_space<vmem>>
    %dma_wait3A_292 = tpu.memref_squeeze %dma_wait3A_291 : memref<1x128xi32, #tpu.memory_space<vmem>> -> memref<128xi32, #tpu.memory_space<vmem>>
    %dma_wait3A_293 = arith.constant 0 : i32
    %dma_wait3A_294 = arith.constant 0 : i32
    %dma_wait3A_295 = tpu.memref_slice %arg4[%dma_wait3A_293, %dma_wait3A_294] : memref<250000x128xi32, #tpu.memory_space<hbm>> -> memref<250000x128xi32, #tpu.memory_space<hbm>>
    %dma_wait3A_296 = tpu.memref_slice %arg14[%dma_wait3A_285] : memref<6x!tpu.dma_semaphore, #tpu.memory_space<semaphore_mem>> -> memref<1x!tpu.dma_semaphore, #tpu.memory_space<semaphore_mem>>
    %dma_wait3A_297 = tpu.memref_squeeze %dma_wait3A_296 : memref<1x!tpu.dma_semaphore, #tpu.memory_space<semaphore_mem>> -> memref<!tpu.dma_semaphore, #tpu.memory_space<semaphore_mem>>
    tpu.wait_indirect_dma semaphore(%dma_wait3A_297 : memref<!tpu.dma_semaphore, #tpu.memory_space<semaphore_mem>>) src(%dma_wait3A_295 : memref<250000x128xi32, #tpu.memory_space<hbm>>) dst(%dma_wait3A_289 : memref<128x128xi32, #tpu.memory_space<vmem>>)
    %add3A_298 = arith.constant 0 : i32
    %add3A_299 = arith.addi %mul3A_2, %add3A_298 : i32
    %dma_start3A_300 = arith.constant 3 : i32
    %dma_start3A_301 = arith.constant 3 : i32
    %dma_start3A_302 = arith.constant 0 : i32
    %dma_start3A_303 = arith.constant 0 : i32
    %dma_start3A_304 = tpu.memref_slice %arg13[%dma_start3A_300, %dma_start3A_302, %dma_start3A_303] : memref<6x128x128xi32, #tpu.memory_space<vmem>> -> memref<1x128x128xi32, #tpu.memory_space<vmem>>
    %dma_start3A_305 = tpu.memref_squeeze %dma_start3A_304 : memref<1x128x128xi32, #tpu.memory_space<vmem>> -> memref<128x128xi32, #tpu.memory_space<vmem>>
    %dma_start3A_306 = arith.constant 0 : i32
    %dma_start3A_307 = tpu.memref_slice %arg10[%add3A_299, %dma_start3A_306] : memref<16384x128xi32, #tpu.memory_space<hbm>> -> memref<128x128xi32, #tpu.memory_space<hbm>>
    %dma_start3A_308 = tpu.memref_slice %arg15[%dma_start3A_301] : memref<6x!tpu.dma_semaphore, #tpu.memory_space<semaphore_mem>> -> memref<1x!tpu.dma_semaphore, #tpu.memory_space<semaphore_mem>>
    %dma_start3A_309 = tpu.memref_squeeze %dma_start3A_308 : memref<1x!tpu.dma_semaphore, #tpu.memory_space<semaphore_mem>> -> memref<!tpu.dma_semaphore, #tpu.memory_space<semaphore_mem>>
    %dma_start3A_310 = arith.constant 0 : i32
    %dma_start3A_311 = tpu.memref_slice %arg10[%add3A_299, %dma_start3A_310] : memref<16384x128xi32, #tpu.memory_space<hbm>> -> memref<128x128xi32, #tpu.memory_space<hbm>>
    %dma_start3A_312 = arith.constant 0 : i32
    %dma_start3A_313 = arith.constant 0 : i32
    %dma_start3A_314 = tpu.memref_slice %arg13[%dma_start3A_300, %dma_start3A_312, %dma_start3A_313] : memref<6x128x128xi32, #tpu.memory_space<vmem>> -> memref<1x128x128xi32, #tpu.memory_space<vmem>>
    %dma_start3A_315 = tpu.memref_squeeze %dma_start3A_314 : memref<1x128x128xi32, #tpu.memory_space<vmem>> -> memref<128x128xi32, #tpu.memory_space<vmem>>
    tpu.enqueue_dma source(%dma_start3A_315 : memref<128x128xi32, #tpu.memory_space<vmem>>) target(%dma_start3A_311 : memref<128x128xi32, #tpu.memory_space<hbm>>) target_semaphore(%dma_start3A_309 : memref<!tpu.dma_semaphore, #tpu.memory_space<semaphore_mem>>)
    %dma_wait3A_316 = arith.constant 3 : i32
    %dma_wait3A_317 = arith.constant 3 : i32
    %dma_wait3A_318 = arith.constant 0 : i32
    %dma_wait3A_319 = arith.constant 0 : i32
    %dma_wait3A_320 = tpu.memref_slice %arg13[%dma_wait3A_316, %dma_wait3A_318, %dma_wait3A_319] : memref<6x128x128xi32, #tpu.memory_space<vmem>> -> memref<1x128x128xi32, #tpu.memory_space<vmem>>
    %dma_wait3A_321 = tpu.memref_squeeze %dma_wait3A_320 : memref<1x128x128xi32, #tpu.memory_space<vmem>> -> memref<128x128xi32, #tpu.memory_space<vmem>>
    %dma_wait3A_322 = arith.constant 0 : i32
    %dma_wait3A_323 = tpu.memref_slice %arg10[%add3A_299, %dma_wait3A_322] : memref<16384x128xi32, #tpu.memory_space<hbm>> -> memref<128x128xi32, #tpu.memory_space<hbm>>
    %dma_wait3A_324 = tpu.memref_slice %arg15[%dma_wait3A_317] : memref<6x!tpu.dma_semaphore, #tpu.memory_space<semaphore_mem>> -> memref<1x!tpu.dma_semaphore, #tpu.memory_space<semaphore_mem>>
    %dma_wait3A_325 = tpu.memref_squeeze %dma_wait3A_324 : memref<1x!tpu.dma_semaphore, #tpu.memory_space<semaphore_mem>> -> memref<!tpu.dma_semaphore, #tpu.memory_space<semaphore_mem>>
    %dma_wait3A_326 = arith.constant 0 : i32
    %dma_wait3A_327 = tpu.memref_slice %arg10[%add3A_299, %dma_wait3A_326] : memref<16384x128xi32, #tpu.memory_space<hbm>> -> memref<128x128xi32, #tpu.memory_space<hbm>>
    %dma_wait3A_328 = arith.constant 0 : i32
    %dma_wait3A_329 = arith.constant 0 : i32
    %dma_wait3A_330 = tpu.memref_slice %arg13[%dma_wait3A_316, %dma_wait3A_328, %dma_wait3A_329] : memref<6x128x128xi32, #tpu.memory_space<vmem>> -> memref<1x128x128xi32, #tpu.memory_space<vmem>>
    %dma_wait3A_331 = tpu.memref_squeeze %dma_wait3A_330 : memref<1x128x128xi32, #tpu.memory_space<vmem>> -> memref<128x128xi32, #tpu.memory_space<vmem>>
    tpu.wait_dma2 semaphore(%dma_wait3A_325 : memref<!tpu.dma_semaphore, #tpu.memory_space<semaphore_mem>>) src(%dma_wait3A_331 : memref<128x128xi32, #tpu.memory_space<vmem>>) dst(%dma_wait3A_327 : memref<128x128xi32, #tpu.memory_space<hbm>>)
    %dma_start3A_332 = arith.constant 2 : i32
    %dma_start3A_333 = arith.constant 3 : i32
    %dma_start3A_334 = arith.constant 3 : i32
    %dma_start3A_335 = arith.constant 0 : i32
    %dma_start3A_336 = arith.constant 0 : i32
    %dma_start3A_337 = tpu.memref_slice %arg13[%dma_start3A_333, %dma_start3A_335, %dma_start3A_336] : memref<6x128x128xi32, #tpu.memory_space<vmem>> -> memref<1x128x128xi32, #tpu.memory_space<vmem>>
    %dma_start3A_338 = tpu.memref_squeeze %dma_start3A_337 : memref<1x128x128xi32, #tpu.memory_space<vmem>> -> memref<128x128xi32, #tpu.memory_space<vmem>>
    %dma_start3A_339 = arith.constant 0 : i32
    %dma_start3A_340 = tpu.memref_slice %arg12[%dma_start3A_332, %dma_start3A_339] : memref<4x128xi32, #tpu.memory_space<vmem>> -> memref<1x128xi32, #tpu.memory_space<vmem>>
    %dma_start3A_341 = tpu.memref_squeeze %dma_start3A_340 : memref<1x128xi32, #tpu.memory_space<vmem>> -> memref<128xi32, #tpu.memory_space<vmem>>
    %dma_start3A_342 = arith.constant 0 : i32
    %dma_start3A_343 = arith.constant 0 : i32
    %dma_start3A_344 = tpu.memref_slice %arg6[%dma_start3A_342, %dma_start3A_343] : memref<250000x128xi32, #tpu.memory_space<hbm>> -> memref<250000x128xi32, #tpu.memory_space<hbm>>
    %dma_start3A_345 = tpu.memref_slice %arg14[%dma_start3A_334] : memref<6x!tpu.dma_semaphore, #tpu.memory_space<semaphore_mem>> -> memref<1x!tpu.dma_semaphore, #tpu.memory_space<semaphore_mem>>
    %dma_start3A_346 = tpu.memref_squeeze %dma_start3A_345 : memref<1x!tpu.dma_semaphore, #tpu.memory_space<semaphore_mem>> -> memref<!tpu.dma_semaphore, #tpu.memory_space<semaphore_mem>>
    tpu.enqueue_indirect_dma source(%dma_start3A_344 : memref<250000x128xi32, #tpu.memory_space<hbm>>) target(%dma_start3A_338 : memref<128x128xi32, #tpu.memory_space<vmem>>) offsets(%dma_start3A_341 : memref<128xi32, #tpu.memory_space<vmem>>) semaphore(%dma_start3A_346 : memref<!tpu.dma_semaphore, #tpu.memory_space<semaphore_mem>>)
    %dma_wait3A_347 = arith.constant 1 : i32
    %dma_wait3A_348 = arith.constant 4 : i32
    %dma_wait3A_349 = arith.constant 4 : i32
    %dma_wait3A_350 = arith.constant 0 : i32
    %dma_wait3A_351 = arith.constant 0 : i32
    %dma_wait3A_352 = tpu.memref_slice %arg13[%dma_wait3A_348, %dma_wait3A_350, %dma_wait3A_351] : memref<6x128x128xi32, #tpu.memory_space<vmem>> -> memref<1x128x128xi32, #tpu.memory_space<vmem>>
    %dma_wait3A_353 = tpu.memref_squeeze %dma_wait3A_352 : memref<1x128x128xi32, #tpu.memory_space<vmem>> -> memref<128x128xi32, #tpu.memory_space<vmem>>
    %dma_wait3A_354 = arith.constant 0 : i32
    %dma_wait3A_355 = tpu.memref_slice %arg11[%dma_wait3A_347, %dma_wait3A_354] : memref<4x128xi32, #tpu.memory_space<vmem>> -> memref<1x128xi32, #tpu.memory_space<vmem>>
    %dma_wait3A_356 = tpu.memref_squeeze %dma_wait3A_355 : memref<1x128xi32, #tpu.memory_space<vmem>> -> memref<128xi32, #tpu.memory_space<vmem>>
    %dma_wait3A_357 = arith.constant 0 : i32
    %dma_wait3A_358 = arith.constant 0 : i32
    %dma_wait3A_359 = tpu.memref_slice %arg5[%dma_wait3A_357, %dma_wait3A_358] : memref<250000x128xi32, #tpu.memory_space<hbm>> -> memref<250000x128xi32, #tpu.memory_space<hbm>>
    %dma_wait3A_360 = tpu.memref_slice %arg14[%dma_wait3A_349] : memref<6x!tpu.dma_semaphore, #tpu.memory_space<semaphore_mem>> -> memref<1x!tpu.dma_semaphore, #tpu.memory_space<semaphore_mem>>
    %dma_wait3A_361 = tpu.memref_squeeze %dma_wait3A_360 : memref<1x!tpu.dma_semaphore, #tpu.memory_space<semaphore_mem>> -> memref<!tpu.dma_semaphore, #tpu.memory_space<semaphore_mem>>
    tpu.wait_indirect_dma semaphore(%dma_wait3A_361 : memref<!tpu.dma_semaphore, #tpu.memory_space<semaphore_mem>>) src(%dma_wait3A_359 : memref<250000x128xi32, #tpu.memory_space<hbm>>) dst(%dma_wait3A_353 : memref<128x128xi32, #tpu.memory_space<vmem>>)
    %add3A_362 = arith.constant 128 : i32
    %add3A_363 = arith.addi %mul3A_2, %add3A_362 : i32
    %dma_start3A_364 = arith.constant 4 : i32
    %dma_start3A_365 = arith.constant 4 : i32
    %dma_start3A_366 = arith.constant 0 : i32
    %dma_start3A_367 = arith.constant 0 : i32
    %dma_start3A_368 = tpu.memref_slice %arg13[%dma_start3A_364, %dma_start3A_366, %dma_start3A_367] : memref<6x128x128xi32, #tpu.memory_space<vmem>> -> memref<1x128x128xi32, #tpu.memory_space<vmem>>
    %dma_start3A_369 = tpu.memref_squeeze %dma_start3A_368 : memref<1x128x128xi32, #tpu.memory_space<vmem>> -> memref<128x128xi32, #tpu.memory_space<vmem>>
    %dma_start3A_370 = arith.constant 0 : i32
    %dma_start3A_371 = tpu.memref_slice %arg7[%add3A_363, %dma_start3A_370] : memref<16384x128xi32, #tpu.memory_space<hbm>> -> memref<128x128xi32, #tpu.memory_space<hbm>>
    %dma_start3A_372 = tpu.memref_slice %arg15[%dma_start3A_365] : memref<6x!tpu.dma_semaphore, #tpu.memory_space<semaphore_mem>> -> memref<1x!tpu.dma_semaphore, #tpu.memory_space<semaphore_mem>>
    %dma_start3A_373 = tpu.memref_squeeze %dma_start3A_372 : memref<1x!tpu.dma_semaphore, #tpu.memory_space<semaphore_mem>> -> memref<!tpu.dma_semaphore, #tpu.memory_space<semaphore_mem>>
    %dma_start3A_374 = arith.constant 0 : i32
    %dma_start3A_375 = tpu.memref_slice %arg7[%add3A_363, %dma_start3A_374] : memref<16384x128xi32, #tpu.memory_space<hbm>> -> memref<128x128xi32, #tpu.memory_space<hbm>>
    %dma_start3A_376 = arith.constant 0 : i32
    %dma_start3A_377 = arith.constant 0 : i32
    %dma_start3A_378 = tpu.memref_slice %arg13[%dma_start3A_364, %dma_start3A_376, %dma_start3A_377] : memref<6x128x128xi32, #tpu.memory_space<vmem>> -> memref<1x128x128xi32, #tpu.memory_space<vmem>>
    %dma_start3A_379 = tpu.memref_squeeze %dma_start3A_378 : memref<1x128x128xi32, #tpu.memory_space<vmem>> -> memref<128x128xi32, #tpu.memory_space<vmem>>
    tpu.enqueue_dma source(%dma_start3A_379 : memref<128x128xi32, #tpu.memory_space<vmem>>) target(%dma_start3A_375 : memref<128x128xi32, #tpu.memory_space<hbm>>) target_semaphore(%dma_start3A_373 : memref<!tpu.dma_semaphore, #tpu.memory_space<semaphore_mem>>)
    %dma_wait3A_380 = arith.constant 4 : i32
    %dma_wait3A_381 = arith.constant 4 : i32
    %dma_wait3A_382 = arith.constant 0 : i32
    %dma_wait3A_383 = arith.constant 0 : i32
    %dma_wait3A_384 = tpu.memref_slice %arg13[%dma_wait3A_380, %dma_wait3A_382, %dma_wait3A_383] : memref<6x128x128xi32, #tpu.memory_space<vmem>> -> memref<1x128x128xi32, #tpu.memory_space<vmem>>
    %dma_wait3A_385 = tpu.memref_squeeze %dma_wait3A_384 : memref<1x128x128xi32, #tpu.memory_space<vmem>> -> memref<128x128xi32, #tpu.memory_space<vmem>>
    %dma_wait3A_386 = arith.constant 0 : i32
    %dma_wait3A_387 = tpu.memref_slice %arg7[%add3A_363, %dma_wait3A_386] : memref<16384x128xi32, #tpu.memory_space<hbm>> -> memref<128x128xi32, #tpu.memory_space<hbm>>
    %dma_wait3A_388 = tpu.memref_slice %arg15[%dma_wait3A_381] : memref<6x!tpu.dma_semaphore, #tpu.memory_space<semaphore_mem>> -> memref<1x!tpu.dma_semaphore, #tpu.memory_space<semaphore_mem>>
    %dma_wait3A_389 = tpu.memref_squeeze %dma_wait3A_388 : memref<1x!tpu.dma_semaphore, #tpu.memory_space<semaphore_mem>> -> memref<!tpu.dma_semaphore, #tpu.memory_space<semaphore_mem>>
    %dma_wait3A_390 = arith.constant 0 : i32
    %dma_wait3A_391 = tpu.memref_slice %arg7[%add3A_363, %dma_wait3A_390] : memref<16384x128xi32, #tpu.memory_space<hbm>> -> memref<128x128xi32, #tpu.memory_space<hbm>>
    %dma_wait3A_392 = arith.constant 0 : i32
    %dma_wait3A_393 = arith.constant 0 : i32
    %dma_wait3A_394 = tpu.memref_slice %arg13[%dma_wait3A_380, %dma_wait3A_392, %dma_wait3A_393] : memref<6x128x128xi32, #tpu.memory_space<vmem>> -> memref<1x128x128xi32, #tpu.memory_space<vmem>>
    %dma_wait3A_395 = tpu.memref_squeeze %dma_wait3A_394 : memref<1x128x128xi32, #tpu.memory_space<vmem>> -> memref<128x128xi32, #tpu.memory_space<vmem>>
    tpu.wait_dma2 semaphore(%dma_wait3A_389 : memref<!tpu.dma_semaphore, #tpu.memory_space<semaphore_mem>>) src(%dma_wait3A_395 : memref<128x128xi32, #tpu.memory_space<vmem>>) dst(%dma_wait3A_391 : memref<128x128xi32, #tpu.memory_space<hbm>>)
    %dma_start3A_396 = arith.constant 2 : i32
    %dma_start3A_397 = arith.constant 4 : i32
    %dma_start3A_398 = arith.constant 4 : i32
    %dma_start3A_399 = arith.constant 0 : i32
    %dma_start3A_400 = arith.constant 0 : i32
    %dma_start3A_401 = tpu.memref_slice %arg13[%dma_start3A_397, %dma_start3A_399, %dma_start3A_400] : memref<6x128x128xi32, #tpu.memory_space<vmem>> -> memref<1x128x128xi32, #tpu.memory_space<vmem>>
    %dma_start3A_402 = tpu.memref_squeeze %dma_start3A_401 : memref<1x128x128xi32, #tpu.memory_space<vmem>> -> memref<128x128xi32, #tpu.memory_space<vmem>>
    %dma_start3A_403 = arith.constant 0 : i32
    %dma_start3A_404 = tpu.memref_slice %arg11[%dma_start3A_396, %dma_start3A_403] : memref<4x128xi32, #tpu.memory_space<vmem>> -> memref<1x128xi32, #tpu.memory_space<vmem>>
    %dma_start3A_405 = tpu.memref_squeeze %dma_start3A_404 : memref<1x128xi32, #tpu.memory_space<vmem>> -> memref<128xi32, #tpu.memory_space<vmem>>
    %dma_start3A_406 = arith.constant 0 : i32
    %dma_start3A_407 = arith.constant 0 : i32
    %dma_start3A_408 = tpu.memref_slice %arg4[%dma_start3A_406, %dma_start3A_407] : memref<250000x128xi32, #tpu.memory_space<hbm>> -> memref<250000x128xi32, #tpu.memory_space<hbm>>
    %dma_start3A_409 = tpu.memref_slice %arg14[%dma_start3A_398] : memref<6x!tpu.dma_semaphore, #tpu.memory_space<semaphore_mem>> -> memref<1x!tpu.dma_semaphore, #tpu.memory_space<semaphore_mem>>
    %dma_start3A_410 = tpu.memref_squeeze %dma_start3A_409 : memref<1x!tpu.dma_semaphore, #tpu.memory_space<semaphore_mem>> -> memref<!tpu.dma_semaphore, #tpu.memory_space<semaphore_mem>>
    tpu.enqueue_indirect_dma source(%dma_start3A_408 : memref<250000x128xi32, #tpu.memory_space<hbm>>) target(%dma_start3A_402 : memref<128x128xi32, #tpu.memory_space<vmem>>) offsets(%dma_start3A_405 : memref<128xi32, #tpu.memory_space<vmem>>) semaphore(%dma_start3A_410 : memref<!tpu.dma_semaphore, #tpu.memory_space<semaphore_mem>>)
    %dma_wait3A_411 = arith.constant 1 : i32
    %dma_wait3A_412 = arith.constant 5 : i32
    %dma_wait3A_413 = arith.constant 5 : i32
    %dma_wait3A_414 = arith.constant 0 : i32
    %dma_wait3A_415 = arith.constant 0 : i32
    %dma_wait3A_416 = tpu.memref_slice %arg13[%dma_wait3A_412, %dma_wait3A_414, %dma_wait3A_415] : memref<6x128x128xi32, #tpu.memory_space<vmem>> -> memref<1x128x128xi32, #tpu.memory_space<vmem>>
    %dma_wait3A_417 = tpu.memref_squeeze %dma_wait3A_416 : memref<1x128x128xi32, #tpu.memory_space<vmem>> -> memref<128x128xi32, #tpu.memory_space<vmem>>
    %dma_wait3A_418 = arith.constant 0 : i32
    %dma_wait3A_419 = tpu.memref_slice %arg12[%dma_wait3A_411, %dma_wait3A_418] : memref<4x128xi32, #tpu.memory_space<vmem>> -> memref<1x128xi32, #tpu.memory_space<vmem>>
    %dma_wait3A_420 = tpu.memref_squeeze %dma_wait3A_419 : memref<1x128xi32, #tpu.memory_space<vmem>> -> memref<128xi32, #tpu.memory_space<vmem>>
    %dma_wait3A_421 = arith.constant 0 : i32
    %dma_wait3A_422 = arith.constant 0 : i32
    %dma_wait3A_423 = tpu.memref_slice %arg6[%dma_wait3A_421, %dma_wait3A_422] : memref<250000x128xi32, #tpu.memory_space<hbm>> -> memref<250000x128xi32, #tpu.memory_space<hbm>>
    %dma_wait3A_424 = tpu.memref_slice %arg14[%dma_wait3A_413] : memref<6x!tpu.dma_semaphore, #tpu.memory_space<semaphore_mem>> -> memref<1x!tpu.dma_semaphore, #tpu.memory_space<semaphore_mem>>
    %dma_wait3A_425 = tpu.memref_squeeze %dma_wait3A_424 : memref<1x!tpu.dma_semaphore, #tpu.memory_space<semaphore_mem>> -> memref<!tpu.dma_semaphore, #tpu.memory_space<semaphore_mem>>
    tpu.wait_indirect_dma semaphore(%dma_wait3A_425 : memref<!tpu.dma_semaphore, #tpu.memory_space<semaphore_mem>>) src(%dma_wait3A_423 : memref<250000x128xi32, #tpu.memory_space<hbm>>) dst(%dma_wait3A_417 : memref<128x128xi32, #tpu.memory_space<vmem>>)
    %add3A_426 = arith.constant 128 : i32
    %add3A_427 = arith.addi %mul3A_2, %add3A_426 : i32
    %dma_start3A_428 = arith.constant 5 : i32
    %dma_start3A_429 = arith.constant 5 : i32
    %dma_start3A_430 = arith.constant 0 : i32
    %dma_start3A_431 = arith.constant 0 : i32
    %dma_start3A_432 = tpu.memref_slice %arg13[%dma_start3A_428, %dma_start3A_430, %dma_start3A_431] : memref<6x128x128xi32, #tpu.memory_space<vmem>> -> memref<1x128x128xi32, #tpu.memory_space<vmem>>
    %dma_start3A_433 = tpu.memref_squeeze %dma_start3A_432 : memref<1x128x128xi32, #tpu.memory_space<vmem>> -> memref<128x128xi32, #tpu.memory_space<vmem>>
    %dma_start3A_434 = arith.constant 0 : i32
    %dma_start3A_435 = tpu.memref_slice %arg8[%add3A_427, %dma_start3A_434] : memref<16384x128xi32, #tpu.memory_space<hbm>> -> memref<128x128xi32, #tpu.memory_space<hbm>>
    %dma_start3A_436 = tpu.memref_slice %arg15[%dma_start3A_429] : memref<6x!tpu.dma_semaphore, #tpu.memory_space<semaphore_mem>> -> memref<1x!tpu.dma_semaphore, #tpu.memory_space<semaphore_mem>>
    %dma_start3A_437 = tpu.memref_squeeze %dma_start3A_436 : memref<1x!tpu.dma_semaphore, #tpu.memory_space<semaphore_mem>> -> memref<!tpu.dma_semaphore, #tpu.memory_space<semaphore_mem>>
    %dma_start3A_438 = arith.constant 0 : i32
    %dma_start3A_439 = tpu.memref_slice %arg8[%add3A_427, %dma_start3A_438] : memref<16384x128xi32, #tpu.memory_space<hbm>> -> memref<128x128xi32, #tpu.memory_space<hbm>>
    %dma_start3A_440 = arith.constant 0 : i32
    %dma_start3A_441 = arith.constant 0 : i32
    %dma_start3A_442 = tpu.memref_slice %arg13[%dma_start3A_428, %dma_start3A_440, %dma_start3A_441] : memref<6x128x128xi32, #tpu.memory_space<vmem>> -> memref<1x128x128xi32, #tpu.memory_space<vmem>>
    %dma_start3A_443 = tpu.memref_squeeze %dma_start3A_442 : memref<1x128x128xi32, #tpu.memory_space<vmem>> -> memref<128x128xi32, #tpu.memory_space<vmem>>
    tpu.enqueue_dma source(%dma_start3A_443 : memref<128x128xi32, #tpu.memory_space<vmem>>) target(%dma_start3A_439 : memref<128x128xi32, #tpu.memory_space<hbm>>) target_semaphore(%dma_start3A_437 : memref<!tpu.dma_semaphore, #tpu.memory_space<semaphore_mem>>)
    %dma_wait3A_444 = arith.constant 5 : i32
    %dma_wait3A_445 = arith.constant 5 : i32
    %dma_wait3A_446 = arith.constant 0 : i32
    %dma_wait3A_447 = arith.constant 0 : i32
    %dma_wait3A_448 = tpu.memref_slice %arg13[%dma_wait3A_444, %dma_wait3A_446, %dma_wait3A_447] : memref<6x128x128xi32, #tpu.memory_space<vmem>> -> memref<1x128x128xi32, #tpu.memory_space<vmem>>
    %dma_wait3A_449 = tpu.memref_squeeze %dma_wait3A_448 : memref<1x128x128xi32, #tpu.memory_space<vmem>> -> memref<128x128xi32, #tpu.memory_space<vmem>>
    %dma_wait3A_450 = arith.constant 0 : i32
    %dma_wait3A_451 = tpu.memref_slice %arg8[%add3A_427, %dma_wait3A_450] : memref<16384x128xi32, #tpu.memory_space<hbm>> -> memref<128x128xi32, #tpu.memory_space<hbm>>
    %dma_wait3A_452 = tpu.memref_slice %arg15[%dma_wait3A_445] : memref<6x!tpu.dma_semaphore, #tpu.memory_space<semaphore_mem>> -> memref<1x!tpu.dma_semaphore, #tpu.memory_space<semaphore_mem>>
    %dma_wait3A_453 = tpu.memref_squeeze %dma_wait3A_452 : memref<1x!tpu.dma_semaphore, #tpu.memory_space<semaphore_mem>> -> memref<!tpu.dma_semaphore, #tpu.memory_space<semaphore_mem>>
    %dma_wait3A_454 = arith.constant 0 : i32
    %dma_wait3A_455 = tpu.memref_slice %arg8[%add3A_427, %dma_wait3A_454] : memref<16384x128xi32, #tpu.memory_space<hbm>> -> memref<128x128xi32, #tpu.memory_space<hbm>>
    %dma_wait3A_456 = arith.constant 0 : i32
    %dma_wait3A_457 = arith.constant 0 : i32
    %dma_wait3A_458 = tpu.memref_slice %arg13[%dma_wait3A_444, %dma_wait3A_456, %dma_wait3A_457] : memref<6x128x128xi32, #tpu.memory_space<vmem>> -> memref<1x128x128xi32, #tpu.memory_space<vmem>>
    %dma_wait3A_459 = tpu.memref_squeeze %dma_wait3A_458 : memref<1x128x128xi32, #tpu.memory_space<vmem>> -> memref<128x128xi32, #tpu.memory_space<vmem>>
    tpu.wait_dma2 semaphore(%dma_wait3A_453 : memref<!tpu.dma_semaphore, #tpu.memory_space<semaphore_mem>>) src(%dma_wait3A_459 : memref<128x128xi32, #tpu.memory_space<vmem>>) dst(%dma_wait3A_455 : memref<128x128xi32, #tpu.memory_space<hbm>>)
    %dma_start3A_460 = arith.constant 2 : i32
    %dma_start3A_461 = arith.constant 5 : i32
    %dma_start3A_462 = arith.constant 5 : i32
    %dma_start3A_463 = arith.constant 0 : i32
    %dma_start3A_464 = arith.constant 0 : i32
    %dma_start3A_465 = tpu.memref_slice %arg13[%dma_start3A_461, %dma_start3A_463, %dma_start3A_464] : memref<6x128x128xi32, #tpu.memory_space<vmem>> -> memref<1x128x128xi32, #tpu.memory_space<vmem>>
    %dma_start3A_466 = tpu.memref_squeeze %dma_start3A_465 : memref<1x128x128xi32, #tpu.memory_space<vmem>> -> memref<128x128xi32, #tpu.memory_space<vmem>>
    %dma_start3A_467 = arith.constant 0 : i32
    %dma_start3A_468 = tpu.memref_slice %arg12[%dma_start3A_460, %dma_start3A_467] : memref<4x128xi32, #tpu.memory_space<vmem>> -> memref<1x128xi32, #tpu.memory_space<vmem>>
    %dma_start3A_469 = tpu.memref_squeeze %dma_start3A_468 : memref<1x128xi32, #tpu.memory_space<vmem>> -> memref<128xi32, #tpu.memory_space<vmem>>
    %dma_start3A_470 = arith.constant 0 : i32
    %dma_start3A_471 = arith.constant 0 : i32
    %dma_start3A_472 = tpu.memref_slice %arg4[%dma_start3A_470, %dma_start3A_471] : memref<250000x128xi32, #tpu.memory_space<hbm>> -> memref<250000x128xi32, #tpu.memory_space<hbm>>
    %dma_start3A_473 = tpu.memref_slice %arg14[%dma_start3A_462] : memref<6x!tpu.dma_semaphore, #tpu.memory_space<semaphore_mem>> -> memref<1x!tpu.dma_semaphore, #tpu.memory_space<semaphore_mem>>
    %dma_start3A_474 = tpu.memref_squeeze %dma_start3A_473 : memref<1x!tpu.dma_semaphore, #tpu.memory_space<semaphore_mem>> -> memref<!tpu.dma_semaphore, #tpu.memory_space<semaphore_mem>>
    tpu.enqueue_indirect_dma source(%dma_start3A_472 : memref<250000x128xi32, #tpu.memory_space<hbm>>) target(%dma_start3A_466 : memref<128x128xi32, #tpu.memory_space<vmem>>) offsets(%dma_start3A_469 : memref<128xi32, #tpu.memory_space<vmem>>) semaphore(%dma_start3A_474 : memref<!tpu.dma_semaphore, #tpu.memory_space<semaphore_mem>>)
    %dma_wait3A_475 = arith.constant 1 : i32
    %dma_wait3A_476 = arith.constant 0 : i32
    %dma_wait3A_477 = arith.constant 0 : i32
    %dma_wait3A_478 = arith.constant 0 : i32
    %dma_wait3A_479 = arith.constant 0 : i32
    %dma_wait3A_480 = tpu.memref_slice %arg13[%dma_wait3A_476, %dma_wait3A_478, %dma_wait3A_479] : memref<6x128x128xi32, #tpu.memory_space<vmem>> -> memref<1x128x128xi32, #tpu.memory_space<vmem>>
    %dma_wait3A_481 = tpu.memref_squeeze %dma_wait3A_480 : memref<1x128x128xi32, #tpu.memory_space<vmem>> -> memref<128x128xi32, #tpu.memory_space<vmem>>
    %dma_wait3A_482 = arith.constant 0 : i32
    %dma_wait3A_483 = tpu.memref_slice %arg11[%dma_wait3A_475, %dma_wait3A_482] : memref<4x128xi32, #tpu.memory_space<vmem>> -> memref<1x128xi32, #tpu.memory_space<vmem>>
    %dma_wait3A_484 = tpu.memref_squeeze %dma_wait3A_483 : memref<1x128xi32, #tpu.memory_space<vmem>> -> memref<128xi32, #tpu.memory_space<vmem>>
    %dma_wait3A_485 = arith.constant 0 : i32
    %dma_wait3A_486 = arith.constant 0 : i32
    %dma_wait3A_487 = tpu.memref_slice %arg4[%dma_wait3A_485, %dma_wait3A_486] : memref<250000x128xi32, #tpu.memory_space<hbm>> -> memref<250000x128xi32, #tpu.memory_space<hbm>>
    %dma_wait3A_488 = tpu.memref_slice %arg14[%dma_wait3A_477] : memref<6x!tpu.dma_semaphore, #tpu.memory_space<semaphore_mem>> -> memref<1x!tpu.dma_semaphore, #tpu.memory_space<semaphore_mem>>
    %dma_wait3A_489 = tpu.memref_squeeze %dma_wait3A_488 : memref<1x!tpu.dma_semaphore, #tpu.memory_space<semaphore_mem>> -> memref<!tpu.dma_semaphore, #tpu.memory_space<semaphore_mem>>
    tpu.wait_indirect_dma semaphore(%dma_wait3A_489 : memref<!tpu.dma_semaphore, #tpu.memory_space<semaphore_mem>>) src(%dma_wait3A_487 : memref<250000x128xi32, #tpu.memory_space<hbm>>) dst(%dma_wait3A_481 : memref<128x128xi32, #tpu.memory_space<vmem>>)
    %add3A_490 = arith.constant 128 : i32
    %add3A_491 = arith.addi %mul3A_2, %add3A_490 : i32
    %dma_start3A_492 = arith.constant 0 : i32
    %dma_start3A_493 = arith.constant 0 : i32
    %dma_start3A_494 = arith.constant 0 : i32
    %dma_start3A_495 = arith.constant 0 : i32
    %dma_start3A_496 = tpu.memref_slice %arg13[%dma_start3A_492, %dma_start3A_494, %dma_start3A_495] : memref<6x128x128xi32, #tpu.memory_space<vmem>> -> memref<1x128x128xi32, #tpu.memory_space<vmem>>
    %dma_start3A_497 = tpu.memref_squeeze %dma_start3A_496 : memref<1x128x128xi32, #tpu.memory_space<vmem>> -> memref<128x128xi32, #tpu.memory_space<vmem>>
    %dma_start3A_498 = arith.constant 0 : i32
    %dma_start3A_499 = tpu.memref_slice %arg9[%add3A_491, %dma_start3A_498] : memref<16384x128xi32, #tpu.memory_space<hbm>> -> memref<128x128xi32, #tpu.memory_space<hbm>>
    %dma_start3A_500 = tpu.memref_slice %arg15[%dma_start3A_493] : memref<6x!tpu.dma_semaphore, #tpu.memory_space<semaphore_mem>> -> memref<1x!tpu.dma_semaphore, #tpu.memory_space<semaphore_mem>>
    %dma_start3A_501 = tpu.memref_squeeze %dma_start3A_500 : memref<1x!tpu.dma_semaphore, #tpu.memory_space<semaphore_mem>> -> memref<!tpu.dma_semaphore, #tpu.memory_space<semaphore_mem>>
    %dma_start3A_502 = arith.constant 0 : i32
    %dma_start3A_503 = tpu.memref_slice %arg9[%add3A_491, %dma_start3A_502] : memref<16384x128xi32, #tpu.memory_space<hbm>> -> memref<128x128xi32, #tpu.memory_space<hbm>>
    %dma_start3A_504 = arith.constant 0 : i32
    %dma_start3A_505 = arith.constant 0 : i32
    %dma_start3A_506 = tpu.memref_slice %arg13[%dma_start3A_492, %dma_start3A_504, %dma_start3A_505] : memref<6x128x128xi32, #tpu.memory_space<vmem>> -> memref<1x128x128xi32, #tpu.memory_space<vmem>>
    %dma_start3A_507 = tpu.memref_squeeze %dma_start3A_506 : memref<1x128x128xi32, #tpu.memory_space<vmem>> -> memref<128x128xi32, #tpu.memory_space<vmem>>
    tpu.enqueue_dma source(%dma_start3A_507 : memref<128x128xi32, #tpu.memory_space<vmem>>) target(%dma_start3A_503 : memref<128x128xi32, #tpu.memory_space<hbm>>) target_semaphore(%dma_start3A_501 : memref<!tpu.dma_semaphore, #tpu.memory_space<semaphore_mem>>)
    %dma_wait3A_508 = arith.constant 0 : i32
    %dma_wait3A_509 = arith.constant 0 : i32
    %dma_wait3A_510 = arith.constant 0 : i32
    %dma_wait3A_511 = arith.constant 0 : i32
    %dma_wait3A_512 = tpu.memref_slice %arg13[%dma_wait3A_508, %dma_wait3A_510, %dma_wait3A_511] : memref<6x128x128xi32, #tpu.memory_space<vmem>> -> memref<1x128x128xi32, #tpu.memory_space<vmem>>
    %dma_wait3A_513 = tpu.memref_squeeze %dma_wait3A_512 : memref<1x128x128xi32, #tpu.memory_space<vmem>> -> memref<128x128xi32, #tpu.memory_space<vmem>>
    %dma_wait3A_514 = arith.constant 0 : i32
    %dma_wait3A_515 = tpu.memref_slice %arg9[%add3A_491, %dma_wait3A_514] : memref<16384x128xi32, #tpu.memory_space<hbm>> -> memref<128x128xi32, #tpu.memory_space<hbm>>
    %dma_wait3A_516 = tpu.memref_slice %arg15[%dma_wait3A_509] : memref<6x!tpu.dma_semaphore, #tpu.memory_space<semaphore_mem>> -> memref<1x!tpu.dma_semaphore, #tpu.memory_space<semaphore_mem>>
    %dma_wait3A_517 = tpu.memref_squeeze %dma_wait3A_516 : memref<1x!tpu.dma_semaphore, #tpu.memory_space<semaphore_mem>> -> memref<!tpu.dma_semaphore, #tpu.memory_space<semaphore_mem>>
    %dma_wait3A_518 = arith.constant 0 : i32
    %dma_wait3A_519 = tpu.memref_slice %arg9[%add3A_491, %dma_wait3A_518] : memref<16384x128xi32, #tpu.memory_space<hbm>> -> memref<128x128xi32, #tpu.memory_space<hbm>>
    %dma_wait3A_520 = arith.constant 0 : i32
    %dma_wait3A_521 = arith.constant 0 : i32
    %dma_wait3A_522 = tpu.memref_slice %arg13[%dma_wait3A_508, %dma_wait3A_520, %dma_wait3A_521] : memref<6x128x128xi32, #tpu.memory_space<vmem>> -> memref<1x128x128xi32, #tpu.memory_space<vmem>>
    %dma_wait3A_523 = tpu.memref_squeeze %dma_wait3A_522 : memref<1x128x128xi32, #tpu.memory_space<vmem>> -> memref<128x128xi32, #tpu.memory_space<vmem>>
    tpu.wait_dma2 semaphore(%dma_wait3A_517 : memref<!tpu.dma_semaphore, #tpu.memory_space<semaphore_mem>>) src(%dma_wait3A_523 : memref<128x128xi32, #tpu.memory_space<vmem>>) dst(%dma_wait3A_519 : memref<128x128xi32, #tpu.memory_space<hbm>>)
    %dma_start3A_524 = arith.constant 3 : i32
    %dma_start3A_525 = arith.constant 0 : i32
    %dma_start3A_526 = arith.constant 0 : i32
    %dma_start3A_527 = arith.constant 0 : i32
    %dma_start3A_528 = arith.constant 0 : i32
    %dma_start3A_529 = tpu.memref_slice %arg13[%dma_start3A_525, %dma_start3A_527, %dma_start3A_528] : memref<6x128x128xi32, #tpu.memory_space<vmem>> -> memref<1x128x128xi32, #tpu.memory_space<vmem>>
    %dma_start3A_530 = tpu.memref_squeeze %dma_start3A_529 : memref<1x128x128xi32, #tpu.memory_space<vmem>> -> memref<128x128xi32, #tpu.memory_space<vmem>>
    %dma_start3A_531 = arith.constant 0 : i32
    %dma_start3A_532 = tpu.memref_slice %arg11[%dma_start3A_524, %dma_start3A_531] : memref<4x128xi32, #tpu.memory_space<vmem>> -> memref<1x128xi32, #tpu.memory_space<vmem>>
    %dma_start3A_533 = tpu.memref_squeeze %dma_start3A_532 : memref<1x128xi32, #tpu.memory_space<vmem>> -> memref<128xi32, #tpu.memory_space<vmem>>
    %dma_start3A_534 = arith.constant 0 : i32
    %dma_start3A_535 = arith.constant 0 : i32
    %dma_start3A_536 = tpu.memref_slice %arg5[%dma_start3A_534, %dma_start3A_535] : memref<250000x128xi32, #tpu.memory_space<hbm>> -> memref<250000x128xi32, #tpu.memory_space<hbm>>
    %dma_start3A_537 = tpu.memref_slice %arg14[%dma_start3A_526] : memref<6x!tpu.dma_semaphore, #tpu.memory_space<semaphore_mem>> -> memref<1x!tpu.dma_semaphore, #tpu.memory_space<semaphore_mem>>
    %dma_start3A_538 = tpu.memref_squeeze %dma_start3A_537 : memref<1x!tpu.dma_semaphore, #tpu.memory_space<semaphore_mem>> -> memref<!tpu.dma_semaphore, #tpu.memory_space<semaphore_mem>>
    tpu.enqueue_indirect_dma source(%dma_start3A_536 : memref<250000x128xi32, #tpu.memory_space<hbm>>) target(%dma_start3A_530 : memref<128x128xi32, #tpu.memory_space<vmem>>) offsets(%dma_start3A_533 : memref<128xi32, #tpu.memory_space<vmem>>) semaphore(%dma_start3A_538 : memref<!tpu.dma_semaphore, #tpu.memory_space<semaphore_mem>>)
    %dma_wait3A_539 = arith.constant 1 : i32
    %dma_wait3A_540 = arith.constant 1 : i32
    %dma_wait3A_541 = arith.constant 1 : i32
    %dma_wait3A_542 = arith.constant 0 : i32
    %dma_wait3A_543 = arith.constant 0 : i32
    %dma_wait3A_544 = tpu.memref_slice %arg13[%dma_wait3A_540, %dma_wait3A_542, %dma_wait3A_543] : memref<6x128x128xi32, #tpu.memory_space<vmem>> -> memref<1x128x128xi32, #tpu.memory_space<vmem>>
    %dma_wait3A_545 = tpu.memref_squeeze %dma_wait3A_544 : memref<1x128x128xi32, #tpu.memory_space<vmem>> -> memref<128x128xi32, #tpu.memory_space<vmem>>
    %dma_wait3A_546 = arith.constant 0 : i32
    %dma_wait3A_547 = tpu.memref_slice %arg12[%dma_wait3A_539, %dma_wait3A_546] : memref<4x128xi32, #tpu.memory_space<vmem>> -> memref<1x128xi32, #tpu.memory_space<vmem>>
    %dma_wait3A_548 = tpu.memref_squeeze %dma_wait3A_547 : memref<1x128xi32, #tpu.memory_space<vmem>> -> memref<128xi32, #tpu.memory_space<vmem>>
    %dma_wait3A_549 = arith.constant 0 : i32
    %dma_wait3A_550 = arith.constant 0 : i32
    %dma_wait3A_551 = tpu.memref_slice %arg4[%dma_wait3A_549, %dma_wait3A_550] : memref<250000x128xi32, #tpu.memory_space<hbm>> -> memref<250000x128xi32, #tpu.memory_space<hbm>>
    %dma_wait3A_552 = tpu.memref_slice %arg14[%dma_wait3A_541] : memref<6x!tpu.dma_semaphore, #tpu.memory_space<semaphore_mem>> -> memref<1x!tpu.dma_semaphore, #tpu.memory_space<semaphore_mem>>
    %dma_wait3A_553 = tpu.memref_squeeze %dma_wait3A_552 : memref<1x!tpu.dma_semaphore, #tpu.memory_space<semaphore_mem>> -> memref<!tpu.dma_semaphore, #tpu.memory_space<semaphore_mem>>
    tpu.wait_indirect_dma semaphore(%dma_wait3A_553 : memref<!tpu.dma_semaphore, #tpu.memory_space<semaphore_mem>>) src(%dma_wait3A_551 : memref<250000x128xi32, #tpu.memory_space<hbm>>) dst(%dma_wait3A_545 : memref<128x128xi32, #tpu.memory_space<vmem>>)
    %add3A_554 = arith.constant 128 : i32
    %add3A_555 = arith.addi %mul3A_2, %add3A_554 : i32
    %dma_start3A_556 = arith.constant 1 : i32
    %dma_start3A_557 = arith.constant 1 : i32
    %dma_start3A_558 = arith.constant 0 : i32
    %dma_start3A_559 = arith.constant 0 : i32
    %dma_start3A_560 = tpu.memref_slice %arg13[%dma_start3A_556, %dma_start3A_558, %dma_start3A_559] : memref<6x128x128xi32, #tpu.memory_space<vmem>> -> memref<1x128x128xi32, #tpu.memory_space<vmem>>
    %dma_start3A_561 = tpu.memref_squeeze %dma_start3A_560 : memref<1x128x128xi32, #tpu.memory_space<vmem>> -> memref<128x128xi32, #tpu.memory_space<vmem>>
    %dma_start3A_562 = arith.constant 0 : i32
    %dma_start3A_563 = tpu.memref_slice %arg10[%add3A_555, %dma_start3A_562] : memref<16384x128xi32, #tpu.memory_space<hbm>> -> memref<128x128xi32, #tpu.memory_space<hbm>>
    %dma_start3A_564 = tpu.memref_slice %arg15[%dma_start3A_557] : memref<6x!tpu.dma_semaphore, #tpu.memory_space<semaphore_mem>> -> memref<1x!tpu.dma_semaphore, #tpu.memory_space<semaphore_mem>>
    %dma_start3A_565 = tpu.memref_squeeze %dma_start3A_564 : memref<1x!tpu.dma_semaphore, #tpu.memory_space<semaphore_mem>> -> memref<!tpu.dma_semaphore, #tpu.memory_space<semaphore_mem>>
    %dma_start3A_566 = arith.constant 0 : i32
    %dma_start3A_567 = tpu.memref_slice %arg10[%add3A_555, %dma_start3A_566] : memref<16384x128xi32, #tpu.memory_space<hbm>> -> memref<128x128xi32, #tpu.memory_space<hbm>>
    %dma_start3A_568 = arith.constant 0 : i32
    %dma_start3A_569 = arith.constant 0 : i32
    %dma_start3A_570 = tpu.memref_slice %arg13[%dma_start3A_556, %dma_start3A_568, %dma_start3A_569] : memref<6x128x128xi32, #tpu.memory_space<vmem>> -> memref<1x128x128xi32, #tpu.memory_space<vmem>>
    %dma_start3A_571 = tpu.memref_squeeze %dma_start3A_570 : memref<1x128x128xi32, #tpu.memory_space<vmem>> -> memref<128x128xi32, #tpu.memory_space<vmem>>
    tpu.enqueue_dma source(%dma_start3A_571 : memref<128x128xi32, #tpu.memory_space<vmem>>) target(%dma_start3A_567 : memref<128x128xi32, #tpu.memory_space<hbm>>) target_semaphore(%dma_start3A_565 : memref<!tpu.dma_semaphore, #tpu.memory_space<semaphore_mem>>)
    %dma_wait3A_572 = arith.constant 1 : i32
    %dma_wait3A_573 = arith.constant 1 : i32
    %dma_wait3A_574 = arith.constant 0 : i32
    %dma_wait3A_575 = arith.constant 0 : i32
    %dma_wait3A_576 = tpu.memref_slice %arg13[%dma_wait3A_572, %dma_wait3A_574, %dma_wait3A_575] : memref<6x128x128xi32, #tpu.memory_space<vmem>> -> memref<1x128x128xi32, #tpu.memory_space<vmem>>
    %dma_wait3A_577 = tpu.memref_squeeze %dma_wait3A_576 : memref<1x128x128xi32, #tpu.memory_space<vmem>> -> memref<128x128xi32, #tpu.memory_space<vmem>>
    %dma_wait3A_578 = arith.constant 0 : i32
    %dma_wait3A_579 = tpu.memref_slice %arg10[%add3A_555, %dma_wait3A_578] : memref<16384x128xi32, #tpu.memory_space<hbm>> -> memref<128x128xi32, #tpu.memory_space<hbm>>
    %dma_wait3A_580 = tpu.memref_slice %arg15[%dma_wait3A_573] : memref<6x!tpu.dma_semaphore, #tpu.memory_space<semaphore_mem>> -> memref<1x!tpu.dma_semaphore, #tpu.memory_space<semaphore_mem>>
    %dma_wait3A_581 = tpu.memref_squeeze %dma_wait3A_580 : memref<1x!tpu.dma_semaphore, #tpu.memory_space<semaphore_mem>> -> memref<!tpu.dma_semaphore, #tpu.memory_space<semaphore_mem>>
    %dma_wait3A_582 = arith.constant 0 : i32
    %dma_wait3A_583 = tpu.memref_slice %arg10[%add3A_555, %dma_wait3A_582] : memref<16384x128xi32, #tpu.memory_space<hbm>> -> memref<128x128xi32, #tpu.memory_space<hbm>>
    %dma_wait3A_584 = arith.constant 0 : i32
    %dma_wait3A_585 = arith.constant 0 : i32
    %dma_wait3A_586 = tpu.memref_slice %arg13[%dma_wait3A_572, %dma_wait3A_584, %dma_wait3A_585] : memref<6x128x128xi32, #tpu.memory_space<vmem>> -> memref<1x128x128xi32, #tpu.memory_space<vmem>>
    %dma_wait3A_587 = tpu.memref_squeeze %dma_wait3A_586 : memref<1x128x128xi32, #tpu.memory_space<vmem>> -> memref<128x128xi32, #tpu.memory_space<vmem>>
    tpu.wait_dma2 semaphore(%dma_wait3A_581 : memref<!tpu.dma_semaphore, #tpu.memory_space<semaphore_mem>>) src(%dma_wait3A_587 : memref<128x128xi32, #tpu.memory_space<vmem>>) dst(%dma_wait3A_583 : memref<128x128xi32, #tpu.memory_space<hbm>>)
    %dma_start3A_588 = arith.constant 3 : i32
    %dma_start3A_589 = arith.constant 1 : i32
    %dma_start3A_590 = arith.constant 1 : i32
    %dma_start3A_591 = arith.constant 0 : i32
    %dma_start3A_592 = arith.constant 0 : i32
    %dma_start3A_593 = tpu.memref_slice %arg13[%dma_start3A_589, %dma_start3A_591, %dma_start3A_592] : memref<6x128x128xi32, #tpu.memory_space<vmem>> -> memref<1x128x128xi32, #tpu.memory_space<vmem>>
    %dma_start3A_594 = tpu.memref_squeeze %dma_start3A_593 : memref<1x128x128xi32, #tpu.memory_space<vmem>> -> memref<128x128xi32, #tpu.memory_space<vmem>>
    %dma_start3A_595 = arith.constant 0 : i32
    %dma_start3A_596 = tpu.memref_slice %arg12[%dma_start3A_588, %dma_start3A_595] : memref<4x128xi32, #tpu.memory_space<vmem>> -> memref<1x128xi32, #tpu.memory_space<vmem>>
    %dma_start3A_597 = tpu.memref_squeeze %dma_start3A_596 : memref<1x128xi32, #tpu.memory_space<vmem>> -> memref<128xi32, #tpu.memory_space<vmem>>
    %dma_start3A_598 = arith.constant 0 : i32
    %dma_start3A_599 = arith.constant 0 : i32
    %dma_start3A_600 = tpu.memref_slice %arg6[%dma_start3A_598, %dma_start3A_599] : memref<250000x128xi32, #tpu.memory_space<hbm>> -> memref<250000x128xi32, #tpu.memory_space<hbm>>
    %dma_start3A_601 = tpu.memref_slice %arg14[%dma_start3A_590] : memref<6x!tpu.dma_semaphore, #tpu.memory_space<semaphore_mem>> -> memref<1x!tpu.dma_semaphore, #tpu.memory_space<semaphore_mem>>
    %dma_start3A_602 = tpu.memref_squeeze %dma_start3A_601 : memref<1x!tpu.dma_semaphore, #tpu.memory_space<semaphore_mem>> -> memref<!tpu.dma_semaphore, #tpu.memory_space<semaphore_mem>>
    tpu.enqueue_indirect_dma source(%dma_start3A_600 : memref<250000x128xi32, #tpu.memory_space<hbm>>) target(%dma_start3A_594 : memref<128x128xi32, #tpu.memory_space<vmem>>) offsets(%dma_start3A_597 : memref<128xi32, #tpu.memory_space<vmem>>) semaphore(%dma_start3A_602 : memref<!tpu.dma_semaphore, #tpu.memory_space<semaphore_mem>>)
    %dma_wait3A_603 = arith.constant 2 : i32
    %dma_wait3A_604 = arith.constant 2 : i32
    %dma_wait3A_605 = arith.constant 2 : i32
    %dma_wait3A_606 = arith.constant 0 : i32
    %dma_wait3A_607 = arith.constant 0 : i32
    %dma_wait3A_608 = tpu.memref_slice %arg13[%dma_wait3A_604, %dma_wait3A_606, %dma_wait3A_607] : memref<6x128x128xi32, #tpu.memory_space<vmem>> -> memref<1x128x128xi32, #tpu.memory_space<vmem>>
    %dma_wait3A_609 = tpu.memref_squeeze %dma_wait3A_608 : memref<1x128x128xi32, #tpu.memory_space<vmem>> -> memref<128x128xi32, #tpu.memory_space<vmem>>
    %dma_wait3A_610 = arith.constant 0 : i32
    %dma_wait3A_611 = tpu.memref_slice %arg11[%dma_wait3A_603, %dma_wait3A_610] : memref<4x128xi32, #tpu.memory_space<vmem>> -> memref<1x128xi32, #tpu.memory_space<vmem>>
    %dma_wait3A_612 = tpu.memref_squeeze %dma_wait3A_611 : memref<1x128xi32, #tpu.memory_space<vmem>> -> memref<128xi32, #tpu.memory_space<vmem>>
    %dma_wait3A_613 = arith.constant 0 : i32
    %dma_wait3A_614 = arith.constant 0 : i32
    %dma_wait3A_615 = tpu.memref_slice %arg5[%dma_wait3A_613, %dma_wait3A_614] : memref<250000x128xi32, #tpu.memory_space<hbm>> -> memref<250000x128xi32, #tpu.memory_space<hbm>>
    %dma_wait3A_616 = tpu.memref_slice %arg14[%dma_wait3A_605] : memref<6x!tpu.dma_semaphore, #tpu.memory_space<semaphore_mem>> -> memref<1x!tpu.dma_semaphore, #tpu.memory_space<semaphore_mem>>
    %dma_wait3A_617 = tpu.memref_squeeze %dma_wait3A_616 : memref<1x!tpu.dma_semaphore, #tpu.memory_space<semaphore_mem>> -> memref<!tpu.dma_semaphore, #tpu.memory_space<semaphore_mem>>
    tpu.wait_indirect_dma semaphore(%dma_wait3A_617 : memref<!tpu.dma_semaphore, #tpu.memory_space<semaphore_mem>>) src(%dma_wait3A_615 : memref<250000x128xi32, #tpu.memory_space<hbm>>) dst(%dma_wait3A_609 : memref<128x128xi32, #tpu.memory_space<vmem>>)
    %add3A_618 = arith.constant 256 : i32
    %add3A_619 = arith.addi %mul3A_2, %add3A_618 : i32
    %dma_start3A_620 = arith.constant 2 : i32
    %dma_start3A_621 = arith.constant 2 : i32
    %dma_start3A_622 = arith.constant 0 : i32
    %dma_start3A_623 = arith.constant 0 : i32
    %dma_start3A_624 = tpu.memref_slice %arg13[%dma_start3A_620, %dma_start3A_622, %dma_start3A_623] : memref<6x128x128xi32, #tpu.memory_space<vmem>> -> memref<1x128x128xi32, #tpu.memory_space<vmem>>
    %dma_start3A_625 = tpu.memref_squeeze %dma_start3A_624 : memref<1x128x128xi32, #tpu.memory_space<vmem>> -> memref<128x128xi32, #tpu.memory_space<vmem>>
    %dma_start3A_626 = arith.constant 0 : i32
    %dma_start3A_627 = tpu.memref_slice %arg7[%add3A_619, %dma_start3A_626] : memref<16384x128xi32, #tpu.memory_space<hbm>> -> memref<128x128xi32, #tpu.memory_space<hbm>>
    %dma_start3A_628 = tpu.memref_slice %arg15[%dma_start3A_621] : memref<6x!tpu.dma_semaphore, #tpu.memory_space<semaphore_mem>> -> memref<1x!tpu.dma_semaphore, #tpu.memory_space<semaphore_mem>>
    %dma_start3A_629 = tpu.memref_squeeze %dma_start3A_628 : memref<1x!tpu.dma_semaphore, #tpu.memory_space<semaphore_mem>> -> memref<!tpu.dma_semaphore, #tpu.memory_space<semaphore_mem>>
    %dma_start3A_630 = arith.constant 0 : i32
    %dma_start3A_631 = tpu.memref_slice %arg7[%add3A_619, %dma_start3A_630] : memref<16384x128xi32, #tpu.memory_space<hbm>> -> memref<128x128xi32, #tpu.memory_space<hbm>>
    %dma_start3A_632 = arith.constant 0 : i32
    %dma_start3A_633 = arith.constant 0 : i32
    %dma_start3A_634 = tpu.memref_slice %arg13[%dma_start3A_620, %dma_start3A_632, %dma_start3A_633] : memref<6x128x128xi32, #tpu.memory_space<vmem>> -> memref<1x128x128xi32, #tpu.memory_space<vmem>>
    %dma_start3A_635 = tpu.memref_squeeze %dma_start3A_634 : memref<1x128x128xi32, #tpu.memory_space<vmem>> -> memref<128x128xi32, #tpu.memory_space<vmem>>
    tpu.enqueue_dma source(%dma_start3A_635 : memref<128x128xi32, #tpu.memory_space<vmem>>) target(%dma_start3A_631 : memref<128x128xi32, #tpu.memory_space<hbm>>) target_semaphore(%dma_start3A_629 : memref<!tpu.dma_semaphore, #tpu.memory_space<semaphore_mem>>)
    %dma_wait3A_636 = arith.constant 2 : i32
    %dma_wait3A_637 = arith.constant 2 : i32
    %dma_wait3A_638 = arith.constant 0 : i32
    %dma_wait3A_639 = arith.constant 0 : i32
    %dma_wait3A_640 = tpu.memref_slice %arg13[%dma_wait3A_636, %dma_wait3A_638, %dma_wait3A_639] : memref<6x128x128xi32, #tpu.memory_space<vmem>> -> memref<1x128x128xi32, #tpu.memory_space<vmem>>
    %dma_wait3A_641 = tpu.memref_squeeze %dma_wait3A_640 : memref<1x128x128xi32, #tpu.memory_space<vmem>> -> memref<128x128xi32, #tpu.memory_space<vmem>>
    %dma_wait3A_642 = arith.constant 0 : i32
    %dma_wait3A_643 = tpu.memref_slice %arg7[%add3A_619, %dma_wait3A_642] : memref<16384x128xi32, #tpu.memory_space<hbm>> -> memref<128x128xi32, #tpu.memory_space<hbm>>
    %dma_wait3A_644 = tpu.memref_slice %arg15[%dma_wait3A_637] : memref<6x!tpu.dma_semaphore, #tpu.memory_space<semaphore_mem>> -> memref<1x!tpu.dma_semaphore, #tpu.memory_space<semaphore_mem>>
    %dma_wait3A_645 = tpu.memref_squeeze %dma_wait3A_644 : memref<1x!tpu.dma_semaphore, #tpu.memory_space<semaphore_mem>> -> memref<!tpu.dma_semaphore, #tpu.memory_space<semaphore_mem>>
    %dma_wait3A_646 = arith.constant 0 : i32
    %dma_wait3A_647 = tpu.memref_slice %arg7[%add3A_619, %dma_wait3A_646] : memref<16384x128xi32, #tpu.memory_space<hbm>> -> memref<128x128xi32, #tpu.memory_space<hbm>>
    %dma_wait3A_648 = arith.constant 0 : i32
    %dma_wait3A_649 = arith.constant 0 : i32
    %dma_wait3A_650 = tpu.memref_slice %arg13[%dma_wait3A_636, %dma_wait3A_648, %dma_wait3A_649] : memref<6x128x128xi32, #tpu.memory_space<vmem>> -> memref<1x128x128xi32, #tpu.memory_space<vmem>>
    %dma_wait3A_651 = tpu.memref_squeeze %dma_wait3A_650 : memref<1x128x128xi32, #tpu.memory_space<vmem>> -> memref<128x128xi32, #tpu.memory_space<vmem>>
    tpu.wait_dma2 semaphore(%dma_wait3A_645 : memref<!tpu.dma_semaphore, #tpu.memory_space<semaphore_mem>>) src(%dma_wait3A_651 : memref<128x128xi32, #tpu.memory_space<vmem>>) dst(%dma_wait3A_647 : memref<128x128xi32, #tpu.memory_space<hbm>>)
    %dma_start3A_652 = arith.constant 3 : i32
    %dma_start3A_653 = arith.constant 2 : i32
    %dma_start3A_654 = arith.constant 2 : i32
    %dma_start3A_655 = arith.constant 0 : i32
    %dma_start3A_656 = arith.constant 0 : i32
    %dma_start3A_657 = tpu.memref_slice %arg13[%dma_start3A_653, %dma_start3A_655, %dma_start3A_656] : memref<6x128x128xi32, #tpu.memory_space<vmem>> -> memref<1x128x128xi32, #tpu.memory_space<vmem>>
    %dma_start3A_658 = tpu.memref_squeeze %dma_start3A_657 : memref<1x128x128xi32, #tpu.memory_space<vmem>> -> memref<128x128xi32, #tpu.memory_space<vmem>>
    %dma_start3A_659 = arith.constant 0 : i32
    %dma_start3A_660 = tpu.memref_slice %arg11[%dma_start3A_652, %dma_start3A_659] : memref<4x128xi32, #tpu.memory_space<vmem>> -> memref<1x128xi32, #tpu.memory_space<vmem>>
    %dma_start3A_661 = tpu.memref_squeeze %dma_start3A_660 : memref<1x128xi32, #tpu.memory_space<vmem>> -> memref<128xi32, #tpu.memory_space<vmem>>
    %dma_start3A_662 = arith.constant 0 : i32
    %dma_start3A_663 = arith.constant 0 : i32
    %dma_start3A_664 = tpu.memref_slice %arg4[%dma_start3A_662, %dma_start3A_663] : memref<250000x128xi32, #tpu.memory_space<hbm>> -> memref<250000x128xi32, #tpu.memory_space<hbm>>
    %dma_start3A_665 = tpu.memref_slice %arg14[%dma_start3A_654] : memref<6x!tpu.dma_semaphore, #tpu.memory_space<semaphore_mem>> -> memref<1x!tpu.dma_semaphore, #tpu.memory_space<semaphore_mem>>
    %dma_start3A_666 = tpu.memref_squeeze %dma_start3A_665 : memref<1x!tpu.dma_semaphore, #tpu.memory_space<semaphore_mem>> -> memref<!tpu.dma_semaphore, #tpu.memory_space<semaphore_mem>>
    tpu.enqueue_indirect_dma source(%dma_start3A_664 : memref<250000x128xi32, #tpu.memory_space<hbm>>) target(%dma_start3A_658 : memref<128x128xi32, #tpu.memory_space<vmem>>) offsets(%dma_start3A_661 : memref<128xi32, #tpu.memory_space<vmem>>) semaphore(%dma_start3A_666 : memref<!tpu.dma_semaphore, #tpu.memory_space<semaphore_mem>>)
    %dma_wait3A_667 = arith.constant 2 : i32
    %dma_wait3A_668 = arith.constant 3 : i32
    %dma_wait3A_669 = arith.constant 3 : i32
    %dma_wait3A_670 = arith.constant 0 : i32
    %dma_wait3A_671 = arith.constant 0 : i32
    %dma_wait3A_672 = tpu.memref_slice %arg13[%dma_wait3A_668, %dma_wait3A_670, %dma_wait3A_671] : memref<6x128x128xi32, #tpu.memory_space<vmem>> -> memref<1x128x128xi32, #tpu.memory_space<vmem>>
    %dma_wait3A_673 = tpu.memref_squeeze %dma_wait3A_672 : memref<1x128x128xi32, #tpu.memory_space<vmem>> -> memref<128x128xi32, #tpu.memory_space<vmem>>
    %dma_wait3A_674 = arith.constant 0 : i32
    %dma_wait3A_675 = tpu.memref_slice %arg12[%dma_wait3A_667, %dma_wait3A_674] : memref<4x128xi32, #tpu.memory_space<vmem>> -> memref<1x128xi32, #tpu.memory_space<vmem>>
    %dma_wait3A_676 = tpu.memref_squeeze %dma_wait3A_675 : memref<1x128xi32, #tpu.memory_space<vmem>> -> memref<128xi32, #tpu.memory_space<vmem>>
    %dma_wait3A_677 = arith.constant 0 : i32
    %dma_wait3A_678 = arith.constant 0 : i32
    %dma_wait3A_679 = tpu.memref_slice %arg6[%dma_wait3A_677, %dma_wait3A_678] : memref<250000x128xi32, #tpu.memory_space<hbm>> -> memref<250000x128xi32, #tpu.memory_space<hbm>>
    %dma_wait3A_680 = tpu.memref_slice %arg14[%dma_wait3A_669] : memref<6x!tpu.dma_semaphore, #tpu.memory_space<semaphore_mem>> -> memref<1x!tpu.dma_semaphore, #tpu.memory_space<semaphore_mem>>
    %dma_wait3A_681 = tpu.memref_squeeze %dma_wait3A_680 : memref<1x!tpu.dma_semaphore, #tpu.memory_space<semaphore_mem>> -> memref<!tpu.dma_semaphore, #tpu.memory_space<semaphore_mem>>
    tpu.wait_indirect_dma semaphore(%dma_wait3A_681 : memref<!tpu.dma_semaphore, #tpu.memory_space<semaphore_mem>>) src(%dma_wait3A_679 : memref<250000x128xi32, #tpu.memory_space<hbm>>) dst(%dma_wait3A_673 : memref<128x128xi32, #tpu.memory_space<vmem>>)
    %add3A_682 = arith.constant 256 : i32
    %add3A_683 = arith.addi %mul3A_2, %add3A_682 : i32
    %dma_start3A_684 = arith.constant 3 : i32
    %dma_start3A_685 = arith.constant 3 : i32
    %dma_start3A_686 = arith.constant 0 : i32
    %dma_start3A_687 = arith.constant 0 : i32
    %dma_start3A_688 = tpu.memref_slice %arg13[%dma_start3A_684, %dma_start3A_686, %dma_start3A_687] : memref<6x128x128xi32, #tpu.memory_space<vmem>> -> memref<1x128x128xi32, #tpu.memory_space<vmem>>
    %dma_start3A_689 = tpu.memref_squeeze %dma_start3A_688 : memref<1x128x128xi32, #tpu.memory_space<vmem>> -> memref<128x128xi32, #tpu.memory_space<vmem>>
    %dma_start3A_690 = arith.constant 0 : i32
    %dma_start3A_691 = tpu.memref_slice %arg8[%add3A_683, %dma_start3A_690] : memref<16384x128xi32, #tpu.memory_space<hbm>> -> memref<128x128xi32, #tpu.memory_space<hbm>>
    %dma_start3A_692 = tpu.memref_slice %arg15[%dma_start3A_685] : memref<6x!tpu.dma_semaphore, #tpu.memory_space<semaphore_mem>> -> memref<1x!tpu.dma_semaphore, #tpu.memory_space<semaphore_mem>>
    %dma_start3A_693 = tpu.memref_squeeze %dma_start3A_692 : memref<1x!tpu.dma_semaphore, #tpu.memory_space<semaphore_mem>> -> memref<!tpu.dma_semaphore, #tpu.memory_space<semaphore_mem>>
    %dma_start3A_694 = arith.constant 0 : i32
    %dma_start3A_695 = tpu.memref_slice %arg8[%add3A_683, %dma_start3A_694] : memref<16384x128xi32, #tpu.memory_space<hbm>> -> memref<128x128xi32, #tpu.memory_space<hbm>>
    %dma_start3A_696 = arith.constant 0 : i32
    %dma_start3A_697 = arith.constant 0 : i32
    %dma_start3A_698 = tpu.memref_slice %arg13[%dma_start3A_684, %dma_start3A_696, %dma_start3A_697] : memref<6x128x128xi32, #tpu.memory_space<vmem>> -> memref<1x128x128xi32, #tpu.memory_space<vmem>>
    %dma_start3A_699 = tpu.memref_squeeze %dma_start3A_698 : memref<1x128x128xi32, #tpu.memory_space<vmem>> -> memref<128x128xi32, #tpu.memory_space<vmem>>
    tpu.enqueue_dma source(%dma_start3A_699 : memref<128x128xi32, #tpu.memory_space<vmem>>) target(%dma_start3A_695 : memref<128x128xi32, #tpu.memory_space<hbm>>) target_semaphore(%dma_start3A_693 : memref<!tpu.dma_semaphore, #tpu.memory_space<semaphore_mem>>)
    %dma_wait3A_700 = arith.constant 3 : i32
    %dma_wait3A_701 = arith.constant 3 : i32
    %dma_wait3A_702 = arith.constant 0 : i32
    %dma_wait3A_703 = arith.constant 0 : i32
    %dma_wait3A_704 = tpu.memref_slice %arg13[%dma_wait3A_700, %dma_wait3A_702, %dma_wait3A_703] : memref<6x128x128xi32, #tpu.memory_space<vmem>> -> memref<1x128x128xi32, #tpu.memory_space<vmem>>
    %dma_wait3A_705 = tpu.memref_squeeze %dma_wait3A_704 : memref<1x128x128xi32, #tpu.memory_space<vmem>> -> memref<128x128xi32, #tpu.memory_space<vmem>>
    %dma_wait3A_706 = arith.constant 0 : i32
    %dma_wait3A_707 = tpu.memref_slice %arg8[%add3A_683, %dma_wait3A_706] : memref<16384x128xi32, #tpu.memory_space<hbm>> -> memref<128x128xi32, #tpu.memory_space<hbm>>
    %dma_wait3A_708 = tpu.memref_slice %arg15[%dma_wait3A_701] : memref<6x!tpu.dma_semaphore, #tpu.memory_space<semaphore_mem>> -> memref<1x!tpu.dma_semaphore, #tpu.memory_space<semaphore_mem>>
    %dma_wait3A_709 = tpu.memref_squeeze %dma_wait3A_708 : memref<1x!tpu.dma_semaphore, #tpu.memory_space<semaphore_mem>> -> memref<!tpu.dma_semaphore, #tpu.memory_space<semaphore_mem>>
    %dma_wait3A_710 = arith.constant 0 : i32
    %dma_wait3A_711 = tpu.memref_slice %arg8[%add3A_683, %dma_wait3A_710] : memref<16384x128xi32, #tpu.memory_space<hbm>> -> memref<128x128xi32, #tpu.memory_space<hbm>>
    %dma_wait3A_712 = arith.constant 0 : i32
    %dma_wait3A_713 = arith.constant 0 : i32
    %dma_wait3A_714 = tpu.memref_slice %arg13[%dma_wait3A_700, %dma_wait3A_712, %dma_wait3A_713] : memref<6x128x128xi32, #tpu.memory_space<vmem>> -> memref<1x128x128xi32, #tpu.memory_space<vmem>>
    %dma_wait3A_715 = tpu.memref_squeeze %dma_wait3A_714 : memref<1x128x128xi32, #tpu.memory_space<vmem>> -> memref<128x128xi32, #tpu.memory_space<vmem>>
    tpu.wait_dma2 semaphore(%dma_wait3A_709 : memref<!tpu.dma_semaphore, #tpu.memory_space<semaphore_mem>>) src(%dma_wait3A_715 : memref<128x128xi32, #tpu.memory_space<vmem>>) dst(%dma_wait3A_711 : memref<128x128xi32, #tpu.memory_space<hbm>>)
    %dma_start3A_716 = arith.constant 3 : i32
    %dma_start3A_717 = arith.constant 3 : i32
    %dma_start3A_718 = arith.constant 3 : i32
    %dma_start3A_719 = arith.constant 0 : i32
    %dma_start3A_720 = arith.constant 0 : i32
    %dma_start3A_721 = tpu.memref_slice %arg13[%dma_start3A_717, %dma_start3A_719, %dma_start3A_720] : memref<6x128x128xi32, #tpu.memory_space<vmem>> -> memref<1x128x128xi32, #tpu.memory_space<vmem>>
    %dma_start3A_722 = tpu.memref_squeeze %dma_start3A_721 : memref<1x128x128xi32, #tpu.memory_space<vmem>> -> memref<128x128xi32, #tpu.memory_space<vmem>>
    %dma_start3A_723 = arith.constant 0 : i32
    %dma_start3A_724 = tpu.memref_slice %arg12[%dma_start3A_716, %dma_start3A_723] : memref<4x128xi32, #tpu.memory_space<vmem>> -> memref<1x128xi32, #tpu.memory_space<vmem>>
    %dma_start3A_725 = tpu.memref_squeeze %dma_start3A_724 : memref<1x128xi32, #tpu.memory_space<vmem>> -> memref<128xi32, #tpu.memory_space<vmem>>
    %dma_start3A_726 = arith.constant 0 : i32
    %dma_start3A_727 = arith.constant 0 : i32
    %dma_start3A_728 = tpu.memref_slice %arg4[%dma_start3A_726, %dma_start3A_727] : memref<250000x128xi32, #tpu.memory_space<hbm>> -> memref<250000x128xi32, #tpu.memory_space<hbm>>
    %dma_start3A_729 = tpu.memref_slice %arg14[%dma_start3A_718] : memref<6x!tpu.dma_semaphore, #tpu.memory_space<semaphore_mem>> -> memref<1x!tpu.dma_semaphore, #tpu.memory_space<semaphore_mem>>
    %dma_start3A_730 = tpu.memref_squeeze %dma_start3A_729 : memref<1x!tpu.dma_semaphore, #tpu.memory_space<semaphore_mem>> -> memref<!tpu.dma_semaphore, #tpu.memory_space<semaphore_mem>>
    tpu.enqueue_indirect_dma source(%dma_start3A_728 : memref<250000x128xi32, #tpu.memory_space<hbm>>) target(%dma_start3A_722 : memref<128x128xi32, #tpu.memory_space<vmem>>) offsets(%dma_start3A_725 : memref<128xi32, #tpu.memory_space<vmem>>) semaphore(%dma_start3A_730 : memref<!tpu.dma_semaphore, #tpu.memory_space<semaphore_mem>>)
    %dma_wait3A_731 = arith.constant 2 : i32
    %dma_wait3A_732 = arith.constant 4 : i32
    %dma_wait3A_733 = arith.constant 4 : i32
    %dma_wait3A_734 = arith.constant 0 : i32
    %dma_wait3A_735 = arith.constant 0 : i32
    %dma_wait3A_736 = tpu.memref_slice %arg13[%dma_wait3A_732, %dma_wait3A_734, %dma_wait3A_735] : memref<6x128x128xi32, #tpu.memory_space<vmem>> -> memref<1x128x128xi32, #tpu.memory_space<vmem>>
    %dma_wait3A_737 = tpu.memref_squeeze %dma_wait3A_736 : memref<1x128x128xi32, #tpu.memory_space<vmem>> -> memref<128x128xi32, #tpu.memory_space<vmem>>
    %dma_wait3A_738 = arith.constant 0 : i32
    %dma_wait3A_739 = tpu.memref_slice %arg11[%dma_wait3A_731, %dma_wait3A_738] : memref<4x128xi32, #tpu.memory_space<vmem>> -> memref<1x128xi32, #tpu.memory_space<vmem>>
    %dma_wait3A_740 = tpu.memref_squeeze %dma_wait3A_739 : memref<1x128xi32, #tpu.memory_space<vmem>> -> memref<128xi32, #tpu.memory_space<vmem>>
    %dma_wait3A_741 = arith.constant 0 : i32
    %dma_wait3A_742 = arith.constant 0 : i32
    %dma_wait3A_743 = tpu.memref_slice %arg4[%dma_wait3A_741, %dma_wait3A_742] : memref<250000x128xi32, #tpu.memory_space<hbm>> -> memref<250000x128xi32, #tpu.memory_space<hbm>>
    %dma_wait3A_744 = tpu.memref_slice %arg14[%dma_wait3A_733] : memref<6x!tpu.dma_semaphore, #tpu.memory_space<semaphore_mem>> -> memref<1x!tpu.dma_semaphore, #tpu.memory_space<semaphore_mem>>
    %dma_wait3A_745 = tpu.memref_squeeze %dma_wait3A_744 : memref<1x!tpu.dma_semaphore, #tpu.memory_space<semaphore_mem>> -> memref<!tpu.dma_semaphore, #tpu.memory_space<semaphore_mem>>
    tpu.wait_indirect_dma semaphore(%dma_wait3A_745 : memref<!tpu.dma_semaphore, #tpu.memory_space<semaphore_mem>>) src(%dma_wait3A_743 : memref<250000x128xi32, #tpu.memory_space<hbm>>) dst(%dma_wait3A_737 : memref<128x128xi32, #tpu.memory_space<vmem>>)
    %add3A_746 = arith.constant 256 : i32
    %add3A_747 = arith.addi %mul3A_2, %add3A_746 : i32
    %dma_start3A_748 = arith.constant 4 : i32
    %dma_start3A_749 = arith.constant 4 : i32
    %dma_start3A_750 = arith.constant 0 : i32
    %dma_start3A_751 = arith.constant 0 : i32
    %dma_start3A_752 = tpu.memref_slice %arg13[%dma_start3A_748, %dma_start3A_750, %dma_start3A_751] : memref<6x128x128xi32, #tpu.memory_space<vmem>> -> memref<1x128x128xi32, #tpu.memory_space<vmem>>
    %dma_start3A_753 = tpu.memref_squeeze %dma_start3A_752 : memref<1x128x128xi32, #tpu.memory_space<vmem>> -> memref<128x128xi32, #tpu.memory_space<vmem>>
    %dma_start3A_754 = arith.constant 0 : i32
    %dma_start3A_755 = tpu.memref_slice %arg9[%add3A_747, %dma_start3A_754] : memref<16384x128xi32, #tpu.memory_space<hbm>> -> memref<128x128xi32, #tpu.memory_space<hbm>>
    %dma_start3A_756 = tpu.memref_slice %arg15[%dma_start3A_749] : memref<6x!tpu.dma_semaphore, #tpu.memory_space<semaphore_mem>> -> memref<1x!tpu.dma_semaphore, #tpu.memory_space<semaphore_mem>>
    %dma_start3A_757 = tpu.memref_squeeze %dma_start3A_756 : memref<1x!tpu.dma_semaphore, #tpu.memory_space<semaphore_mem>> -> memref<!tpu.dma_semaphore, #tpu.memory_space<semaphore_mem>>
    %dma_start3A_758 = arith.constant 0 : i32
    %dma_start3A_759 = tpu.memref_slice %arg9[%add3A_747, %dma_start3A_758] : memref<16384x128xi32, #tpu.memory_space<hbm>> -> memref<128x128xi32, #tpu.memory_space<hbm>>
    %dma_start3A_760 = arith.constant 0 : i32
    %dma_start3A_761 = arith.constant 0 : i32
    %dma_start3A_762 = tpu.memref_slice %arg13[%dma_start3A_748, %dma_start3A_760, %dma_start3A_761] : memref<6x128x128xi32, #tpu.memory_space<vmem>> -> memref<1x128x128xi32, #tpu.memory_space<vmem>>
    %dma_start3A_763 = tpu.memref_squeeze %dma_start3A_762 : memref<1x128x128xi32, #tpu.memory_space<vmem>> -> memref<128x128xi32, #tpu.memory_space<vmem>>
    tpu.enqueue_dma source(%dma_start3A_763 : memref<128x128xi32, #tpu.memory_space<vmem>>) target(%dma_start3A_759 : memref<128x128xi32, #tpu.memory_space<hbm>>) target_semaphore(%dma_start3A_757 : memref<!tpu.dma_semaphore, #tpu.memory_space<semaphore_mem>>)
    %dma_wait3A_764 = arith.constant 2 : i32
    %dma_wait3A_765 = arith.constant 5 : i32
    %dma_wait3A_766 = arith.constant 5 : i32
    %dma_wait3A_767 = arith.constant 0 : i32
    %dma_wait3A_768 = arith.constant 0 : i32
    %dma_wait3A_769 = tpu.memref_slice %arg13[%dma_wait3A_765, %dma_wait3A_767, %dma_wait3A_768] : memref<6x128x128xi32, #tpu.memory_space<vmem>> -> memref<1x128x128xi32, #tpu.memory_space<vmem>>
    %dma_wait3A_770 = tpu.memref_squeeze %dma_wait3A_769 : memref<1x128x128xi32, #tpu.memory_space<vmem>> -> memref<128x128xi32, #tpu.memory_space<vmem>>
    %dma_wait3A_771 = arith.constant 0 : i32
    %dma_wait3A_772 = tpu.memref_slice %arg12[%dma_wait3A_764, %dma_wait3A_771] : memref<4x128xi32, #tpu.memory_space<vmem>> -> memref<1x128xi32, #tpu.memory_space<vmem>>
    %dma_wait3A_773 = tpu.memref_squeeze %dma_wait3A_772 : memref<1x128xi32, #tpu.memory_space<vmem>> -> memref<128xi32, #tpu.memory_space<vmem>>
    %dma_wait3A_774 = arith.constant 0 : i32
    %dma_wait3A_775 = arith.constant 0 : i32
    %dma_wait3A_776 = tpu.memref_slice %arg4[%dma_wait3A_774, %dma_wait3A_775] : memref<250000x128xi32, #tpu.memory_space<hbm>> -> memref<250000x128xi32, #tpu.memory_space<hbm>>
    %dma_wait3A_777 = tpu.memref_slice %arg14[%dma_wait3A_766] : memref<6x!tpu.dma_semaphore, #tpu.memory_space<semaphore_mem>> -> memref<1x!tpu.dma_semaphore, #tpu.memory_space<semaphore_mem>>
    %dma_wait3A_778 = tpu.memref_squeeze %dma_wait3A_777 : memref<1x!tpu.dma_semaphore, #tpu.memory_space<semaphore_mem>> -> memref<!tpu.dma_semaphore, #tpu.memory_space<semaphore_mem>>
    tpu.wait_indirect_dma semaphore(%dma_wait3A_778 : memref<!tpu.dma_semaphore, #tpu.memory_space<semaphore_mem>>) src(%dma_wait3A_776 : memref<250000x128xi32, #tpu.memory_space<hbm>>) dst(%dma_wait3A_770 : memref<128x128xi32, #tpu.memory_space<vmem>>)
    %add3A_779 = arith.constant 256 : i32
    %add3A_780 = arith.addi %mul3A_2, %add3A_779 : i32
    %dma_start3A_781 = arith.constant 5 : i32
    %dma_start3A_782 = arith.constant 5 : i32
    %dma_start3A_783 = arith.constant 0 : i32
    %dma_start3A_784 = arith.constant 0 : i32
    %dma_start3A_785 = tpu.memref_slice %arg13[%dma_start3A_781, %dma_start3A_783, %dma_start3A_784] : memref<6x128x128xi32, #tpu.memory_space<vmem>> -> memref<1x128x128xi32, #tpu.memory_space<vmem>>
    %dma_start3A_786 = tpu.memref_squeeze %dma_start3A_785 : memref<1x128x128xi32, #tpu.memory_space<vmem>> -> memref<128x128xi32, #tpu.memory_space<vmem>>
    %dma_start3A_787 = arith.constant 0 : i32
    %dma_start3A_788 = tpu.memref_slice %arg10[%add3A_780, %dma_start3A_787] : memref<16384x128xi32, #tpu.memory_space<hbm>> -> memref<128x128xi32, #tpu.memory_space<hbm>>
    %dma_start3A_789 = tpu.memref_slice %arg15[%dma_start3A_782] : memref<6x!tpu.dma_semaphore, #tpu.memory_space<semaphore_mem>> -> memref<1x!tpu.dma_semaphore, #tpu.memory_space<semaphore_mem>>
    %dma_start3A_790 = tpu.memref_squeeze %dma_start3A_789 : memref<1x!tpu.dma_semaphore, #tpu.memory_space<semaphore_mem>> -> memref<!tpu.dma_semaphore, #tpu.memory_space<semaphore_mem>>
    %dma_start3A_791 = arith.constant 0 : i32
    %dma_start3A_792 = tpu.memref_slice %arg10[%add3A_780, %dma_start3A_791] : memref<16384x128xi32, #tpu.memory_space<hbm>> -> memref<128x128xi32, #tpu.memory_space<hbm>>
    %dma_start3A_793 = arith.constant 0 : i32
    %dma_start3A_794 = arith.constant 0 : i32
    %dma_start3A_795 = tpu.memref_slice %arg13[%dma_start3A_781, %dma_start3A_793, %dma_start3A_794] : memref<6x128x128xi32, #tpu.memory_space<vmem>> -> memref<1x128x128xi32, #tpu.memory_space<vmem>>
    %dma_start3A_796 = tpu.memref_squeeze %dma_start3A_795 : memref<1x128x128xi32, #tpu.memory_space<vmem>> -> memref<128x128xi32, #tpu.memory_space<vmem>>
    tpu.enqueue_dma source(%dma_start3A_796 : memref<128x128xi32, #tpu.memory_space<vmem>>) target(%dma_start3A_792 : memref<128x128xi32, #tpu.memory_space<hbm>>) target_semaphore(%dma_start3A_790 : memref<!tpu.dma_semaphore, #tpu.memory_space<semaphore_mem>>)
    %dma_wait3A_797 = arith.constant 3 : i32
    %dma_wait3A_798 = arith.constant 0 : i32
    %dma_wait3A_799 = arith.constant 0 : i32
    %dma_wait3A_800 = arith.constant 0 : i32
    %dma_wait3A_801 = arith.constant 0 : i32
    %dma_wait3A_802 = tpu.memref_slice %arg13[%dma_wait3A_798, %dma_wait3A_800, %dma_wait3A_801] : memref<6x128x128xi32, #tpu.memory_space<vmem>> -> memref<1x128x128xi32, #tpu.memory_space<vmem>>
    %dma_wait3A_803 = tpu.memref_squeeze %dma_wait3A_802 : memref<1x128x128xi32, #tpu.memory_space<vmem>> -> memref<128x128xi32, #tpu.memory_space<vmem>>
    %dma_wait3A_804 = arith.constant 0 : i32
    %dma_wait3A_805 = tpu.memref_slice %arg11[%dma_wait3A_797, %dma_wait3A_804] : memref<4x128xi32, #tpu.memory_space<vmem>> -> memref<1x128xi32, #tpu.memory_space<vmem>>
    %dma_wait3A_806 = tpu.memref_squeeze %dma_wait3A_805 : memref<1x128xi32, #tpu.memory_space<vmem>> -> memref<128xi32, #tpu.memory_space<vmem>>
    %dma_wait3A_807 = arith.constant 0 : i32
    %dma_wait3A_808 = arith.constant 0 : i32
    %dma_wait3A_809 = tpu.memref_slice %arg5[%dma_wait3A_807, %dma_wait3A_808] : memref<250000x128xi32, #tpu.memory_space<hbm>> -> memref<250000x128xi32, #tpu.memory_space<hbm>>
    %dma_wait3A_810 = tpu.memref_slice %arg14[%dma_wait3A_799] : memref<6x!tpu.dma_semaphore, #tpu.memory_space<semaphore_mem>> -> memref<1x!tpu.dma_semaphore, #tpu.memory_space<semaphore_mem>>
    %dma_wait3A_811 = tpu.memref_squeeze %dma_wait3A_810 : memref<1x!tpu.dma_semaphore, #tpu.memory_space<semaphore_mem>> -> memref<!tpu.dma_semaphore, #tpu.memory_space<semaphore_mem>>
    tpu.wait_indirect_dma semaphore(%dma_wait3A_811 : memref<!tpu.dma_semaphore, #tpu.memory_space<semaphore_mem>>) src(%dma_wait3A_809 : memref<250000x128xi32, #tpu.memory_space<hbm>>) dst(%dma_wait3A_803 : memref<128x128xi32, #tpu.memory_space<vmem>>)
    %add3A_812 = arith.constant 384 : i32
    %add3A_813 = arith.addi %mul3A_2, %add3A_812 : i32
    %dma_start3A_814 = arith.constant 0 : i32
    %dma_start3A_815 = arith.constant 0 : i32
    %dma_start3A_816 = arith.constant 0 : i32
    %dma_start3A_817 = arith.constant 0 : i32
    %dma_start3A_818 = tpu.memref_slice %arg13[%dma_start3A_814, %dma_start3A_816, %dma_start3A_817] : memref<6x128x128xi32, #tpu.memory_space<vmem>> -> memref<1x128x128xi32, #tpu.memory_space<vmem>>
    %dma_start3A_819 = tpu.memref_squeeze %dma_start3A_818 : memref<1x128x128xi32, #tpu.memory_space<vmem>> -> memref<128x128xi32, #tpu.memory_space<vmem>>
    %dma_start3A_820 = arith.constant 0 : i32
    %dma_start3A_821 = tpu.memref_slice %arg7[%add3A_813, %dma_start3A_820] : memref<16384x128xi32, #tpu.memory_space<hbm>> -> memref<128x128xi32, #tpu.memory_space<hbm>>
    %dma_start3A_822 = tpu.memref_slice %arg15[%dma_start3A_815] : memref<6x!tpu.dma_semaphore, #tpu.memory_space<semaphore_mem>> -> memref<1x!tpu.dma_semaphore, #tpu.memory_space<semaphore_mem>>
    %dma_start3A_823 = tpu.memref_squeeze %dma_start3A_822 : memref<1x!tpu.dma_semaphore, #tpu.memory_space<semaphore_mem>> -> memref<!tpu.dma_semaphore, #tpu.memory_space<semaphore_mem>>
    %dma_start3A_824 = arith.constant 0 : i32
    %dma_start3A_825 = tpu.memref_slice %arg7[%add3A_813, %dma_start3A_824] : memref<16384x128xi32, #tpu.memory_space<hbm>> -> memref<128x128xi32, #tpu.memory_space<hbm>>
    %dma_start3A_826 = arith.constant 0 : i32
    %dma_start3A_827 = arith.constant 0 : i32
    %dma_start3A_828 = tpu.memref_slice %arg13[%dma_start3A_814, %dma_start3A_826, %dma_start3A_827] : memref<6x128x128xi32, #tpu.memory_space<vmem>> -> memref<1x128x128xi32, #tpu.memory_space<vmem>>
    %dma_start3A_829 = tpu.memref_squeeze %dma_start3A_828 : memref<1x128x128xi32, #tpu.memory_space<vmem>> -> memref<128x128xi32, #tpu.memory_space<vmem>>
    tpu.enqueue_dma source(%dma_start3A_829 : memref<128x128xi32, #tpu.memory_space<vmem>>) target(%dma_start3A_825 : memref<128x128xi32, #tpu.memory_space<hbm>>) target_semaphore(%dma_start3A_823 : memref<!tpu.dma_semaphore, #tpu.memory_space<semaphore_mem>>)
    %dma_wait3A_830 = arith.constant 3 : i32
    %dma_wait3A_831 = arith.constant 1 : i32
    %dma_wait3A_832 = arith.constant 1 : i32
    %dma_wait3A_833 = arith.constant 0 : i32
    %dma_wait3A_834 = arith.constant 0 : i32
    %dma_wait3A_835 = tpu.memref_slice %arg13[%dma_wait3A_831, %dma_wait3A_833, %dma_wait3A_834] : memref<6x128x128xi32, #tpu.memory_space<vmem>> -> memref<1x128x128xi32, #tpu.memory_space<vmem>>
    %dma_wait3A_836 = tpu.memref_squeeze %dma_wait3A_835 : memref<1x128x128xi32, #tpu.memory_space<vmem>> -> memref<128x128xi32, #tpu.memory_space<vmem>>
    %dma_wait3A_837 = arith.constant 0 : i32
    %dma_wait3A_838 = tpu.memref_slice %arg12[%dma_wait3A_830, %dma_wait3A_837] : memref<4x128xi32, #tpu.memory_space<vmem>> -> memref<1x128xi32, #tpu.memory_space<vmem>>
    %dma_wait3A_839 = tpu.memref_squeeze %dma_wait3A_838 : memref<1x128xi32, #tpu.memory_space<vmem>> -> memref<128xi32, #tpu.memory_space<vmem>>
    %dma_wait3A_840 = arith.constant 0 : i32
    %dma_wait3A_841 = arith.constant 0 : i32
    %dma_wait3A_842 = tpu.memref_slice %arg6[%dma_wait3A_840, %dma_wait3A_841] : memref<250000x128xi32, #tpu.memory_space<hbm>> -> memref<250000x128xi32, #tpu.memory_space<hbm>>
    %dma_wait3A_843 = tpu.memref_slice %arg14[%dma_wait3A_832] : memref<6x!tpu.dma_semaphore, #tpu.memory_space<semaphore_mem>> -> memref<1x!tpu.dma_semaphore, #tpu.memory_space<semaphore_mem>>
    %dma_wait3A_844 = tpu.memref_squeeze %dma_wait3A_843 : memref<1x!tpu.dma_semaphore, #tpu.memory_space<semaphore_mem>> -> memref<!tpu.dma_semaphore, #tpu.memory_space<semaphore_mem>>
    tpu.wait_indirect_dma semaphore(%dma_wait3A_844 : memref<!tpu.dma_semaphore, #tpu.memory_space<semaphore_mem>>) src(%dma_wait3A_842 : memref<250000x128xi32, #tpu.memory_space<hbm>>) dst(%dma_wait3A_836 : memref<128x128xi32, #tpu.memory_space<vmem>>)
    %add3A_845 = arith.constant 384 : i32
    %add3A_846 = arith.addi %mul3A_2, %add3A_845 : i32
    %dma_start3A_847 = arith.constant 1 : i32
    %dma_start3A_848 = arith.constant 1 : i32
    %dma_start3A_849 = arith.constant 0 : i32
    %dma_start3A_850 = arith.constant 0 : i32
    %dma_start3A_851 = tpu.memref_slice %arg13[%dma_start3A_847, %dma_start3A_849, %dma_start3A_850] : memref<6x128x128xi32, #tpu.memory_space<vmem>> -> memref<1x128x128xi32, #tpu.memory_space<vmem>>
    %dma_start3A_852 = tpu.memref_squeeze %dma_start3A_851 : memref<1x128x128xi32, #tpu.memory_space<vmem>> -> memref<128x128xi32, #tpu.memory_space<vmem>>
    %dma_start3A_853 = arith.constant 0 : i32
    %dma_start3A_854 = tpu.memref_slice %arg8[%add3A_846, %dma_start3A_853] : memref<16384x128xi32, #tpu.memory_space<hbm>> -> memref<128x128xi32, #tpu.memory_space<hbm>>
    %dma_start3A_855 = tpu.memref_slice %arg15[%dma_start3A_848] : memref<6x!tpu.dma_semaphore, #tpu.memory_space<semaphore_mem>> -> memref<1x!tpu.dma_semaphore, #tpu.memory_space<semaphore_mem>>
    %dma_start3A_856 = tpu.memref_squeeze %dma_start3A_855 : memref<1x!tpu.dma_semaphore, #tpu.memory_space<semaphore_mem>> -> memref<!tpu.dma_semaphore, #tpu.memory_space<semaphore_mem>>
    %dma_start3A_857 = arith.constant 0 : i32
    %dma_start3A_858 = tpu.memref_slice %arg8[%add3A_846, %dma_start3A_857] : memref<16384x128xi32, #tpu.memory_space<hbm>> -> memref<128x128xi32, #tpu.memory_space<hbm>>
    %dma_start3A_859 = arith.constant 0 : i32
    %dma_start3A_860 = arith.constant 0 : i32
    %dma_start3A_861 = tpu.memref_slice %arg13[%dma_start3A_847, %dma_start3A_859, %dma_start3A_860] : memref<6x128x128xi32, #tpu.memory_space<vmem>> -> memref<1x128x128xi32, #tpu.memory_space<vmem>>
    %dma_start3A_862 = tpu.memref_squeeze %dma_start3A_861 : memref<1x128x128xi32, #tpu.memory_space<vmem>> -> memref<128x128xi32, #tpu.memory_space<vmem>>
    tpu.enqueue_dma source(%dma_start3A_862 : memref<128x128xi32, #tpu.memory_space<vmem>>) target(%dma_start3A_858 : memref<128x128xi32, #tpu.memory_space<hbm>>) target_semaphore(%dma_start3A_856 : memref<!tpu.dma_semaphore, #tpu.memory_space<semaphore_mem>>)
    %dma_wait3A_863 = arith.constant 3 : i32
    %dma_wait3A_864 = arith.constant 2 : i32
    %dma_wait3A_865 = arith.constant 2 : i32
    %dma_wait3A_866 = arith.constant 0 : i32
    %dma_wait3A_867 = arith.constant 0 : i32
    %dma_wait3A_868 = tpu.memref_slice %arg13[%dma_wait3A_864, %dma_wait3A_866, %dma_wait3A_867] : memref<6x128x128xi32, #tpu.memory_space<vmem>> -> memref<1x128x128xi32, #tpu.memory_space<vmem>>
    %dma_wait3A_869 = tpu.memref_squeeze %dma_wait3A_868 : memref<1x128x128xi32, #tpu.memory_space<vmem>> -> memref<128x128xi32, #tpu.memory_space<vmem>>
    %dma_wait3A_870 = arith.constant 0 : i32
    %dma_wait3A_871 = tpu.memref_slice %arg11[%dma_wait3A_863, %dma_wait3A_870] : memref<4x128xi32, #tpu.memory_space<vmem>> -> memref<1x128xi32, #tpu.memory_space<vmem>>
    %dma_wait3A_872 = tpu.memref_squeeze %dma_wait3A_871 : memref<1x128xi32, #tpu.memory_space<vmem>> -> memref<128xi32, #tpu.memory_space<vmem>>
    %dma_wait3A_873 = arith.constant 0 : i32
    %dma_wait3A_874 = arith.constant 0 : i32
    %dma_wait3A_875 = tpu.memref_slice %arg4[%dma_wait3A_873, %dma_wait3A_874] : memref<250000x128xi32, #tpu.memory_space<hbm>> -> memref<250000x128xi32, #tpu.memory_space<hbm>>
    %dma_wait3A_876 = tpu.memref_slice %arg14[%dma_wait3A_865] : memref<6x!tpu.dma_semaphore, #tpu.memory_space<semaphore_mem>> -> memref<1x!tpu.dma_semaphore, #tpu.memory_space<semaphore_mem>>
    %dma_wait3A_877 = tpu.memref_squeeze %dma_wait3A_876 : memref<1x!tpu.dma_semaphore, #tpu.memory_space<semaphore_mem>> -> memref<!tpu.dma_semaphore, #tpu.memory_space<semaphore_mem>>
    tpu.wait_indirect_dma semaphore(%dma_wait3A_877 : memref<!tpu.dma_semaphore, #tpu.memory_space<semaphore_mem>>) src(%dma_wait3A_875 : memref<250000x128xi32, #tpu.memory_space<hbm>>) dst(%dma_wait3A_869 : memref<128x128xi32, #tpu.memory_space<vmem>>)
    %add3A_878 = arith.constant 384 : i32
    %add3A_879 = arith.addi %mul3A_2, %add3A_878 : i32
    %dma_start3A_880 = arith.constant 2 : i32
    %dma_start3A_881 = arith.constant 2 : i32
    %dma_start3A_882 = arith.constant 0 : i32
    %dma_start3A_883 = arith.constant 0 : i32
    %dma_start3A_884 = tpu.memref_slice %arg13[%dma_start3A_880, %dma_start3A_882, %dma_start3A_883] : memref<6x128x128xi32, #tpu.memory_space<vmem>> -> memref<1x128x128xi32, #tpu.memory_space<vmem>>
    %dma_start3A_885 = tpu.memref_squeeze %dma_start3A_884 : memref<1x128x128xi32, #tpu.memory_space<vmem>> -> memref<128x128xi32, #tpu.memory_space<vmem>>
    %dma_start3A_886 = arith.constant 0 : i32
    %dma_start3A_887 = tpu.memref_slice %arg9[%add3A_879, %dma_start3A_886] : memref<16384x128xi32, #tpu.memory_space<hbm>> -> memref<128x128xi32, #tpu.memory_space<hbm>>
    %dma_start3A_888 = tpu.memref_slice %arg15[%dma_start3A_881] : memref<6x!tpu.dma_semaphore, #tpu.memory_space<semaphore_mem>> -> memref<1x!tpu.dma_semaphore, #tpu.memory_space<semaphore_mem>>
    %dma_start3A_889 = tpu.memref_squeeze %dma_start3A_888 : memref<1x!tpu.dma_semaphore, #tpu.memory_space<semaphore_mem>> -> memref<!tpu.dma_semaphore, #tpu.memory_space<semaphore_mem>>
    %dma_start3A_890 = arith.constant 0 : i32
    %dma_start3A_891 = tpu.memref_slice %arg9[%add3A_879, %dma_start3A_890] : memref<16384x128xi32, #tpu.memory_space<hbm>> -> memref<128x128xi32, #tpu.memory_space<hbm>>
    %dma_start3A_892 = arith.constant 0 : i32
    %dma_start3A_893 = arith.constant 0 : i32
    %dma_start3A_894 = tpu.memref_slice %arg13[%dma_start3A_880, %dma_start3A_892, %dma_start3A_893] : memref<6x128x128xi32, #tpu.memory_space<vmem>> -> memref<1x128x128xi32, #tpu.memory_space<vmem>>
    %dma_start3A_895 = tpu.memref_squeeze %dma_start3A_894 : memref<1x128x128xi32, #tpu.memory_space<vmem>> -> memref<128x128xi32, #tpu.memory_space<vmem>>
    tpu.enqueue_dma source(%dma_start3A_895 : memref<128x128xi32, #tpu.memory_space<vmem>>) target(%dma_start3A_891 : memref<128x128xi32, #tpu.memory_space<hbm>>) target_semaphore(%dma_start3A_889 : memref<!tpu.dma_semaphore, #tpu.memory_space<semaphore_mem>>)
    %dma_wait3A_896 = arith.constant 3 : i32
    %dma_wait3A_897 = arith.constant 3 : i32
    %dma_wait3A_898 = arith.constant 3 : i32
    %dma_wait3A_899 = arith.constant 0 : i32
    %dma_wait3A_900 = arith.constant 0 : i32
    %dma_wait3A_901 = tpu.memref_slice %arg13[%dma_wait3A_897, %dma_wait3A_899, %dma_wait3A_900] : memref<6x128x128xi32, #tpu.memory_space<vmem>> -> memref<1x128x128xi32, #tpu.memory_space<vmem>>
    %dma_wait3A_902 = tpu.memref_squeeze %dma_wait3A_901 : memref<1x128x128xi32, #tpu.memory_space<vmem>> -> memref<128x128xi32, #tpu.memory_space<vmem>>
    %dma_wait3A_903 = arith.constant 0 : i32
    %dma_wait3A_904 = tpu.memref_slice %arg12[%dma_wait3A_896, %dma_wait3A_903] : memref<4x128xi32, #tpu.memory_space<vmem>> -> memref<1x128xi32, #tpu.memory_space<vmem>>
    %dma_wait3A_905 = tpu.memref_squeeze %dma_wait3A_904 : memref<1x128xi32, #tpu.memory_space<vmem>> -> memref<128xi32, #tpu.memory_space<vmem>>
    %dma_wait3A_906 = arith.constant 0 : i32
    %dma_wait3A_907 = arith.constant 0 : i32
    %dma_wait3A_908 = tpu.memref_slice %arg4[%dma_wait3A_906, %dma_wait3A_907] : memref<250000x128xi32, #tpu.memory_space<hbm>> -> memref<250000x128xi32, #tpu.memory_space<hbm>>
    %dma_wait3A_909 = tpu.memref_slice %arg14[%dma_wait3A_898] : memref<6x!tpu.dma_semaphore, #tpu.memory_space<semaphore_mem>> -> memref<1x!tpu.dma_semaphore, #tpu.memory_space<semaphore_mem>>
    %dma_wait3A_910 = tpu.memref_squeeze %dma_wait3A_909 : memref<1x!tpu.dma_semaphore, #tpu.memory_space<semaphore_mem>> -> memref<!tpu.dma_semaphore, #tpu.memory_space<semaphore_mem>>
    tpu.wait_indirect_dma semaphore(%dma_wait3A_910 : memref<!tpu.dma_semaphore, #tpu.memory_space<semaphore_mem>>) src(%dma_wait3A_908 : memref<250000x128xi32, #tpu.memory_space<hbm>>) dst(%dma_wait3A_902 : memref<128x128xi32, #tpu.memory_space<vmem>>)
    %add3A_911 = arith.constant 384 : i32
    %add3A_912 = arith.addi %mul3A_2, %add3A_911 : i32
    %dma_start3A_913 = arith.constant 3 : i32
    %dma_start3A_914 = arith.constant 3 : i32
    %dma_start3A_915 = arith.constant 0 : i32
    %dma_start3A_916 = arith.constant 0 : i32
    %dma_start3A_917 = tpu.memref_slice %arg13[%dma_start3A_913, %dma_start3A_915, %dma_start3A_916] : memref<6x128x128xi32, #tpu.memory_space<vmem>> -> memref<1x128x128xi32, #tpu.memory_space<vmem>>
    %dma_start3A_918 = tpu.memref_squeeze %dma_start3A_917 : memref<1x128x128xi32, #tpu.memory_space<vmem>> -> memref<128x128xi32, #tpu.memory_space<vmem>>
    %dma_start3A_919 = arith.constant 0 : i32
    %dma_start3A_920 = tpu.memref_slice %arg10[%add3A_912, %dma_start3A_919] : memref<16384x128xi32, #tpu.memory_space<hbm>> -> memref<128x128xi32, #tpu.memory_space<hbm>>
    %dma_start3A_921 = tpu.memref_slice %arg15[%dma_start3A_914] : memref<6x!tpu.dma_semaphore, #tpu.memory_space<semaphore_mem>> -> memref<1x!tpu.dma_semaphore, #tpu.memory_space<semaphore_mem>>
    %dma_start3A_922 = tpu.memref_squeeze %dma_start3A_921 : memref<1x!tpu.dma_semaphore, #tpu.memory_space<semaphore_mem>> -> memref<!tpu.dma_semaphore, #tpu.memory_space<semaphore_mem>>
    %dma_start3A_923 = arith.constant 0 : i32
    %dma_start3A_924 = tpu.memref_slice %arg10[%add3A_912, %dma_start3A_923] : memref<16384x128xi32, #tpu.memory_space<hbm>> -> memref<128x128xi32, #tpu.memory_space<hbm>>
    %dma_start3A_925 = arith.constant 0 : i32
    %dma_start3A_926 = arith.constant 0 : i32
    %dma_start3A_927 = tpu.memref_slice %arg13[%dma_start3A_913, %dma_start3A_925, %dma_start3A_926] : memref<6x128x128xi32, #tpu.memory_space<vmem>> -> memref<1x128x128xi32, #tpu.memory_space<vmem>>
    %dma_start3A_928 = tpu.memref_squeeze %dma_start3A_927 : memref<1x128x128xi32, #tpu.memory_space<vmem>> -> memref<128x128xi32, #tpu.memory_space<vmem>>
    tpu.enqueue_dma source(%dma_start3A_928 : memref<128x128xi32, #tpu.memory_space<vmem>>) target(%dma_start3A_924 : memref<128x128xi32, #tpu.memory_space<hbm>>) target_semaphore(%dma_start3A_922 : memref<!tpu.dma_semaphore, #tpu.memory_space<semaphore_mem>>)
    %dma_wait3A_929 = arith.constant 4 : i32
    %dma_wait3A_930 = arith.constant 4 : i32
    %dma_wait3A_931 = arith.constant 0 : i32
    %dma_wait3A_932 = arith.constant 0 : i32
    %dma_wait3A_933 = tpu.memref_slice %arg13[%dma_wait3A_929, %dma_wait3A_931, %dma_wait3A_932] : memref<6x128x128xi32, #tpu.memory_space<vmem>> -> memref<1x128x128xi32, #tpu.memory_space<vmem>>
    %dma_wait3A_934 = tpu.memref_squeeze %dma_wait3A_933 : memref<1x128x128xi32, #tpu.memory_space<vmem>> -> memref<128x128xi32, #tpu.memory_space<vmem>>
    %dma_wait3A_935 = arith.constant 0 : i32
    %dma_wait3A_936 = tpu.memref_slice %arg9[%add3A_747, %dma_wait3A_935] : memref<16384x128xi32, #tpu.memory_space<hbm>> -> memref<128x128xi32, #tpu.memory_space<hbm>>
    %dma_wait3A_937 = tpu.memref_slice %arg15[%dma_wait3A_930] : memref<6x!tpu.dma_semaphore, #tpu.memory_space<semaphore_mem>> -> memref<1x!tpu.dma_semaphore, #tpu.memory_space<semaphore_mem>>
    %dma_wait3A_938 = tpu.memref_squeeze %dma_wait3A_937 : memref<1x!tpu.dma_semaphore, #tpu.memory_space<semaphore_mem>> -> memref<!tpu.dma_semaphore, #tpu.memory_space<semaphore_mem>>
    %dma_wait3A_939 = arith.constant 0 : i32
    %dma_wait3A_940 = tpu.memref_slice %arg9[%add3A_747, %dma_wait3A_939] : memref<16384x128xi32, #tpu.memory_space<hbm>> -> memref<128x128xi32, #tpu.memory_space<hbm>>
    %dma_wait3A_941 = arith.constant 0 : i32
    %dma_wait3A_942 = arith.constant 0 : i32
    %dma_wait3A_943 = tpu.memref_slice %arg13[%dma_wait3A_929, %dma_wait3A_941, %dma_wait3A_942] : memref<6x128x128xi32, #tpu.memory_space<vmem>> -> memref<1x128x128xi32, #tpu.memory_space<vmem>>
    %dma_wait3A_944 = tpu.memref_squeeze %dma_wait3A_943 : memref<1x128x128xi32, #tpu.memory_space<vmem>> -> memref<128x128xi32, #tpu.memory_space<vmem>>
    tpu.wait_dma2 semaphore(%dma_wait3A_938 : memref<!tpu.dma_semaphore, #tpu.memory_space<semaphore_mem>>) src(%dma_wait3A_944 : memref<128x128xi32, #tpu.memory_space<vmem>>) dst(%dma_wait3A_940 : memref<128x128xi32, #tpu.memory_space<hbm>>)
    %dma_wait3A_945 = arith.constant 5 : i32
    %dma_wait3A_946 = arith.constant 5 : i32
    %dma_wait3A_947 = arith.constant 0 : i32
    %dma_wait3A_948 = arith.constant 0 : i32
    %dma_wait3A_949 = tpu.memref_slice %arg13[%dma_wait3A_945, %dma_wait3A_947, %dma_wait3A_948] : memref<6x128x128xi32, #tpu.memory_space<vmem>> -> memref<1x128x128xi32, #tpu.memory_space<vmem>>
    %dma_wait3A_950 = tpu.memref_squeeze %dma_wait3A_949 : memref<1x128x128xi32, #tpu.memory_space<vmem>> -> memref<128x128xi32, #tpu.memory_space<vmem>>
    %dma_wait3A_951 = arith.constant 0 : i32
    %dma_wait3A_952 = tpu.memref_slice %arg10[%add3A_780, %dma_wait3A_951] : memref<16384x128xi32, #tpu.memory_space<hbm>> -> memref<128x128xi32, #tpu.memory_space<hbm>>
    %dma_wait3A_953 = tpu.memref_slice %arg15[%dma_wait3A_946] : memref<6x!tpu.dma_semaphore, #tpu.memory_space<semaphore_mem>> -> memref<1x!tpu.dma_semaphore, #tpu.memory_space<semaphore_mem>>
    %dma_wait3A_954 = tpu.memref_squeeze %dma_wait3A_953 : memref<1x!tpu.dma_semaphore, #tpu.memory_space<semaphore_mem>> -> memref<!tpu.dma_semaphore, #tpu.memory_space<semaphore_mem>>
    %dma_wait3A_955 = arith.constant 0 : i32
    %dma_wait3A_956 = tpu.memref_slice %arg10[%add3A_780, %dma_wait3A_955] : memref<16384x128xi32, #tpu.memory_space<hbm>> -> memref<128x128xi32, #tpu.memory_space<hbm>>
    %dma_wait3A_957 = arith.constant 0 : i32
    %dma_wait3A_958 = arith.constant 0 : i32
    %dma_wait3A_959 = tpu.memref_slice %arg13[%dma_wait3A_945, %dma_wait3A_957, %dma_wait3A_958] : memref<6x128x128xi32, #tpu.memory_space<vmem>> -> memref<1x128x128xi32, #tpu.memory_space<vmem>>
    %dma_wait3A_960 = tpu.memref_squeeze %dma_wait3A_959 : memref<1x128x128xi32, #tpu.memory_space<vmem>> -> memref<128x128xi32, #tpu.memory_space<vmem>>
    tpu.wait_dma2 semaphore(%dma_wait3A_954 : memref<!tpu.dma_semaphore, #tpu.memory_space<semaphore_mem>>) src(%dma_wait3A_960 : memref<128x128xi32, #tpu.memory_space<vmem>>) dst(%dma_wait3A_956 : memref<128x128xi32, #tpu.memory_space<hbm>>)
    %dma_wait3A_961 = arith.constant 0 : i32
    %dma_wait3A_962 = arith.constant 0 : i32
    %dma_wait3A_963 = arith.constant 0 : i32
    %dma_wait3A_964 = arith.constant 0 : i32
    %dma_wait3A_965 = tpu.memref_slice %arg13[%dma_wait3A_961, %dma_wait3A_963, %dma_wait3A_964] : memref<6x128x128xi32, #tpu.memory_space<vmem>> -> memref<1x128x128xi32, #tpu.memory_space<vmem>>
    %dma_wait3A_966 = tpu.memref_squeeze %dma_wait3A_965 : memref<1x128x128xi32, #tpu.memory_space<vmem>> -> memref<128x128xi32, #tpu.memory_space<vmem>>
    %dma_wait3A_967 = arith.constant 0 : i32
    %dma_wait3A_968 = tpu.memref_slice %arg7[%add3A_813, %dma_wait3A_967] : memref<16384x128xi32, #tpu.memory_space<hbm>> -> memref<128x128xi32, #tpu.memory_space<hbm>>
    %dma_wait3A_969 = tpu.memref_slice %arg15[%dma_wait3A_962] : memref<6x!tpu.dma_semaphore, #tpu.memory_space<semaphore_mem>> -> memref<1x!tpu.dma_semaphore, #tpu.memory_space<semaphore_mem>>
    %dma_wait3A_970 = tpu.memref_squeeze %dma_wait3A_969 : memref<1x!tpu.dma_semaphore, #tpu.memory_space<semaphore_mem>> -> memref<!tpu.dma_semaphore, #tpu.memory_space<semaphore_mem>>
    %dma_wait3A_971 = arith.constant 0 : i32
    %dma_wait3A_972 = tpu.memref_slice %arg7[%add3A_813, %dma_wait3A_971] : memref<16384x128xi32, #tpu.memory_space<hbm>> -> memref<128x128xi32, #tpu.memory_space<hbm>>
    %dma_wait3A_973 = arith.constant 0 : i32
    %dma_wait3A_974 = arith.constant 0 : i32
    %dma_wait3A_975 = tpu.memref_slice %arg13[%dma_wait3A_961, %dma_wait3A_973, %dma_wait3A_974] : memref<6x128x128xi32, #tpu.memory_space<vmem>> -> memref<1x128x128xi32, #tpu.memory_space<vmem>>
    %dma_wait3A_976 = tpu.memref_squeeze %dma_wait3A_975 : memref<1x128x128xi32, #tpu.memory_space<vmem>> -> memref<128x128xi32, #tpu.memory_space<vmem>>
    tpu.wait_dma2 semaphore(%dma_wait3A_970 : memref<!tpu.dma_semaphore, #tpu.memory_space<semaphore_mem>>) src(%dma_wait3A_976 : memref<128x128xi32, #tpu.memory_space<vmem>>) dst(%dma_wait3A_972 : memref<128x128xi32, #tpu.memory_space<hbm>>)
    %dma_wait3A_977 = arith.constant 1 : i32
    %dma_wait3A_978 = arith.constant 1 : i32
    %dma_wait3A_979 = arith.constant 0 : i32
    %dma_wait3A_980 = arith.constant 0 : i32
    %dma_wait3A_981 = tpu.memref_slice %arg13[%dma_wait3A_977, %dma_wait3A_979, %dma_wait3A_980] : memref<6x128x128xi32, #tpu.memory_space<vmem>> -> memref<1x128x128xi32, #tpu.memory_space<vmem>>
    %dma_wait3A_982 = tpu.memref_squeeze %dma_wait3A_981 : memref<1x128x128xi32, #tpu.memory_space<vmem>> -> memref<128x128xi32, #tpu.memory_space<vmem>>
    %dma_wait3A_983 = arith.constant 0 : i32
    %dma_wait3A_984 = tpu.memref_slice %arg8[%add3A_846, %dma_wait3A_983] : memref<16384x128xi32, #tpu.memory_space<hbm>> -> memref<128x128xi32, #tpu.memory_space<hbm>>
    %dma_wait3A_985 = tpu.memref_slice %arg15[%dma_wait3A_978] : memref<6x!tpu.dma_semaphore, #tpu.memory_space<semaphore_mem>> -> memref<1x!tpu.dma_semaphore, #tpu.memory_space<semaphore_mem>>
    %dma_wait3A_986 = tpu.memref_squeeze %dma_wait3A_985 : memref<1x!tpu.dma_semaphore, #tpu.memory_space<semaphore_mem>> -> memref<!tpu.dma_semaphore, #tpu.memory_space<semaphore_mem>>
    %dma_wait3A_987 = arith.constant 0 : i32
    %dma_wait3A_988 = tpu.memref_slice %arg8[%add3A_846, %dma_wait3A_987] : memref<16384x128xi32, #tpu.memory_space<hbm>> -> memref<128x128xi32, #tpu.memory_space<hbm>>
    %dma_wait3A_989 = arith.constant 0 : i32
    %dma_wait3A_990 = arith.constant 0 : i32
    %dma_wait3A_991 = tpu.memref_slice %arg13[%dma_wait3A_977, %dma_wait3A_989, %dma_wait3A_990] : memref<6x128x128xi32, #tpu.memory_space<vmem>> -> memref<1x128x128xi32, #tpu.memory_space<vmem>>
    %dma_wait3A_992 = tpu.memref_squeeze %dma_wait3A_991 : memref<1x128x128xi32, #tpu.memory_space<vmem>> -> memref<128x128xi32, #tpu.memory_space<vmem>>
    tpu.wait_dma2 semaphore(%dma_wait3A_986 : memref<!tpu.dma_semaphore, #tpu.memory_space<semaphore_mem>>) src(%dma_wait3A_992 : memref<128x128xi32, #tpu.memory_space<vmem>>) dst(%dma_wait3A_988 : memref<128x128xi32, #tpu.memory_space<hbm>>)
    %dma_wait3A_993 = arith.constant 2 : i32
    %dma_wait3A_994 = arith.constant 2 : i32
    %dma_wait3A_995 = arith.constant 0 : i32
    %dma_wait3A_996 = arith.constant 0 : i32
    %dma_wait3A_997 = tpu.memref_slice %arg13[%dma_wait3A_993, %dma_wait3A_995, %dma_wait3A_996] : memref<6x128x128xi32, #tpu.memory_space<vmem>> -> memref<1x128x128xi32, #tpu.memory_space<vmem>>
    %dma_wait3A_998 = tpu.memref_squeeze %dma_wait3A_997 : memref<1x128x128xi32, #tpu.memory_space<vmem>> -> memref<128x128xi32, #tpu.memory_space<vmem>>
    %dma_wait3A_999 = arith.constant 0 : i32
    %dma_wait3A_1000 = tpu.memref_slice %arg9[%add3A_879, %dma_wait3A_999] : memref<16384x128xi32, #tpu.memory_space<hbm>> -> memref<128x128xi32, #tpu.memory_space<hbm>>
    %dma_wait3A_1001 = tpu.memref_slice %arg15[%dma_wait3A_994] : memref<6x!tpu.dma_semaphore, #tpu.memory_space<semaphore_mem>> -> memref<1x!tpu.dma_semaphore, #tpu.memory_space<semaphore_mem>>
    %dma_wait3A_1002 = tpu.memref_squeeze %dma_wait3A_1001 : memref<1x!tpu.dma_semaphore, #tpu.memory_space<semaphore_mem>> -> memref<!tpu.dma_semaphore, #tpu.memory_space<semaphore_mem>>
    %dma_wait3A_1003 = arith.constant 0 : i32
    %dma_wait3A_1004 = tpu.memref_slice %arg9[%add3A_879, %dma_wait3A_1003] : memref<16384x128xi32, #tpu.memory_space<hbm>> -> memref<128x128xi32, #tpu.memory_space<hbm>>
    %dma_wait3A_1005 = arith.constant 0 : i32
    %dma_wait3A_1006 = arith.constant 0 : i32
    %dma_wait3A_1007 = tpu.memref_slice %arg13[%dma_wait3A_993, %dma_wait3A_1005, %dma_wait3A_1006] : memref<6x128x128xi32, #tpu.memory_space<vmem>> -> memref<1x128x128xi32, #tpu.memory_space<vmem>>
    %dma_wait3A_1008 = tpu.memref_squeeze %dma_wait3A_1007 : memref<1x128x128xi32, #tpu.memory_space<vmem>> -> memref<128x128xi32, #tpu.memory_space<vmem>>
    tpu.wait_dma2 semaphore(%dma_wait3A_1002 : memref<!tpu.dma_semaphore, #tpu.memory_space<semaphore_mem>>) src(%dma_wait3A_1008 : memref<128x128xi32, #tpu.memory_space<vmem>>) dst(%dma_wait3A_1004 : memref<128x128xi32, #tpu.memory_space<hbm>>)
    %dma_wait3A_1009 = arith.constant 3 : i32
    %dma_wait3A_1010 = arith.constant 3 : i32
    %dma_wait3A_1011 = arith.constant 0 : i32
    %dma_wait3A_1012 = arith.constant 0 : i32
    %dma_wait3A_1013 = tpu.memref_slice %arg13[%dma_wait3A_1009, %dma_wait3A_1011, %dma_wait3A_1012] : memref<6x128x128xi32, #tpu.memory_space<vmem>> -> memref<1x128x128xi32, #tpu.memory_space<vmem>>
    %dma_wait3A_1014 = tpu.memref_squeeze %dma_wait3A_1013 : memref<1x128x128xi32, #tpu.memory_space<vmem>> -> memref<128x128xi32, #tpu.memory_space<vmem>>
    %dma_wait3A_1015 = arith.constant 0 : i32
    %dma_wait3A_1016 = tpu.memref_slice %arg10[%add3A_912, %dma_wait3A_1015] : memref<16384x128xi32, #tpu.memory_space<hbm>> -> memref<128x128xi32, #tpu.memory_space<hbm>>
    %dma_wait3A_1017 = tpu.memref_slice %arg15[%dma_wait3A_1010] : memref<6x!tpu.dma_semaphore, #tpu.memory_space<semaphore_mem>> -> memref<1x!tpu.dma_semaphore, #tpu.memory_space<semaphore_mem>>
    %dma_wait3A_1018 = tpu.memref_squeeze %dma_wait3A_1017 : memref<1x!tpu.dma_semaphore, #tpu.memory_space<semaphore_mem>> -> memref<!tpu.dma_semaphore, #tpu.memory_space<semaphore_mem>>
    %dma_wait3A_1019 = arith.constant 0 : i32
    %dma_wait3A_1020 = tpu.memref_slice %arg10[%add3A_912, %dma_wait3A_1019] : memref<16384x128xi32, #tpu.memory_space<hbm>> -> memref<128x128xi32, #tpu.memory_space<hbm>>
    %dma_wait3A_1021 = arith.constant 0 : i32
    %dma_wait3A_1022 = arith.constant 0 : i32
    %dma_wait3A_1023 = tpu.memref_slice %arg13[%dma_wait3A_1009, %dma_wait3A_1021, %dma_wait3A_1022] : memref<6x128x128xi32, #tpu.memory_space<vmem>> -> memref<1x128x128xi32, #tpu.memory_space<vmem>>
    %dma_wait3A_1024 = tpu.memref_squeeze %dma_wait3A_1023 : memref<1x128x128xi32, #tpu.memory_space<vmem>> -> memref<128x128xi32, #tpu.memory_space<vmem>>
    tpu.wait_dma2 semaphore(%dma_wait3A_1018 : memref<!tpu.dma_semaphore, #tpu.memory_space<semaphore_mem>>) src(%dma_wait3A_1024 : memref<128x128xi32, #tpu.memory_space<vmem>>) dst(%dma_wait3A_1020 : memref<128x128xi32, #tpu.memory_space<hbm>>)
    return
  }
}

module attributes {stable_mosaic.version = 14 : i64} {
  func.func @_tc_mlp_body(%arg0: i32, %arg1: memref<2048x1xi32, #tpu.memory_space<vmem>>, %arg2: memref<2048x1xi32, #tpu.memory_space<vmem>>, %arg3: memref<2048x128xi32, #tpu.memory_space<vmem>>, %arg4: memref<2048x128xi32, #tpu.memory_space<vmem>>, %arg5: memref<2048x128xi32, #tpu.memory_space<vmem>>, %arg6: memref<2048x128xi32, #tpu.memory_space<vmem>>, %arg7: memref<64x128xf32, #tpu.memory_space<vmem>>, %arg8: memref<64x128xf32, #tpu.memory_space<vmem>>, %arg9: memref<1x128xf32, #tpu.memory_space<vmem>>, %arg10: memref<128x64xf32, #tpu.memory_space<vmem>>, %arg11: memref<1x64xf32, #tpu.memory_space<vmem>>, %arg12: memref<64x1xf32, #tpu.memory_space<vmem>>, %arg13: memref<64x1xf32, #tpu.memory_space<vmem>>, %arg14: memref<2048x1xf32, #tpu.memory_space<vmem>>) attributes {dimension_semantics = [#tpu.dimension_semantics<arbitrary>], iteration_bounds = array<i64: 8>, scalar_prefetch = 0 : i64, scratch_operands = 0 : i64, tpu.core_type = #tpu.core_type<tc>, window_params = [{transform_indices = @transform_0, window_bounds = array<i64: 2048, 1>}, {transform_indices = @transform_1, window_bounds = array<i64: 2048, 1>}, {transform_indices = @transform_2, window_bounds = array<i64: 2048, 128>}, {transform_indices = @transform_3, window_bounds = array<i64: 2048, 128>}, {transform_indices = @transform_4, window_bounds = array<i64: 2048, 128>}, {transform_indices = @transform_5, window_bounds = array<i64: 2048, 128>}, {pipeline_mode = #tpu.pipeline_mode<synchronous>, transform_indices = @transform_6, window_bounds = array<i64: 64, 128>}, {pipeline_mode = #tpu.pipeline_mode<synchronous>, transform_indices = @transform_7, window_bounds = array<i64: 64, 128>}, {pipeline_mode = #tpu.pipeline_mode<synchronous>, transform_indices = @transform_8, window_bounds = array<i64: 1, 128>}, {pipeline_mode = #tpu.pipeline_mode<synchronous>, transform_indices = @transform_9, window_bounds = array<i64: 128, 64>}, {pipeline_mode = #tpu.pipeline_mode<synchronous>, transform_indices = @transform_10, window_bounds = array<i64: 1, 64>}, {pipeline_mode = #tpu.pipeline_mode<synchronous>, transform_indices = @transform_11, window_bounds = array<i64: 64, 1>}, {pipeline_mode = #tpu.pipeline_mode<synchronous>, transform_indices = @transform_12, window_bounds = array<i64: 64, 1>}, {transform_indices = @transform_13, window_bounds = array<i64: 2048, 1>}]} {
    %get3A = arith.constant 0 : index
    %get3A_0 = arith.constant 0 : index
    %get3A_1 = vector.load %arg1[%get3A, %get3A_0] : memref<2048x1xi32, #tpu.memory_space<vmem>>, vector<2048x1xi32>
    %get3A_2 = arith.constant 0 : index
    %get3A_3 = arith.constant 0 : index
    %get3A_4 = vector.load %arg2[%get3A_2, %get3A_3] : memref<2048x1xi32, #tpu.memory_space<vmem>>, vector<2048x1xi32>
    %jit3A = arith.constant 2 : i32
    %eq3A = arith.constant 0 : i32
    %eq3A_5 = arith.cmpi eq, %jit3A, %eq3A : i32
    %jit3A_6 = arith.constant 1 : i32
    %select_n3A = arith.select %eq3A_5, %jit3A_6, %jit3A : i32
    %rem3A = vector.broadcast %select_n3A : i32 to vector<2048x1xi32>
    %rem3A_7 = arith.remsi %get3A_1, %rem3A : vector<2048x1xi32>
    %ne3A = arith.constant 0 : i32
    %ne3A_8 = vector.broadcast %ne3A : i32 to vector<2048x1xi32>
    %ne3A_9 = arith.cmpi ne, %rem3A_7, %ne3A_8 : vector<2048x1xi32>
    %lt3A = arith.constant 0 : i32
    %lt3A_10 = vector.broadcast %lt3A : i32 to vector<2048x1xi32>
    %lt3A_11 = arith.cmpi slt, %rem3A_7, %lt3A_10 : vector<2048x1xi32>
    %lt3A_12 = arith.constant 0 : i32
    %lt3A_13 = arith.cmpi slt, %select_n3A, %lt3A_12 : i32
    %ne3A_14 = vector.broadcast %lt3A_13 : i1 to vector<2048x1xi1>
    %ne3A_15 = vector.broadcast %ne3A_14 : vector<2048x1xi1> to vector<2048x1xi1>
    %ne3A_16 = arith.xori %lt3A_11, %ne3A_15 : vector<2048x1xi1>
    %and3A = arith.andi %ne3A_16, %ne3A_9 : vector<2048x1xi1>
    %add3A = vector.broadcast %select_n3A : i32 to vector<2048x1xi32>
    %add3A_17 = arith.addi %rem3A_7, %add3A : vector<2048x1xi32>
    %select_n3A_18 = arith.select %and3A, %add3A_17, %rem3A_7 : vector<2048x1xi1>, vector<2048x1xi32>
    %jit3A_19 = arith.constant 4 : i32
    %eq3A_20 = arith.constant 0 : i32
    %eq3A_21 = arith.cmpi eq, %jit3A_19, %eq3A_20 : i32
    %jit3A_22 = arith.constant 1 : i32
    %select_n3A_23 = arith.select %eq3A_21, %jit3A_22, %jit3A_19 : i32
    %rem3A_24 = vector.broadcast %select_n3A_23 : i32 to vector<2048x1xi32>
    %rem3A_25 = arith.remsi %get3A_1, %rem3A_24 : vector<2048x1xi32>
    %ne3A_26 = arith.constant 0 : i32
    %ne3A_27 = vector.broadcast %ne3A_26 : i32 to vector<2048x1xi32>
    %ne3A_28 = arith.cmpi ne, %rem3A_25, %ne3A_27 : vector<2048x1xi32>
    %lt3A_29 = arith.constant 0 : i32
    %lt3A_30 = vector.broadcast %lt3A_29 : i32 to vector<2048x1xi32>
    %lt3A_31 = arith.cmpi slt, %rem3A_25, %lt3A_30 : vector<2048x1xi32>
    %lt3A_32 = arith.constant 0 : i32
    %lt3A_33 = arith.cmpi slt, %select_n3A_23, %lt3A_32 : i32
    %ne3A_34 = vector.broadcast %lt3A_33 : i1 to vector<2048x1xi1>
    %ne3A_35 = vector.broadcast %ne3A_34 : vector<2048x1xi1> to vector<2048x1xi1>
    %ne3A_36 = arith.xori %lt3A_31, %ne3A_35 : vector<2048x1xi1>
    %and3A_37 = arith.andi %ne3A_36, %ne3A_28 : vector<2048x1xi1>
    %add3A_38 = vector.broadcast %select_n3A_23 : i32 to vector<2048x1xi32>
    %add3A_39 = arith.addi %rem3A_25, %add3A_38 : vector<2048x1xi32>
    %select_n3A_40 = arith.select %and3A_37, %add3A_39, %rem3A_25 : vector<2048x1xi1>, vector<2048x1xi32>
    %jit3A_41 = arith.constant 2 : i32
    %div3A = vector.broadcast %jit3A_41 : i32 to vector<2048x1xi32>
    %div3A_42 = arith.divsi %select_n3A_40, %div3A : vector<2048x1xi32>
    %sign3A = arith.constant 0 : i32
    %sign3A_43 = vector.broadcast %sign3A : i32 to vector<2048x1xi32>
    %sign3A_44 = arith.cmpi sgt, %select_n3A_40, %sign3A_43 : vector<2048x1xi32>
    %sign3A_45 = arith.extui %sign3A_44 : vector<2048x1xi1> to vector<2048x1xi32>
    %sign3A_46 = arith.constant 0 : i32
    %sign3A_47 = vector.broadcast %sign3A_46 : i32 to vector<2048x1xi32>
    %sign3A_48 = arith.cmpi slt, %select_n3A_40, %sign3A_47 : vector<2048x1xi32>
    %sign3A_49 = arith.extui %sign3A_48 : vector<2048x1xi1> to vector<2048x1xi32>
    %sign3A_50 = arith.subi %sign3A_45, %sign3A_49 : vector<2048x1xi32>
    %sign3A_51 = arith.constant 0 : i32
    %sign3A_52 = arith.cmpi sgt, %jit3A_41, %sign3A_51 : i32
    %sign3A_53 = arith.extui %sign3A_52 : i1 to i32
    %sign3A_54 = arith.constant 0 : i32
    %sign3A_55 = arith.cmpi slt, %jit3A_41, %sign3A_54 : i32
    %sign3A_56 = arith.extui %sign3A_55 : i1 to i32
    %sign3A_57 = arith.subi %sign3A_53, %sign3A_56 : i32
    %ne3A_58 = vector.broadcast %sign3A_57 : i32 to vector<2048x1xi32>
    %ne3A_59 = arith.cmpi ne, %sign3A_50, %ne3A_58 : vector<2048x1xi32>
    %rem3A_60 = vector.broadcast %jit3A_41 : i32 to vector<2048x1xi32>
    %rem3A_61 = arith.remsi %select_n3A_40, %rem3A_60 : vector<2048x1xi32>
    %ne3A_62 = arith.constant 0 : i32
    %ne3A_63 = vector.broadcast %ne3A_62 : i32 to vector<2048x1xi32>
    %ne3A_64 = arith.cmpi ne, %rem3A_61, %ne3A_63 : vector<2048x1xi32>
    %and3A_65 = arith.andi %ne3A_59, %ne3A_64 : vector<2048x1xi1>
    %sub3A = arith.constant 1 : i32
    %sub3A_66 = vector.broadcast %sub3A : i32 to vector<2048x1xi32>
    %sub3A_67 = arith.subi %div3A_42, %sub3A_66 : vector<2048x1xi32>
    %select_n3A_68 = arith.select %and3A_65, %sub3A_67, %div3A_42 : vector<2048x1xi1>, vector<2048x1xi32>
    %jit3A_69 = arith.constant 2 : i32
    %eq3A_70 = arith.constant 0 : i32
    %eq3A_71 = arith.cmpi eq, %jit3A_69, %eq3A_70 : i32
    %jit3A_72 = arith.constant 1 : i32
    %select_n3A_73 = arith.select %eq3A_71, %jit3A_72, %jit3A_69 : i32
    %rem3A_74 = vector.broadcast %select_n3A_73 : i32 to vector<2048x1xi32>
    %rem3A_75 = arith.remsi %get3A_4, %rem3A_74 : vector<2048x1xi32>
    %ne3A_76 = arith.constant 0 : i32
    %ne3A_77 = vector.broadcast %ne3A_76 : i32 to vector<2048x1xi32>
    %ne3A_78 = arith.cmpi ne, %rem3A_75, %ne3A_77 : vector<2048x1xi32>
    %lt3A_79 = arith.constant 0 : i32
    %lt3A_80 = vector.broadcast %lt3A_79 : i32 to vector<2048x1xi32>
    %lt3A_81 = arith.cmpi slt, %rem3A_75, %lt3A_80 : vector<2048x1xi32>
    %lt3A_82 = arith.constant 0 : i32
    %lt3A_83 = arith.cmpi slt, %select_n3A_73, %lt3A_82 : i32
    %ne3A_84 = vector.broadcast %lt3A_83 : i1 to vector<2048x1xi1>
    %ne3A_85 = vector.broadcast %ne3A_84 : vector<2048x1xi1> to vector<2048x1xi1>
    %ne3A_86 = arith.xori %lt3A_81, %ne3A_85 : vector<2048x1xi1>
    %and3A_87 = arith.andi %ne3A_86, %ne3A_78 : vector<2048x1xi1>
    %add3A_88 = vector.broadcast %select_n3A_73 : i32 to vector<2048x1xi32>
    %add3A_89 = arith.addi %rem3A_75, %add3A_88 : vector<2048x1xi32>
    %select_n3A_90 = arith.select %and3A_87, %add3A_89, %rem3A_75 : vector<2048x1xi1>, vector<2048x1xi32>
    %jit3A_91 = arith.constant 4 : i32
    %eq3A_92 = arith.constant 0 : i32
    %eq3A_93 = arith.cmpi eq, %jit3A_91, %eq3A_92 : i32
    %jit3A_94 = arith.constant 1 : i32
    %select_n3A_95 = arith.select %eq3A_93, %jit3A_94, %jit3A_91 : i32
    %rem3A_96 = vector.broadcast %select_n3A_95 : i32 to vector<2048x1xi32>
    %rem3A_97 = arith.remsi %get3A_4, %rem3A_96 : vector<2048x1xi32>
    %ne3A_98 = arith.constant 0 : i32
    %ne3A_99 = vector.broadcast %ne3A_98 : i32 to vector<2048x1xi32>
    %ne3A_100 = arith.cmpi ne, %rem3A_97, %ne3A_99 : vector<2048x1xi32>
    %lt3A_101 = arith.constant 0 : i32
    %lt3A_102 = vector.broadcast %lt3A_101 : i32 to vector<2048x1xi32>
    %lt3A_103 = arith.cmpi slt, %rem3A_97, %lt3A_102 : vector<2048x1xi32>
    %lt3A_104 = arith.constant 0 : i32
    %lt3A_105 = arith.cmpi slt, %select_n3A_95, %lt3A_104 : i32
    %ne3A_106 = vector.broadcast %lt3A_105 : i1 to vector<2048x1xi1>
    %ne3A_107 = vector.broadcast %ne3A_106 : vector<2048x1xi1> to vector<2048x1xi1>
    %ne3A_108 = arith.xori %lt3A_103, %ne3A_107 : vector<2048x1xi1>
    %and3A_109 = arith.andi %ne3A_108, %ne3A_100 : vector<2048x1xi1>
    %add3A_110 = vector.broadcast %select_n3A_95 : i32 to vector<2048x1xi32>
    %add3A_111 = arith.addi %rem3A_97, %add3A_110 : vector<2048x1xi32>
    %select_n3A_112 = arith.select %and3A_109, %add3A_111, %rem3A_97 : vector<2048x1xi1>, vector<2048x1xi32>
    %jit3A_113 = arith.constant 2 : i32
    %div3A_114 = vector.broadcast %jit3A_113 : i32 to vector<2048x1xi32>
    %div3A_115 = arith.divsi %select_n3A_112, %div3A_114 : vector<2048x1xi32>
    %sign3A_116 = arith.constant 0 : i32
    %sign3A_117 = vector.broadcast %sign3A_116 : i32 to vector<2048x1xi32>
    %sign3A_118 = arith.cmpi sgt, %select_n3A_112, %sign3A_117 : vector<2048x1xi32>
    %sign3A_119 = arith.extui %sign3A_118 : vector<2048x1xi1> to vector<2048x1xi32>
    %sign3A_120 = arith.constant 0 : i32
    %sign3A_121 = vector.broadcast %sign3A_120 : i32 to vector<2048x1xi32>
    %sign3A_122 = arith.cmpi slt, %select_n3A_112, %sign3A_121 : vector<2048x1xi32>
    %sign3A_123 = arith.extui %sign3A_122 : vector<2048x1xi1> to vector<2048x1xi32>
    %sign3A_124 = arith.subi %sign3A_119, %sign3A_123 : vector<2048x1xi32>
    %sign3A_125 = arith.constant 0 : i32
    %sign3A_126 = arith.cmpi sgt, %jit3A_113, %sign3A_125 : i32
    %sign3A_127 = arith.extui %sign3A_126 : i1 to i32
    %sign3A_128 = arith.constant 0 : i32
    %sign3A_129 = arith.cmpi slt, %jit3A_113, %sign3A_128 : i32
    %sign3A_130 = arith.extui %sign3A_129 : i1 to i32
    %sign3A_131 = arith.subi %sign3A_127, %sign3A_130 : i32
    %ne3A_132 = vector.broadcast %sign3A_131 : i32 to vector<2048x1xi32>
    %ne3A_133 = arith.cmpi ne, %sign3A_124, %ne3A_132 : vector<2048x1xi32>
    %rem3A_134 = vector.broadcast %jit3A_113 : i32 to vector<2048x1xi32>
    %rem3A_135 = arith.remsi %select_n3A_112, %rem3A_134 : vector<2048x1xi32>
    %ne3A_136 = arith.constant 0 : i32
    %ne3A_137 = vector.broadcast %ne3A_136 : i32 to vector<2048x1xi32>
    %ne3A_138 = arith.cmpi ne, %rem3A_135, %ne3A_137 : vector<2048x1xi32>
    %and3A_139 = arith.andi %ne3A_133, %ne3A_138 : vector<2048x1xi1>
    %sub3A_140 = arith.constant 1 : i32
    %sub3A_141 = vector.broadcast %sub3A_140 : i32 to vector<2048x1xi32>
    %sub3A_142 = arith.subi %div3A_115, %sub3A_141 : vector<2048x1xi32>
    %select_n3A_143 = arith.select %and3A_139, %sub3A_142, %div3A_115 : vector<2048x1xi1>, vector<2048x1xi32>
    %get3A_144 = arith.constant 0 : index
    %get3A_145 = arith.constant 0 : index
    %get3A_146 = vector.load %arg3[%get3A_144, %get3A_145] : memref<2048x128xi32, #tpu.memory_space<vmem>>, vector<2048x128xi32>
    %eq3A_147 = arith.constant 0 : i32
    %eq3A_148 = vector.broadcast %eq3A_147 : i32 to vector<2048x1xi32>
    %eq3A_149 = arith.cmpi eq, %select_n3A_68, %eq3A_148 : vector<2048x1xi32>
    %slice3A = vector.extract_strided_slice %get3A_146 {offsets = [0, 0], sizes = [2048, 64], strides = [1, 1]} : vector<2048x128xi32> to vector<2048x64xi32>
    %slice3A_150 = vector.extract_strided_slice %get3A_146 {offsets = [0, 64], sizes = [2048, 64], strides = [1, 1]} : vector<2048x128xi32> to vector<2048x64xi32>
    %broadcast_in_dim3A = vector.shape_cast %eq3A_149 : vector<2048x1xi1> to vector<2048x1xi1>
    %broadcast_in_dim3A_151 = vector.broadcast %broadcast_in_dim3A : vector<2048x1xi1> to vector<2048x64xi1>
    %select_n3A_152 = arith.select %broadcast_in_dim3A_151, %slice3A, %slice3A_150 : vector<2048x64xi1>, vector<2048x64xi32>
    %bitcast_convert_type3A = tpu.bitcast %select_n3A_152 : vector<2048x64xi32> -> vector<2048x64xi32>
    %shift_left3A = arith.constant 16 : i32
    %shift_left3A_153 = vector.broadcast %shift_left3A : i32 to vector<2048x64xi32>
    %shift_left3A_154 = arith.shli %bitcast_convert_type3A, %shift_left3A_153 : vector<2048x64xi32>
    %bitcast_convert_type3A_155 = tpu.bitcast %shift_left3A_154 : vector<2048x64xi32> -> vector<2048x64xf32>
    %and3A_156 = arith.constant -65536 : i32
    %and3A_157 = vector.broadcast %and3A_156 : i32 to vector<2048x64xi32>
    %and3A_158 = arith.andi %bitcast_convert_type3A, %and3A_157 : vector<2048x64xi32>
    %bitcast_convert_type3A_159 = tpu.bitcast %and3A_158 : vector<2048x64xi32> -> vector<2048x64xf32>
    %eq3A_160 = arith.constant 0 : i32
    %eq3A_161 = vector.broadcast %eq3A_160 : i32 to vector<2048x1xi32>
    %eq3A_162 = arith.cmpi eq, %select_n3A_18, %eq3A_161 : vector<2048x1xi32>
    %broadcast_in_dim3A_163 = vector.shape_cast %eq3A_162 : vector<2048x1xi1> to vector<2048x1xi1>
    %broadcast_in_dim3A_164 = vector.broadcast %broadcast_in_dim3A_163 : vector<2048x1xi1> to vector<2048x64xi1>
    %select_n3A_165 = arith.select %broadcast_in_dim3A_164, %bitcast_convert_type3A_155, %bitcast_convert_type3A_159 : vector<2048x64xi1>, vector<2048x64xf32>
    %get3A_166 = arith.constant 0 : index
    %get3A_167 = arith.constant 0 : index
    %get3A_168 = vector.load %arg4[%get3A_166, %get3A_167] : memref<2048x128xi32, #tpu.memory_space<vmem>>, vector<2048x128xi32>
    %eq3A_169 = arith.constant 0 : i32
    %eq3A_170 = vector.broadcast %eq3A_169 : i32 to vector<2048x1xi32>
    %eq3A_171 = arith.cmpi eq, %select_n3A_143, %eq3A_170 : vector<2048x1xi32>
    %slice3A_172 = vector.extract_strided_slice %get3A_168 {offsets = [0, 0], sizes = [2048, 64], strides = [1, 1]} : vector<2048x128xi32> to vector<2048x64xi32>
    %slice3A_173 = vector.extract_strided_slice %get3A_168 {offsets = [0, 64], sizes = [2048, 64], strides = [1, 1]} : vector<2048x128xi32> to vector<2048x64xi32>
    %broadcast_in_dim3A_174 = vector.shape_cast %eq3A_171 : vector<2048x1xi1> to vector<2048x1xi1>
    %broadcast_in_dim3A_175 = vector.broadcast %broadcast_in_dim3A_174 : vector<2048x1xi1> to vector<2048x64xi1>
    %select_n3A_176 = arith.select %broadcast_in_dim3A_175, %slice3A_172, %slice3A_173 : vector<2048x64xi1>, vector<2048x64xi32>
    %bitcast_convert_type3A_177 = tpu.bitcast %select_n3A_176 : vector<2048x64xi32> -> vector<2048x64xi32>
    %shift_left3A_178 = arith.constant 16 : i32
    %shift_left3A_179 = vector.broadcast %shift_left3A_178 : i32 to vector<2048x64xi32>
    %shift_left3A_180 = arith.shli %bitcast_convert_type3A_177, %shift_left3A_179 : vector<2048x64xi32>
    %bitcast_convert_type3A_181 = tpu.bitcast %shift_left3A_180 : vector<2048x64xi32> -> vector<2048x64xf32>
    %and3A_182 = arith.constant -65536 : i32
    %and3A_183 = vector.broadcast %and3A_182 : i32 to vector<2048x64xi32>
    %and3A_184 = arith.andi %bitcast_convert_type3A_177, %and3A_183 : vector<2048x64xi32>
    %bitcast_convert_type3A_185 = tpu.bitcast %and3A_184 : vector<2048x64xi32> -> vector<2048x64xf32>
    %eq3A_186 = arith.constant 0 : i32
    %eq3A_187 = vector.broadcast %eq3A_186 : i32 to vector<2048x1xi32>
    %eq3A_188 = arith.cmpi eq, %select_n3A_90, %eq3A_187 : vector<2048x1xi32>
    %broadcast_in_dim3A_189 = vector.shape_cast %eq3A_188 : vector<2048x1xi1> to vector<2048x1xi1>
    %broadcast_in_dim3A_190 = vector.broadcast %broadcast_in_dim3A_189 : vector<2048x1xi1> to vector<2048x64xi1>
    %select_n3A_191 = arith.select %broadcast_in_dim3A_190, %bitcast_convert_type3A_181, %bitcast_convert_type3A_185 : vector<2048x64xi1>, vector<2048x64xf32>
    %get3A_192 = arith.constant 0 : index
    %get3A_193 = arith.constant 0 : index
    %get3A_194 = vector.load %arg5[%get3A_192, %get3A_193] : memref<2048x128xi32, #tpu.memory_space<vmem>>, vector<2048x128xi32>
    %eq3A_195 = arith.constant 0 : i32
    %eq3A_196 = vector.broadcast %eq3A_195 : i32 to vector<2048x1xi32>
    %eq3A_197 = arith.cmpi eq, %select_n3A_68, %eq3A_196 : vector<2048x1xi32>
    %slice3A_198 = vector.extract_strided_slice %get3A_194 {offsets = [0, 0], sizes = [2048, 64], strides = [1, 1]} : vector<2048x128xi32> to vector<2048x64xi32>
    %slice3A_199 = vector.extract_strided_slice %get3A_194 {offsets = [0, 64], sizes = [2048, 64], strides = [1, 1]} : vector<2048x128xi32> to vector<2048x64xi32>
    %broadcast_in_dim3A_200 = vector.shape_cast %eq3A_197 : vector<2048x1xi1> to vector<2048x1xi1>
    %broadcast_in_dim3A_201 = vector.broadcast %broadcast_in_dim3A_200 : vector<2048x1xi1> to vector<2048x64xi1>
    %select_n3A_202 = arith.select %broadcast_in_dim3A_201, %slice3A_198, %slice3A_199 : vector<2048x64xi1>, vector<2048x64xi32>
    %bitcast_convert_type3A_203 = tpu.bitcast %select_n3A_202 : vector<2048x64xi32> -> vector<2048x64xi32>
    %shift_left3A_204 = arith.constant 16 : i32
    %shift_left3A_205 = vector.broadcast %shift_left3A_204 : i32 to vector<2048x64xi32>
    %shift_left3A_206 = arith.shli %bitcast_convert_type3A_203, %shift_left3A_205 : vector<2048x64xi32>
    %bitcast_convert_type3A_207 = tpu.bitcast %shift_left3A_206 : vector<2048x64xi32> -> vector<2048x64xf32>
    %and3A_208 = arith.constant -65536 : i32
    %and3A_209 = vector.broadcast %and3A_208 : i32 to vector<2048x64xi32>
    %and3A_210 = arith.andi %bitcast_convert_type3A_203, %and3A_209 : vector<2048x64xi32>
    %bitcast_convert_type3A_211 = tpu.bitcast %and3A_210 : vector<2048x64xi32> -> vector<2048x64xf32>
    %eq3A_212 = arith.constant 0 : i32
    %eq3A_213 = vector.broadcast %eq3A_212 : i32 to vector<2048x1xi32>
    %eq3A_214 = arith.cmpi eq, %select_n3A_18, %eq3A_213 : vector<2048x1xi32>
    %broadcast_in_dim3A_215 = vector.shape_cast %eq3A_214 : vector<2048x1xi1> to vector<2048x1xi1>
    %broadcast_in_dim3A_216 = vector.broadcast %broadcast_in_dim3A_215 : vector<2048x1xi1> to vector<2048x64xi1>
    %select_n3A_217 = arith.select %broadcast_in_dim3A_216, %bitcast_convert_type3A_207, %bitcast_convert_type3A_211 : vector<2048x64xi1>, vector<2048x64xf32>
    %get3A_218 = arith.constant 0 : index
    %get3A_219 = arith.constant 0 : index
    %get3A_220 = vector.load %arg6[%get3A_218, %get3A_219] : memref<2048x128xi32, #tpu.memory_space<vmem>>, vector<2048x128xi32>
    %eq3A_221 = arith.constant 0 : i32
    %eq3A_222 = vector.broadcast %eq3A_221 : i32 to vector<2048x1xi32>
    %eq3A_223 = arith.cmpi eq, %select_n3A_143, %eq3A_222 : vector<2048x1xi32>
    %slice3A_224 = vector.extract_strided_slice %get3A_220 {offsets = [0, 0], sizes = [2048, 64], strides = [1, 1]} : vector<2048x128xi32> to vector<2048x64xi32>
    %slice3A_225 = vector.extract_strided_slice %get3A_220 {offsets = [0, 64], sizes = [2048, 64], strides = [1, 1]} : vector<2048x128xi32> to vector<2048x64xi32>
    %broadcast_in_dim3A_226 = vector.shape_cast %eq3A_223 : vector<2048x1xi1> to vector<2048x1xi1>
    %broadcast_in_dim3A_227 = vector.broadcast %broadcast_in_dim3A_226 : vector<2048x1xi1> to vector<2048x64xi1>
    %select_n3A_228 = arith.select %broadcast_in_dim3A_227, %slice3A_224, %slice3A_225 : vector<2048x64xi1>, vector<2048x64xi32>
    %bitcast_convert_type3A_229 = tpu.bitcast %select_n3A_228 : vector<2048x64xi32> -> vector<2048x64xi32>
    %shift_left3A_230 = arith.constant 16 : i32
    %shift_left3A_231 = vector.broadcast %shift_left3A_230 : i32 to vector<2048x64xi32>
    %shift_left3A_232 = arith.shli %bitcast_convert_type3A_229, %shift_left3A_231 : vector<2048x64xi32>
    %bitcast_convert_type3A_233 = tpu.bitcast %shift_left3A_232 : vector<2048x64xi32> -> vector<2048x64xf32>
    %and3A_234 = arith.constant -65536 : i32
    %and3A_235 = vector.broadcast %and3A_234 : i32 to vector<2048x64xi32>
    %and3A_236 = arith.andi %bitcast_convert_type3A_229, %and3A_235 : vector<2048x64xi32>
    %bitcast_convert_type3A_237 = tpu.bitcast %and3A_236 : vector<2048x64xi32> -> vector<2048x64xf32>
    %eq3A_238 = arith.constant 0 : i32
    %eq3A_239 = vector.broadcast %eq3A_238 : i32 to vector<2048x1xi32>
    %eq3A_240 = arith.cmpi eq, %select_n3A_90, %eq3A_239 : vector<2048x1xi32>
    %broadcast_in_dim3A_241 = vector.shape_cast %eq3A_240 : vector<2048x1xi1> to vector<2048x1xi1>
    %broadcast_in_dim3A_242 = vector.broadcast %broadcast_in_dim3A_241 : vector<2048x1xi1> to vector<2048x64xi1>
    %select_n3A_243 = arith.select %broadcast_in_dim3A_242, %bitcast_convert_type3A_233, %bitcast_convert_type3A_237 : vector<2048x64xi1>, vector<2048x64xf32>
    %get3A_244 = arith.constant 0 : index
    %get3A_245 = arith.constant 0 : index
    %get3A_246 = vector.load %arg7[%get3A_244, %get3A_245] : memref<64x128xf32, #tpu.memory_space<vmem>>, vector<64x128xf32>
    %dot_general3A = arith.constant dense<0.000000e+00> : vector<2048x128xf32>
    %dot_general3A_247 = tpu.matmul %select_n3A_165, %get3A_246, %dot_general3A {dimension_numbers = #tpu.dot_dimension_numbers<[1], [0], [0], [1], [0, 0, 1, 1], [], []>, precision = #tpu.contract_precision<fp32>, transpose_lhs_hint = false} : vector<2048x64xf32>, vector<64x128xf32>, vector<2048x128xf32> -> vector<2048x128xf32>
    %get3A_248 = arith.constant 0 : index
    %get3A_249 = arith.constant 0 : index
    %get3A_250 = vector.load %arg8[%get3A_248, %get3A_249] : memref<64x128xf32, #tpu.memory_space<vmem>>, vector<64x128xf32>
    %dot_general3A_251 = arith.constant dense<0.000000e+00> : vector<2048x128xf32>
    %dot_general3A_252 = tpu.matmul %select_n3A_191, %get3A_250, %dot_general3A_251 {dimension_numbers = #tpu.dot_dimension_numbers<[1], [0], [0], [1], [0, 0, 1, 1], [], []>, precision = #tpu.contract_precision<fp32>, transpose_lhs_hint = false} : vector<2048x64xf32>, vector<64x128xf32>, vector<2048x128xf32> -> vector<2048x128xf32>
    %add3A_253 = arith.addf %dot_general3A_247, %dot_general3A_252 : vector<2048x128xf32>
    %get3A_254 = arith.constant 0 : index
    %get3A_255 = arith.constant 0 : index
    %get3A_256 = vector.load %arg9[%get3A_254, %get3A_255] : memref<1x128xf32, #tpu.memory_space<vmem>>, vector<1x128xf32>
    %add3A_257 = vector.broadcast %get3A_256 : vector<1x128xf32> to vector<2048x128xf32>
    %add3A_258 = arith.addf %add3A_253, %add3A_257 : vector<2048x128xf32>
    %ge3A = arith.constant 0.000000e+00 : f32
    %ge3A_259 = vector.broadcast %ge3A : f32 to vector<2048x128xf32>
    %ge3A_260 = arith.cmpf oge, %add3A_258, %ge3A_259 : vector<2048x128xf32>
    %mul3A = arith.constant 0.00999999977 : f32
    %mul3A_261 = vector.broadcast %mul3A : f32 to vector<2048x128xf32>
    %mul3A_262 = arith.mulf %mul3A_261, %add3A_258 : vector<2048x128xf32>
    %select_n3A_263 = arith.select %ge3A_260, %add3A_258, %mul3A_262 : vector<2048x128xi1>, vector<2048x128xf32>
    %get3A_264 = arith.constant 0 : index
    %get3A_265 = arith.constant 0 : index
    %get3A_266 = vector.load %arg10[%get3A_264, %get3A_265] : memref<128x64xf32, #tpu.memory_space<vmem>>, vector<128x64xf32>
    %dot_general3A_267 = arith.constant dense<0.000000e+00> : vector<2048x64xf32>
    %dot_general3A_268 = tpu.matmul %select_n3A_263, %get3A_266, %dot_general3A_267 {dimension_numbers = #tpu.dot_dimension_numbers<[1], [0], [0], [1], [0, 0, 1, 1], [], []>, precision = #tpu.contract_precision<fp32>, transpose_lhs_hint = false} : vector<2048x128xf32>, vector<128x64xf32>, vector<2048x64xf32> -> vector<2048x64xf32>
    %get3A_269 = arith.constant 0 : index
    %get3A_270 = arith.constant 0 : index
    %get3A_271 = vector.load %arg11[%get3A_269, %get3A_270] : memref<1x64xf32, #tpu.memory_space<vmem>>, vector<1x64xf32>
    %add3A_272 = vector.broadcast %get3A_271 : vector<1x64xf32> to vector<2048x64xf32>
    %add3A_273 = arith.addf %dot_general3A_268, %add3A_272 : vector<2048x64xf32>
    %ge3A_274 = arith.constant 0.000000e+00 : f32
    %ge3A_275 = vector.broadcast %ge3A_274 : f32 to vector<2048x64xf32>
    %ge3A_276 = arith.cmpf oge, %add3A_273, %ge3A_275 : vector<2048x64xf32>
    %mul3A_277 = arith.constant 0.00999999977 : f32
    %mul3A_278 = vector.broadcast %mul3A_277 : f32 to vector<2048x64xf32>
    %mul3A_279 = arith.mulf %mul3A_278, %add3A_273 : vector<2048x64xf32>
    %select_n3A_280 = arith.select %ge3A_276, %add3A_273, %mul3A_279 : vector<2048x64xi1>, vector<2048x64xf32>
    %mul3A_281 = arith.mulf %select_n3A_217, %select_n3A_243 : vector<2048x64xf32>
    %get3A_282 = arith.constant 0 : index
    %get3A_283 = arith.constant 0 : index
    %get3A_284 = vector.load %arg12[%get3A_282, %get3A_283] : memref<64x1xf32, #tpu.memory_space<vmem>>, vector<64x1xf32>
    %dot_general3A_285 = arith.constant dense<0.000000e+00> : vector<2048x1xf32>
    %dot_general3A_286 = tpu.matmul %mul3A_281, %get3A_284, %dot_general3A_285 {dimension_numbers = #tpu.dot_dimension_numbers<[1], [0], [0], [1], [0, 0, 1, 1], [], []>, precision = #tpu.contract_precision<fp32>, transpose_lhs_hint = false} : vector<2048x64xf32>, vector<64x1xf32>, vector<2048x1xf32> -> vector<2048x1xf32>
    %get3A_287 = arith.constant 0 : index
    %get3A_288 = arith.constant 0 : index
    %get3A_289 = vector.load %arg13[%get3A_287, %get3A_288] : memref<64x1xf32, #tpu.memory_space<vmem>>, vector<64x1xf32>
    %dot_general3A_290 = arith.constant dense<0.000000e+00> : vector<2048x1xf32>
    %dot_general3A_291 = tpu.matmul %select_n3A_280, %get3A_289, %dot_general3A_290 {dimension_numbers = #tpu.dot_dimension_numbers<[1], [0], [0], [1], [0, 0, 1, 1], [], []>, precision = #tpu.contract_precision<fp32>, transpose_lhs_hint = false} : vector<2048x64xf32>, vector<64x1xf32>, vector<2048x1xf32> -> vector<2048x1xf32>
    %add3A_292 = arith.addf %dot_general3A_286, %dot_general3A_291 : vector<2048x1xf32>
    %swap3A = arith.constant 0 : index
    %swap3A_293 = arith.constant 0 : index
    %swap3A_294 = vector.load %arg14[%swap3A, %swap3A_293] : memref<2048x1xf32, #tpu.memory_space<vmem>>, vector<2048x1xf32>
    tpu.vector_store %arg14[%swap3A, %swap3A_293], %add3A_292 {strides = array<i32>} : memref<2048x1xf32, #tpu.memory_space<vmem>>, vector<2048x1xf32>,
    return
  }
  func.func @transform_0(%arg0: i32) -> (i32, i32) {
    %c0_i32 = arith.constant 0 : i32
    %c0_i32_0 = arith.constant 0 : i32
    return %arg0, %c0_i32 : i32, i32
  }
  func.func @transform_1(%arg0: i32) -> (i32, i32) {
    %c0_i32 = arith.constant 0 : i32
    %c0_i32_0 = arith.constant 0 : i32
    return %arg0, %c0_i32 : i32, i32
  }
  func.func @transform_2(%arg0: i32) -> (i32, i32) {
    %c0_i32 = arith.constant 0 : i32
    %c0_i32_0 = arith.constant 0 : i32
    return %arg0, %c0_i32 : i32, i32
  }
  func.func @transform_3(%arg0: i32) -> (i32, i32) {
    %c0_i32 = arith.constant 0 : i32
    %c0_i32_0 = arith.constant 0 : i32
    return %arg0, %c0_i32 : i32, i32
  }
  func.func @transform_4(%arg0: i32) -> (i32, i32) {
    %c0_i32 = arith.constant 0 : i32
    %c0_i32_0 = arith.constant 0 : i32
    return %arg0, %c0_i32 : i32, i32
  }
  func.func @transform_5(%arg0: i32) -> (i32, i32) {
    %c0_i32 = arith.constant 0 : i32
    %c0_i32_0 = arith.constant 0 : i32
    return %arg0, %c0_i32 : i32, i32
  }
  func.func @transform_6(%arg0: i32) -> (i32, i32) {
    %c0_i32 = arith.constant 0 : i32
    %c0_i32_0 = arith.constant 0 : i32
    %c0_i32_1 = arith.constant 0 : i32
    return %c0_i32, %c0_i32_0 : i32, i32
  }
  func.func @transform_7(%arg0: i32) -> (i32, i32) {
    %c0_i32 = arith.constant 0 : i32
    %c0_i32_0 = arith.constant 0 : i32
    %c0_i32_1 = arith.constant 0 : i32
    return %c0_i32, %c0_i32_0 : i32, i32
  }
  func.func @transform_8(%arg0: i32) -> (i32, i32) {
    %c0_i32 = arith.constant 0 : i32
    %c0_i32_0 = arith.constant 0 : i32
    %c0_i32_1 = arith.constant 0 : i32
    return %c0_i32, %c0_i32_0 : i32, i32
  }
  func.func @transform_9(%arg0: i32) -> (i32, i32) {
    %c0_i32 = arith.constant 0 : i32
    %c0_i32_0 = arith.constant 0 : i32
    %c0_i32_1 = arith.constant 0 : i32
    return %c0_i32, %c0_i32_0 : i32, i32
  }
  func.func @transform_10(%arg0: i32) -> (i32, i32) {
    %c0_i32 = arith.constant 0 : i32
    %c0_i32_0 = arith.constant 0 : i32
    %c0_i32_1 = arith.constant 0 : i32
    return %c0_i32, %c0_i32_0 : i32, i32
  }
  func.func @transform_11(%arg0: i32) -> (i32, i32) {
    %c0_i32 = arith.constant 0 : i32
    %c0_i32_0 = arith.constant 0 : i32
    %c0_i32_1 = arith.constant 0 : i32
    return %c0_i32, %c0_i32_0 : i32, i32
  }
  func.func @transform_12(%arg0: i32) -> (i32, i32) {
    %c0_i32 = arith.constant 0 : i32
    %c0_i32_0 = arith.constant 0 : i32
    %c0_i32_1 = arith.constant 0 : i32
    return %c0_i32, %c0_i32_0 : i32, i32
  }
  func.func @transform_13(%arg0: i32) -> (i32, i32) {
    %c0_i32 = arith.constant 0 : i32
    %c0_i32_0 = arith.constant 0 : i32
    return %arg0, %c0_i32 : i32, i32
  }
}

</mosaic_0001>

<sc_bundles>
// kernel: kernel.4.cloned.1.call-start
scs
__scs_entry_jumppad:
0x0: {  	(pc) =	sbr.rel $0x88, $3  }
0x1: {  	(tag) =	ssettag $0x0;
	lr =	simm.s32 $0x1  }
0x2: {  	[smem:$0x3F97] =	sst lr;
	_ =	strace $0xD0000000  }
0x3: {  	_ = 	snop  }
0x4: {  	_ = 	snop  }
0x5: {  	_ = 	snop  }
0x6: {  	_ = 	snop  }
0x7: {  	_ = 	snop  }
__scs_overlays_trampoline_lowered:
0x8: {  	[smem:$0x3FA6] =	sst s0  }
0x9: {  	[smem:$0x3FA7] =	sst s1  }
0xa: {  	[smem:$0x3FA8] =	sst s2  }
0xb: {  	[smem:$0x3FA9] =	sst s3  }
0xc: {  	[smem:$0x3FAA] =	sst s4  }
0xd: {  	[smem:$0x3FAB] =	sst s5  }
0xe: {  	[smem:$0x3FAC] =	sst s6  }
0xf: {  	[smem:$0x3FAD] =	sst s7  }
0x10: {  	[smem:$0x3FAE] =	sst s8  }
0x11: {  	[smem:$0x3FAF] =	sst s9;
	s0 =	simm.s32 @!p0 $0x0  }
0x12: {  	s1 =	sld [smem:$0x3F95];
	s0 =	simm.s32 @p0 $0x1  }
0x13: {  	[smem:$0x3FB0] =	sst s0;
	s0 =	simm.s32 @!p1 $0x0  }
0x14: {  	s2 =	sld [smem:$0x3F94];
	s0 =	simm.s32 @p1 $0x1  }
0x15: {  	[smem:$0x3FB1] =	sst s0;
	s0 =	simm.s32 @!p2 $0x0  }
0x16: {  	s3 =	sld [smem:$0x3FDB];
	s0 =	simm.s32 @p2 $0x1  }
0x17: {  	s4 =	simm.s32 $0x1BF5;
	[smem:$0x3FB3] =	sst s0  }
0x18: {  	s0 =	sld [smem:$0x3F96];
	_ =	swait.ge [sflag:s4], $0x0  }
0x19: {  	s7 =	sld [smem:$0x3F97]  }
0x1a: {  	s8 =	sadd.s32 $0xFFFFE003, lr  }
0x1b: {  	s9 =	sadd.s32 $0xFFFFFEF7, lr;
	s5 =	simm.s32 $0xFFFFFFFF;
	p2 =	slt.u32 s8, $0xFFFFF086  }
0x1c: {  	p1 =	slt.u32 s9, $0xF7A;
	s5 =	simm.s32 @!p2 $0x0  }
0x1d: {  	s5 =	simm.s32 @p1 $0x1;
	p0 =	seq.s32 s7, s2  }
0x1e: {  	s7 =	smul.u32 @!p0 $0xF7A, s2;
	p2 =	seq.s32 @!p0 s5, $0x0  }
0x1f: {  	s9 =	smul.u32 $0xF7A, s1;
	s8 =	simm.s32 @!p0 $0x1BF5;
	p2 =	por !p2, p0  }
0x20: {  	[sflag:s8] =	ssyncset.s32 @!p0 $0xFFFFF086;
	s6 =	sadd.s32 @!p0 s3, s7;
	s7 =	simm.s32 @!p0 $0x108  }
0x21: {  	s3 =	sadd.s32 s3, s9;
	s6 =	sadd.s32 @!p0 $0x88, s6;
	s7 =	simm.s32 @p2 $0x1082  }
0x22: {  	[simem:s7], [sflag:s8] =	dma.local @!p0 [hbm:s6], $0xF7A  }
0x23: {  	s9 =	sor.u32 $0xD0000000, s2;
	s6 =	simm.s32 $0x108;
	_ =	swait.ge @!p0 [sflag:s8], $0x0  }
0x24: {  	s3 =	sadd.s32 $0x88, s3;
	s6 =	simm.s32 @!p1 $0x1082;
	[sflag:s4] =	ssyncset.s32 $0xFFFFF086  }
0x25: {  	[simem:s6], [sflag:s4] =	dma.local [hbm:s3], $0xF7A  }
0x26: {  	[smem:$0x3F97] =	sst s1;
	(tag) =	ssettag s2;
	_ =	strace s9  }
0x27: {  	s1 =	sld [smem:$0x3FA7]  }
0x28: {  	s2 =	sld [smem:$0x3FA8]  }
0x29: {  	s4 =	sld [smem:$0x3FAA]  }
0x2a: {  	p0 =	seq.s32 s5, $0x0;
	s5 =	sld [smem:$0x3FAB]  }
0x2b: {  	s6 =	sld [smem:$0x3FAC]  }
0x2c: {  	s7 =	sld [smem:$0x3FAD]  }
0x2d: {  	s3 =	simm.s32 $0x108;
	s8 =	sld [smem:$0x3FAE]  }
0x2e: {  	s3 =	simm.s32 @!p0 $0x1082;
	s9 =	sld [smem:$0x3FAF]  }
0x2f: {  	lr =	sadd.s32 s0, s3;
	s0 =	sld [smem:$0x3FA6]  }
0x30: {  	s3 =	sld [smem:$0x3FA9]  }
0x31: {  	[smem:$0x3FB2] =	sst s10  }
0x32: {  	s10 =	sld [smem:$0x3FB0];
	_ =	sdelay $0x3  }
0x33: {  	p0 =	seq.s32 s10, $0x1;
	s10 =	sld [smem:$0x3FB2];
	_ =	sdelay $0x3  }
0x34: {  	[smem:$0x3FB2] =	sst s10  }
0x35: {  	s10 =	sld [smem:$0x3FB1];
	_ =	sdelay $0x3  }
0x36: {  	p1 =	seq.s32 s10, $0x1;
	s10 =	sld [smem:$0x3FB2];
	_ =	sdelay $0x3  }
0x37: {  	[smem:$0x3FB2] =	sst s10  }
0x38: {  	s10 =	sld [smem:$0x3FB3]  }
0x39: {  	_ = 	snop;
	(pc) =	sbr.ind lr, $3  }
0x3a: {  	_ = 	snop  }
0x3b: {  	_ = 	snop  }
0x3c: {  	p2 =	seq.s32 s10, $0x1;
	s10 =	sld [smem:$0x3FB2]  }
0x3d: {  	_ =	shalt  }
0x3e: {  	_ =	shalt  }
0x3f: {  	_ =	shalt  }
0x40: {  	_ =	shalt  }
0x41: {  	_ =	shalt  }
0x42: {  	_ =	shalt  }
0x43: {  	_ =	shalt  }
0x44: {  	_ =	shalt  }
0x45: {  	_ =	shalt  }
0x46: {  	_ =	shalt  }
0x47: {  	_ =	shalt  }
0x48: {  	_ =	shalt  }
0x49: {  	_ =	shalt  }
0x4a: {  	_ =	shalt  }
0x4b: {  	_ =	shalt  }
0x4c: {  	_ =	shalt  }
0x4d: {  	_ =	shalt  }
0x4e: {  	_ =	shalt  }
0x4f: {  	_ =	shalt  }
0x50: {  	_ =	shalt  }
0x51: {  	_ =	shalt  }
0x52: {  	_ =	shalt  }
0x53: {  	_ =	shalt  }
0x54: {  	_ =	shalt  }
0x55: {  	_ =	shalt  }
0x56: {  	_ =	shalt  }
0x57: {  	_ =	shalt  }
0x58: {  	_ =	shalt  }
0x59: {  	_ =	shalt  }
0x5a: {  	_ =	shalt  }
0x5b: {  	_ =	shalt  }
0x5c: {  	_ =	shalt  }
0x5d: {  	_ =	shalt  }
0x5e: {  	_ =	shalt  }
0x5f: {  	_ =	shalt  }
0x60: {  	_ =	shalt  }
0x61: {  	_ =	shalt  }
0x62: {  	_ =	shalt  }
0x63: {  	_ =	shalt  }
0x64: {  	_ =	shalt  }
0x65: {  	_ =	shalt  }
0x66: {  	_ =	shalt  }
0x67: {  	_ =	shalt  }
0x68: {  	_ =	shalt  }
0x69: {  	_ =	shalt  }
0x6a: {  	_ =	shalt  }
0x6b: {  	_ =	shalt  }
0x6c: {  	_ =	shalt  }
0x6d: {  	_ =	shalt  }
0x6e: {  	_ =	shalt  }
0x6f: {  	_ =	shalt  }
0x70: {  	_ =	shalt  }
0x71: {  	_ =	shalt  }
0x72: {  	_ =	shalt  }
0x73: {  	_ =	shalt  }
0x74: {  	_ =	shalt  }
0x75: {  	_ =	shalt  }
0x76: {  	_ =	shalt  }
0x77: {  	_ =	shalt  }
0x78: {  	_ =	shalt  }
0x79: {  	_ =	shalt  }
0x7a: {  	_ =	shalt  }
0x7b: {  	_ =	shalt  }
0x7c: {  	_ =	shalt  }
0x7d: {  	_ =	shalt  }
0x7e: {  	_ =	shalt  }
0x7f: {  	_ =	shalt  }
0x80: {  	_ =	shalt  }
0x81: {  	_ =	shalt  }
0x82: {  	_ =	shalt  }
0x83: {  	_ =	shalt  }
0x84: {  	_ =	shalt  }
0x85: {  	_ =	shalt  }
0x86: {  	_ =	shalt  }
0x87: {  	_ =	shalt  }
.Lfunc_end0:
.L_simem_size_0:
called_computation.6_lowered:
.L_overlay_start_0:
0x88: {  	s2 =	sld [smem:$0x3FD9]  }
0x89: {  	s3 =	sld [smem:$0x3FFE];
	_ =	sdelay $0x1  }
0x8a: {  	s1 =	srdreg.scid  }
0x8b: {  	s0 =	sand.u32 $0x1, s1  }
0x8c: {  	s17 =	sshll.u32 s0, $0xA;
	s2 =	sadd.s32 s3, s2  }
0x8d: {  	s2 =	sadd.s32 s2, s17  }
0x8e: {  	[smem:$0x3FBE] =	sst s2  }
0x8f: {  	_ = 	snop  }
0x90: {  	s2 =	sld [smem:$0x3FD0];
	(tm) =	ssettm $0x1  }
0x91: {  	s18 =	sld [smem:$0x3FFB];
	_ =	sdelay $0x3  }
0x92: {  	_ =	strace s18  }
0x93: {  	s3 =	sld [smem:$0x3FFC];
	_ =	sdelay $0x3  }
0x94: {  	_ =	strace s3  }
0x95: {  	s3 =	sld [smem:$0x3FFD];
	_ =	sdelay $0x3  }
0x96: {  	_ =	strace s3  }
0x97: {  	_ =	strace $0x8FFFFFFF  }
0x98: {  	s19 =	sld [smem:$0x3FDB];
	_ =	sdelay $0x1  }
0x99: {  	s4 =	simm.s32 $_scs_section_size  }
0x9a: {  	s5 =	simm.s32 $_size__tile_overlayer_lowered;
	s6 =	simm.s32 $_tile_overlayer_lowered  }
0x9b: {  	s22 =	simm.s32 $0x1BFF;
	s21 =	sshll.u32 s6, $0x1;
	s3 =	sadd.s32 s4, s19  }
0x9c: {  	s7 =	simm.s32 $0x0;
	s20 =	sshll.u32 s5, $0x1;
	s5 =	sadd.s32 s21, s3  }
0x9d: {  	[timem:s7], [sflag:s22] =	dma.local [hbm:s5], s20  }
0x9e: {  	_ =	swait.ge [sflag:s22], s20  }
0x9f: {  	s4 =	ssub.s32 $0x0, s20;
	[sflag:s22] =	ssyncset.done $0x0  }
0xa0: {  	[sflag:s22] =	ssyncadd.s32 s4;
	_ =	sdelay $0x1  }
0xa1: {  	s23 =	simm.s32 $0x1B8B  }
0xa2: {  	_ =	swait.ge [sflag:s23], $0x1  }
0xa3: {  	[sflag:s23] =	ssyncset.done $0x0  }
0xa4: {  	s25 =	simm.s32 $0x1B8E;
	s24 =	sld [smem:$0x3FFE];
	[sflag:s23] =	ssyncadd.s32 $0xFFFFFFFF  }
0xa5: {  	s26 =	simm.s32 $execute0_lowered;
	[smem:$0x3FD2] =	sst s25  }
0xa6: {  	s5 =	sshll.u32 s26, $0x1;
	_ =	strace $0x80000058;
	[dreg:$0x1] =	wrdreg $0xFFFFFFFF  }
0xa7: {  	s28 =	simm.s32 $_size_execute0_lowered;
	s3 =	sadd.s32 s3, s5;
	[dreg:$0x0] =	wrdreg $0x0  }
0xa8: {  	s5 =	sshll.u32 s28, $0x1;
	[dreg:$0x2] =	wrdreg s3  }
0xa9: {  	[dreg:$0x3] =	wrdreg s5  }
0xaa: {  	[dreg:$0x4] =	wrdreg $0xC0  }
0xab: {  	_ =	task [dreg:s7], $0x5FFFF  }
0xac: {  	[dreg:$0x1] =	wrdreg $0xFFFFFFFF  }
0xad: {  	[dreg:$0x0] =	wrdreg $0x60  }
0xae: {  	[dreg:$0x2] =	wrdreg s2  }
0xaf: {  	[dreg:$0x3] =	wrdreg s24  }
0xb0: {  	[dreg:$0x4] =	wrdreg $0x9  }
0xb1: {  	_ =	task.clear_ibuf [dreg:s7], $0x5FFFF;
	_ =	strace $0x90000058  }
0xb2: {  	s29 =	simm.s32 $0x9;
	_ =	strace $0x8000005A  }
0xb3: {  	_ =	swait.ge [sflag:s29], $0x1  }
0xb4: {  	[sflag:s29] =	ssyncadd.s32 $0xFFFFFFFF  }
0xb5: {  	_ =	strace $0x9000005A  }
0xb6: {  	_ =	sfence  }
0xb7: {  	s30 =	sld [smem:$0x0];
	_ =	sdelay $0x2  }
0xb8: {  	s31 =	sshll.u32 s1, $0xD;
	s1 =	sshrl.u32 s1, $0x2  }
0xb9: {  	s3 =	sand.u32 $0x4000, s31;
	s1 =	sadd.s32 s1, s30  }
0xba: {  	s0 =	sor.u32 s3, s0;
	s1 =	sshll.u32 s1, $0x11  }
0xbb: {  	s0 =	sor.u32 s1, s0  }
0xbc: {  	s0 =	sadd.s32 $0x8F2B, s0  }
0xbd: {  	[sflag:s0] =	ssyncadd.remote.s32 $0x1  }
0xbe: {  	_ =	sfence.sel $0xFFFF  }
0xbf: {  	[dreg:$0x0] =	wrdreg $0xFFFFFFFF;
	(pc) =	sbr.abs _section_cstart, $3  }
0xc0: {  	[dreg:$0x1] =	wrdreg $0xFFFFFFFF  }
0xc1: {  	_ =	task.clear_ibuf [dreg:s7], $0x2FFFF;
	_ =	strace $0x9FFFFFFF  }
0xc2: {  	(tm) =	ssettm $0x7FFFFFFF  }
0xc3: {  	_ =	shalt  }
tec
execute0_lowered:
.L_overlay_start_1:
0x0: {  	(tag) =	ssettag $0x1  }
0x1: {  	s0 =	rddreg [dreg:$0x0]  }
0x2: {  	s1 =	rddreg [dreg:$0x1];
	s2 =	srdreg.scid  }
0x3: {  	s4 =	stileid.u32;
	s31 =	simm.s32 $0x200;
	p0 =	por $0x0, $0x0  }
0x4: {  	s29 =	simm.s32 $0x300;
	s28 =	simm.s32 $0x180;
	s3 =	sand.u32 $0x1, s2  }
0x5: {  	s2 =	simm.s32 $0x0;
	s4 =	sshll.u32 s4, $0xA;
	s7 =	sadd.s32 $0x2400, s1  }
0x6: {  	s24 =	sadd.s32 $0x42400, s1;
	s26 =	sadd.s32 $0x82400, s1;
	s5 =	sshll.u32 s3, $0x9  }
0x7: {  	s9 =	sadd.s32 $0xC2400, s1;
	s21 =	sadd.s32 $0x7A3E00, s1;
	s4 =	sor.u32 s5, s4  }
0x8: {  	[smem:$0x7FF] =	sst s2;
	s3 =	ssub.s32 $0x2, s3;
	s5 =	sshrl.u32 s4, $0x3  }
0x9: {  	_ =	strace $0x80000059;
	s4 =	sshll.u32 s4, $0x4;
	s0 =	sadd.s32 s0, s5  }
0xa: {  	s6 =	sadd.s32 s5, s1;
	s25 =	sadd.s32 s7, s4;
	[dreg:$0x3] =	wrdreg s0  }
0xb: {  	s8 =	sadd.s32 s24, s4;
	s10 =	sadd.s32 s26, s4;
	[dreg:$0x5] =	wrdreg s25  }
0xc: {  	s11 =	sadd.s32 s9, s4;
	s5 =	simm.s32 $0x8;
	[dreg:$0x6] =	wrdreg s8  }
0xd: {  	s23 =	sadd.s32 $0x2258A00, s6;
	[dreg:$0x7] =	wrdreg s10;
	s8 =	sor.u32 $0x800, s4  }
0xe: {  	[dreg:$0x8] =	wrdreg s11;
	s10 =	sor.u32 $0x1000, s4;
	s4 =	sor.u32 $0x1800, s4  }
0xf: {  	s0 =	simm.s32 $0xD;
	[dreg:$0x4] =	wrdreg s23;
	s12 =	sadd.s32 s7, s8  }
0x10: {  	s11 =	simm.s32 $0x400;
	s13 =	sadd.s32 s24, s8;
	[dreg:$0x9] =	wrdreg s12  }
0x11: {  	s6 =	simm.s32 $0x7;
	s14 =	sadd.s32 s26, s8;
	[dreg:$0xa] =	wrdreg s13  }
0x12: {  	s15 =	sadd.s32 s9, s8;
	s16 =	sadd.s32 s7, s10;
	[dreg:$0xb] =	wrdreg s14  }
0x13: {  	s17 =	sadd.s32 s24, s10;
	s8 =	sadd.s32 $0x3D3400, s1;
	[dreg:$0xc] =	wrdreg s15  }
0x14: {  	s18 =	sadd.s32 s26, s10;
	s19 =	sadd.s32 s9, s10;
	[dreg:$0xd] =	wrdreg s16  }
0x15: {  	s20 =	sadd.s32 s7, s4;
	s22 =	sadd.s32 s24, s4;
	[dreg:$0xe] =	wrdreg s17  }
0x16: {  	s23 =	sshrl.u32 s3, $0x1;
	s24 =	sadd.s32 s26, s4;
	[dreg:$0xf] =	wrdreg s18  }
0x17: {  	s25 =	sadd.s32 s9, s4;
	s10 =	simm.s32 $0x4400;
	[dreg:$0x10] =	wrdreg s19  }
0x18: {  	s9 =	simm.s32 $0x8400;
	s7 =	simm.s32 $0xC400;
	[dreg:$0x11] =	wrdreg s20  }
0x19: {  	s4 =	simm.s32 $0xA;
	[dreg:$0x12] =	wrdreg s22;
	s3 =	ssub.s32 s3, s23  }
0x1a: {  	[dreg:$0x13] =	wrdreg s24;
	s22 =	sadd.s32 $0xB74800, s1;
	s26 =	smax.u32 s3, $0x1  }
0x1b: {  	[dreg:$0x14] =	wrdreg s25;
	s19 =	simm.s32 $0x80;
	p1 =	sne.s32 s26, $0x1  }
.Ltmp0:
0x1c: {  	s20 =	simm.s32 $0x10400;
	s18 =	simm.s32 $0x14400;
	(pc) =	sbr.rel @!p1 .LBB2_3-.Ltmp0, $4  }
0x1d: {  	s17 =	simm.s32 $0x1;
	s16 =	simm.s32 $0x2;
	s13 =	simm.s32 $0x3  }
0x1e: {  	s12 =	simm.s32 $0x4;
	s24 =	simm.s32 $0x5;
	s15 =	simm.s32 $0xB  }
0x1f: {  	s23 =	simm.s32 $0x6;
	s14 =	simm.s32 $0xC;
	s25 =	rddreg [dreg:$0x3]  }
0x20: {  	s3 =	simm.s32 $0x9;
	s30 =	sadd.s32 $0xFFFFFFFF, s26;
	s26 =	simm.s32 $0x380  }
0x21: {  	[tilespmem:s2], [sflag:$0xD] =	stream.linear.gather [hbm4b:s25+s2], $0x200, $0x38;
	[tilespmem:$0x18400] =	vst v63  }
0x22: {  	_ =	swait.ge [sflag:s0], $0x200  }
0x23: {  	[sflag:s0] =	ssyncset.done $0x0  }
0x24: {  	s1 =	rddreg [dreg:$0x4];
	[sflag:s0] =	ssyncadd.s32 $0xFFFFFE00  }
0x25: {  	[tilespmem:s31], [sflag:$0xD] =	stream.linear.gather [hbm4b:s1+s2], $0x200, $0x38;
	[tilespmem:$0x18400] =	vst v63  }
0x26: {  	_ =	swait.ge [sflag:s0], $0x200  }
0x27: {  	[sflag:s0] =	ssyncset.done $0x0  }
0x28: {  	[sflag:s0] =	ssyncadd.s32 $0xFFFFFE00  }
0x29: {  	[tilespmem:s11], [sflag:$0x1] =	stream.indirect.gather [hbm4b:s21+s19], $0x80, s2, s19, $0xb8;
	[tilespmem:$0x18400] =	vst v63  }
0x2a: {  	_ = 	snop  }
0x2b: {  	[tilespmem:s10], [sflag:$0x2] =	stream.indirect.gather [hbm4b:s22+s19], $0x80, s31, s19, $0xb8;
	[tilespmem:$0x18400] =	vst v63  }
0x2c: {  	_ = 	snop  }
0x2d: {  	[tilespmem:s9], [sflag:$0x3] =	stream.indirect.gather [hbm4b:s8+s19], $0x80, s2, s19, $0xb8;
	[tilespmem:$0x18400] =	vst v63  }
0x2e: {  	_ = 	snop  }
0x2f: {  	[tilespmem:s7], [sflag:$0x4] =	stream.indirect.gather [hbm4b:s8+s19], $0x80, s31, s19, $0xb8;
	[tilespmem:$0x18400] =	vst v63  }
0x30: {  	_ = 	snop  }
0x31: {  	[tilespmem:s20], [sflag:$0x5] =	stream.indirect.gather [hbm4b:s21+s19], $0x80, s19, s19, $0xb8;
	[tilespmem:$0x18400] =	vst v63  }
0x32: {  	s1 =	simm.s32 $0x280  }
0x33: {  	[tilespmem:s18], [sflag:$0x6] =	stream.indirect.gather [hbm4b:s22+s19], $0x80, s1, s19, $0xb8;
	[tilespmem:$0x18400] =	vst v63  }
0x34: {  	_ =	swait.ge [sflag:s17], $0x4000  }
0x35: {  	[sflag:s17] =	ssyncset.done $0x0  }
0x36: {  	s25 =	rddreg [dreg:$0x5];
	[sflag:s17] =	ssyncadd.s32 $0xFFFFC000  }
0x37: {  	[hbm4b:s25+s2] =	stream.linear.scatter [tilespmem:s11], [sflag:$0x7], $0x4000, $0x38;
	[tilespmem:$0x18400] =	vst v63  }
0x38: {  	_ =	swait.ge [sflag:s6], $0x4000  }
0x39: {  	[sflag:s6] =	ssyncset.done $0x0  }
0x3a: {  	[sflag:s6] =	ssyncadd.s32 $0xFFFFC000  }
0x3b: {  	[tilespmem:s11], [sflag:$0x1] =	stream.indirect.gather [hbm4b:s8+s19], $0x80, s19, s19, $0xb8;
	[tilespmem:$0x18400] =	vst v63  }
0x3c: {  	_ =	swait.ge [sflag:s16], $0x4000  }
0x3d: {  	[sflag:s16] =	ssyncset.done $0x0  }
0x3e: {  	s25 =	rddreg [dreg:$0x6];
	[sflag:s16] =	ssyncadd.s32 $0xFFFFC000  }
0x3f: {  	[hbm4b:s25+s2] =	stream.linear.scatter [tilespmem:s10], [sflag:$0x8], $0x4000, $0x38;
	[tilespmem:$0x18400] =	vst v63  }
0x40: {  	_ =	swait.ge [sflag:s5], $0x4000  }
0x41: {  	[sflag:s5] =	ssyncset.done $0x0  }
0x42: {  	[sflag:s5] =	ssyncadd.s32 $0xFFFFC000  }
0x43: {  	[tilespmem:s10], [sflag:$0x2] =	stream.indirect.gather [hbm4b:s8+s19], $0x80, s1, s19, $0xb8;
	[tilespmem:$0x18400] =	vst v63  }
0x44: {  	_ =	swait.ge [sflag:s13], $0x4000  }
0x45: {  	[sflag:s13] =	ssyncset.done $0x0  }
0x46: {  	s1 =	rddreg [dreg:$0x7];
	[sflag:s13] =	ssyncadd.s32 $0xFFFFC000  }
0x47: {  	[hbm4b:s1+s2] =	stream.linear.scatter [tilespmem:s9], [sflag:$0x9], $0x4000, $0x38;
	[tilespmem:$0x18400] =	vst v63  }
0x48: {  	_ =	swait.ge [sflag:s3], $0x4000  }
0x49: {  	[sflag:s3] =	ssyncset.done $0x0  }
0x4a: {  	s1 =	simm.s32 $0x100;
	[sflag:s3] =	ssyncadd.s32 $0xFFFFC000  }
0x4b: {  	[tilespmem:s9], [sflag:$0x3] =	stream.indirect.gather [hbm4b:s21+s19], $0x80, s1, s19, $0xb8;
	[tilespmem:$0x18400] =	vst v63  }
0x4c: {  	_ =	swait.ge [sflag:s12], $0x4000  }
0x4d: {  	[sflag:s12] =	ssyncset.done $0x0  }
0x4e: {  	s25 =	rddreg [dreg:$0x8];
	[sflag:s12] =	ssyncadd.s32 $0xFFFFC000  }
0x4f: {  	[hbm4b:s25+s2] =	stream.linear.scatter [tilespmem:s7], [sflag:$0xA], $0x4000, $0x38;
	[tilespmem:$0x18400] =	vst v63  }
0x50: {  	_ =	swait.ge [sflag:s4], $0x4000  }
0x51: {  	[sflag:s4] =	ssyncset.done $0x0  }
0x52: {  	[sflag:s4] =	ssyncadd.s32 $0xFFFFC000  }
0x53: {  	[tilespmem:s7], [sflag:$0x4] =	stream.indirect.gather [hbm4b:s22+s19], $0x80, s29, s19, $0xb8;
	[tilespmem:$0x18400] =	vst v63  }
0x54: {  	_ =	swait.ge [sflag:s24], $0x4000  }
0x55: {  	[sflag:s24] =	ssyncset.done $0x0  }
0x56: {  	s25 =	rddreg [dreg:$0x9];
	[sflag:s24] =	ssyncadd.s32 $0xFFFFC000  }
0x57: {  	[hbm4b:s25+s2] =	stream.linear.scatter [tilespmem:s20], [sflag:$0xB], $0x4000, $0x38;
	[tilespmem:$0x18400] =	vst v63  }
0x58: {  	_ =	swait.ge [sflag:s15], $0x4000  }
0x59: {  	[sflag:s15] =	ssyncset.done $0x0  }
0x5a: {  	[sflag:s15] =	ssyncadd.s32 $0xFFFFC000  }
0x5b: {  	[tilespmem:s20], [sflag:$0x5] =	stream.indirect.gather [hbm4b:s8+s19], $0x80, s1, s19, $0xb8;
	[tilespmem:$0x18400] =	vst v63  }
0x5c: {  	_ =	swait.ge [sflag:s23], $0x4000  }
0x5d: {  	[sflag:s23] =	ssyncset.done $0x0  }
0x5e: {  	s1 =	rddreg [dreg:$0xa];
	[sflag:s23] =	ssyncadd.s32 $0xFFFFC000  }
0x5f: {  	[hbm4b:s1+s2] =	stream.linear.scatter [tilespmem:s18], [sflag:$0xC], $0x4000, $0x38;
	[tilespmem:$0x18400] =	vst v63  }
0x60: {  	_ =	swait.ge [sflag:s14], $0x4000  }
0x61: {  	[sflag:s14] =	ssyncset.done $0x0  }
0x62: {  	[sflag:s14] =	ssyncadd.s32 $0xFFFFC000  }
0x63: {  	[tilespmem:s18], [sflag:$0x6] =	stream.indirect.gather [hbm4b:s8+s19], $0x80, s29, s19, $0xb8;
	[tilespmem:$0x18400] =	vst v63  }
0x64: {  	_ =	swait.ge [sflag:s17], $0x4000  }
0x65: {  	[sflag:s17] =	ssyncset.done $0x0  }
0x66: {  	s1 =	rddreg [dreg:$0xb];
	[sflag:s17] =	ssyncadd.s32 $0xFFFFC000  }
0x67: {  	[hbm4b:s1+s2] =	stream.linear.scatter [tilespmem:s11], [sflag:$0x7], $0x4000, $0x38;
	[tilespmem:$0x18400] =	vst v63  }
0x68: {  	_ =	swait.ge [sflag:s6], $0x4000  }
0x69: {  	[sflag:s6] =	ssyncset.done $0x0  }
0x6a: {  	[sflag:s6] =	ssyncadd.s32 $0xFFFFC000  }
0x6b: {  	[tilespmem:s11], [sflag:$0x1] =	stream.indirect.gather [hbm4b:s21+s19], $0x80, s28, s19, $0xb8;
	[tilespmem:$0x18400] =	vst v63  }
0x6c: {  	_ =	swait.ge [sflag:s16], $0x4000  }
0x6d: {  	[sflag:s16] =	ssyncset.done $0x0  }
0x6e: {  	s1 =	rddreg [dreg:$0xc];
	[sflag:s16] =	ssyncadd.s32 $0xFFFFC000  }
0x6f: {  	[hbm4b:s1+s2] =	stream.linear.scatter [tilespmem:s10], [sflag:$0x8], $0x4000, $0x38;
	[tilespmem:$0x18400] =	vst v63  }
0x70: {  	_ =	swait.ge [sflag:s5], $0x4000  }
0x71: {  	[sflag:s5] =	ssyncset.done $0x0  }
0x72: {  	[sflag:s5] =	ssyncadd.s32 $0xFFFFC000  }
0x73: {  	[tilespmem:s10], [sflag:$0x2] =	stream.indirect.gather [hbm4b:s22+s19], $0x80, s26, s19, $0xb8;
	[tilespmem:$0x18400] =	vst v63  }
0x74: {  	_ =	swait.ge [sflag:s13], $0x4000  }
0x75: {  	[sflag:s13] =	ssyncset.done $0x0  }
0x76: {  	s1 =	rddreg [dreg:$0xd];
	[sflag:s13] =	ssyncadd.s32 $0xFFFFC000  }
0x77: {  	[hbm4b:s1+s2] =	stream.linear.scatter [tilespmem:s9], [sflag:$0x9], $0x4000, $0x38;
	[tilespmem:$0x18400] =	vst v63  }
0x78: {  	_ =	swait.ge [sflag:s3], $0x4000  }
0x79: {  	[sflag:s3] =	ssyncset.done $0x0  }
0x7a: {  	[sflag:s3] =	ssyncadd.s32 $0xFFFFC000  }
0x7b: {  	[tilespmem:s9], [sflag:$0x3] =	stream.indirect.gather [hbm4b:s8+s19], $0x80, s28, s19, $0xb8;
	[tilespmem:$0x18400] =	vst v63  }
0x7c: {  	_ =	swait.ge [sflag:s12], $0x4000  }
0x7d: {  	[sflag:s12] =	ssyncset.done $0x0  }
0x7e: {  	s1 =	rddreg [dreg:$0xe];
	[sflag:s12] =	ssyncadd.s32 $0xFFFFC000  }
0x7f: {  	[hbm4b:s1+s2] =	stream.linear.scatter [tilespmem:s7], [sflag:$0xA], $0x4000, $0x38;
	[tilespmem:$0x18400] =	vst v63  }
0x80: {  	_ =	swait.ge [sflag:s4], $0x4000  }
0x81: {  	[sflag:s4] =	ssyncset.done $0x0  }
0x82: {  	[sflag:s4] =	ssyncadd.s32 $0xFFFFC000  }
0x83: {  	[tilespmem:s7], [sflag:$0x4] =	stream.indirect.gather [hbm4b:s8+s19], $0x80, s26, s19, $0xb8;
	[tilespmem:$0x18400] =	vst v63  }
0x84: {  	_ =	swait.ge [sflag:s24], $0x4000  }
0x85: {  	[sflag:s24] =	ssyncset.done $0x0  }
0x86: {  	s1 =	rddreg [dreg:$0xf];
	[sflag:s24] =	ssyncadd.s32 $0xFFFFC000  }
0x87: {  	[hbm4b:s1+s2] =	stream.linear.scatter [tilespmem:s20], [sflag:$0xB], $0x4000, $0x38;
	[tilespmem:$0x18400] =	vst v63  }
0x88: {  	_ =	swait.ge [sflag:s23], $0x4000  }
0x89: {  	[sflag:s23] =	ssyncset.done $0x0  }
0x8a: {  	s1 =	rddreg [dreg:$0x10];
	[sflag:s23] =	ssyncadd.s32 $0xFFFFC000  }
0x8b: {  	[hbm4b:s1+s2] =	stream.linear.scatter [tilespmem:s18], [sflag:$0xC], $0x4000, $0x38;
	[tilespmem:$0x18400] =	vst v63  }
0x8c: {  	_ =	swait.ge [sflag:s17], $0x4000  }
0x8d: {  	[sflag:s17] =	ssyncset.done $0x0  }
0x8e: {  	s1 =	rddreg [dreg:$0x11];
	[sflag:s17] =	ssyncadd.s32 $0xFFFFC000  }
0x8f: {  	[hbm4b:s1+s2] =	stream.linear.scatter [tilespmem:s11], [sflag:$0x7], $0x4000, $0x38;
	[tilespmem:$0x18400] =	vst v63  }
0x90: {  	_ =	swait.ge [sflag:s16], $0x4000  }
0x91: {  	[sflag:s16] =	ssyncset.done $0x0  }
0x92: {  	s1 =	rddreg [dreg:$0x12];
	[sflag:s16] =	ssyncadd.s32 $0xFFFFC000  }
0x93: {  	[hbm4b:s1+s2] =	stream.linear.scatter [tilespmem:s10], [sflag:$0x8], $0x4000, $0x38;
	[tilespmem:$0x18400] =	vst v63  }
0x94: {  	_ =	swait.ge [sflag:s13], $0x4000  }
0x95: {  	[sflag:s13] =	ssyncset.done $0x0  }
0x96: {  	s1 =	rddreg [dreg:$0x13];
	[sflag:s13] =	ssyncadd.s32 $0xFFFFC000  }
0x97: {  	[hbm4b:s1+s2] =	stream.linear.scatter [tilespmem:s9], [sflag:$0x9], $0x4000, $0x38;
	[tilespmem:$0x18400] =	vst v63  }
0x98: {  	_ =	swait.ge [sflag:s12], $0x4000  }
0x99: {  	[sflag:s12] =	ssyncset.done $0x0  }
0x9a: {  	s1 =	rddreg [dreg:$0x14];
	[sflag:s12] =	ssyncadd.s32 $0xFFFFC000  }
0x9b: {  	[hbm4b:s1+s2] =	stream.linear.scatter [tilespmem:s7], [sflag:$0xA], $0x4000, $0x38;
	[tilespmem:$0x18400] =	vst v63  }
0x9c: {  	_ =	swait.ge [sflag:s15], $0x4000  }
0x9d: {  	[sflag:s15] =	ssyncset.done $0x0  }
0x9e: {  	[sflag:s15] =	ssyncadd.s32 $0xFFFFC000  }
0x9f: {  	_ =	swait.ge [sflag:s14], $0x4000  }
0xa0: {  	[sflag:s14] =	ssyncset.done $0x0  }
0xa1: {  	[sflag:s14] =	ssyncadd.s32 $0xFFFFC000  }
0xa2: {  	_ =	swait.ge [sflag:s6], $0x4000  }
0xa3: {  	[sflag:s6] =	ssyncset.done $0x0  }
0xa4: {  	[sflag:s6] =	ssyncadd.s32 $0xFFFFC000  }
0xa5: {  	_ =	swait.ge [sflag:s5], $0x4000  }
0xa6: {  	[sflag:s5] =	ssyncset.done $0x0  }
0xa7: {  	p1 =	sne.s32 s30, $0x1;
	[sflag:s5] =	ssyncadd.s32 $0xFFFFC000  }
.Ltmp1:
0xa8: {  	_ =	swait.ge [sflag:s3], $0x4000;
	(pc) =	sbr.rel @!p1 .LBB2_3-.Ltmp1, $4  }
0xa9: {  	[sflag:s3] =	ssyncset.done $0x0  }
0xaa: {  	[sflag:s3] =	ssyncadd.s32 $0xFFFFC000  }
0xab: {  	p0 =	por $0x1, $0x1;
	_ =	swait.ge [sflag:s4], $0x4000  }
0xac: {  	s1 =	sadd.s32 $0xFFFFFFFF, s30;
	s25 =	rddreg [dreg:$0x3];
	[sflag:s4] =	ssyncset.done $0x0  }
.LBB2_2:
0xad: {  	[sflag:s4] =	ssyncadd.s32 $0xFFFFC000  }
0xae: {  	[tilespmem:s2], [sflag:$0xD] =	stream.linear.gather [hbm4b:s25+s2], $0x200, $0x38;
	[tilespmem:$0x18400] =	vst v63  }
0xaf: {  	_ =	swait.ge [sflag:s0], $0x200  }
0xb0: {  	[sflag:s0] =	ssyncset.done $0x0  }
0xb1: {  	s30 =	rddreg [dreg:$0x4];
	[sflag:s0] =	ssyncadd.s32 $0xFFFFFE00  }
0xb2: {  	[tilespmem:s31], [sflag:$0xD] =	stream.linear.gather [hbm4b:s30+s2], $0x200, $0x38;
	[tilespmem:$0x18400] =	vst v63  }
0xb3: {  	_ =	swait.ge [sflag:s0], $0x200  }
0xb4: {  	[sflag:s0] =	ssyncset.done $0x0  }
0xb5: {  	[sflag:s0] =	ssyncadd.s32 $0xFFFFFE00  }
0xb6: {  	[tilespmem:s11], [sflag:$0x1] =	stream.indirect.gather [hbm4b:s21+s19], $0x80, s2, s19, $0xb8;
	[tilespmem:$0x18400] =	vst v63  }
0xb7: {  	_ = 	snop  }
0xb8: {  	[tilespmem:s10], [sflag:$0x2] =	stream.indirect.gather [hbm4b:s22+s19], $0x80, s31, s19, $0xb8;
	[tilespmem:$0x18400] =	vst v63  }
0xb9: {  	_ = 	snop  }
0xba: {  	[tilespmem:s9], [sflag:$0x3] =	stream.indirect.gather [hbm4b:s8+s19], $0x80, s2, s19, $0xb8;
	[tilespmem:$0x18400] =	vst v63  }
0xbb: {  	_ = 	snop  }
0xbc: {  	[tilespmem:s7], [sflag:$0x4] =	stream.indirect.gather [hbm4b:s8+s19], $0x80, s31, s19, $0xb8;
	[tilespmem:$0x18400] =	vst v63  }
0xbd: {  	_ = 	snop  }
0xbe: {  	[tilespmem:s20], [sflag:$0x5] =	stream.indirect.gather [hbm4b:s21+s19], $0x80, s19, s19, $0xb8;
	[tilespmem:$0x18400] =	vst v63  }
0xbf: {  	s30 =	simm.s32 $0x280  }
0xc0: {  	[tilespmem:s18], [sflag:$0x6] =	stream.indirect.gather [hbm4b:s22+s19], $0x80, s30, s19, $0xb8;
	[tilespmem:$0x18400] =	vst v63  }
0xc1: {  	_ =	swait.ge [sflag:s17], $0x4000  }
0xc2: {  	[sflag:s17] =	ssyncset.done $0x0  }
0xc3: {  	s25 =	rddreg [dreg:$0x5];
	[sflag:s17] =	ssyncadd.s32 $0xFFFFC000  }
0xc4: {  	[hbm4b:s25+s2] =	stream.linear.scatter [tilespmem:s11], [sflag:$0x7], $0x4000, $0x38;
	[tilespmem:$0x18400] =	vst v63  }
0xc5: {  	_ =	swait.ge [sflag:s6], $0x4000  }
0xc6: {  	[sflag:s6] =	ssyncset.done $0x0  }
0xc7: {  	[sflag:s6] =	ssyncadd.s32 $0xFFFFC000  }
0xc8: {  	[tilespmem:s11], [sflag:$0x1] =	stream.indirect.gather [hbm4b:s8+s19], $0x80, s19, s19, $0xb8;
	[tilespmem:$0x18400] =	vst v63  }
0xc9: {  	_ =	swait.ge [sflag:s16], $0x4000  }
0xca: {  	[sflag:s16] =	ssyncset.done $0x0  }
0xcb: {  	s25 =	rddreg [dreg:$0x6];
	[sflag:s16] =	ssyncadd.s32 $0xFFFFC000  }
0xcc: {  	[hbm4b:s25+s2] =	stream.linear.scatter [tilespmem:s10], [sflag:$0x8], $0x4000, $0x38;
	[tilespmem:$0x18400] =	vst v63  }
0xcd: {  	_ =	swait.ge [sflag:s5], $0x4000  }
0xce: {  	[sflag:s5] =	ssyncset.done $0x0  }
0xcf: {  	[sflag:s5] =	ssyncadd.s32 $0xFFFFC000  }
0xd0: {  	[tilespmem:s10], [sflag:$0x2] =	stream.indirect.gather [hbm4b:s8+s19], $0x80, s30, s19, $0xb8;
	[tilespmem:$0x18400] =	vst v63  }
0xd1: {  	_ =	swait.ge [sflag:s13], $0x4000  }
0xd2: {  	[sflag:s13] =	ssyncset.done $0x0  }
0xd3: {  	s30 =	rddreg [dreg:$0x7];
	[sflag:s13] =	ssyncadd.s32 $0xFFFFC000  }
0xd4: {  	[hbm4b:s30+s2] =	stream.linear.scatter [tilespmem:s9], [sflag:$0x9], $0x4000, $0x38;
	[tilespmem:$0x18400] =	vst v63  }
0xd5: {  	_ =	swait.ge [sflag:s3], $0x4000  }
0xd6: {  	[sflag:s3] =	ssyncset.done $0x0  }
0xd7: {  	s30 =	simm.s32 $0x100;
	[sflag:s3] =	ssyncadd.s32 $0xFFFFC000  }
0xd8: {  	[tilespmem:s9], [sflag:$0x3] =	stream.indirect.gather [hbm4b:s21+s19], $0x80, s30, s19, $0xb8;
	[tilespmem:$0x18400] =	vst v63  }
0xd9: {  	_ =	swait.ge [sflag:s12], $0x4000  }
0xda: {  	[sflag:s12] =	ssyncset.done $0x0  }
0xdb: {  	s25 =	rddreg [dreg:$0x8];
	[sflag:s12] =	ssyncadd.s32 $0xFFFFC000  }
0xdc: {  	[hbm4b:s25+s2] =	stream.linear.scatter [tilespmem:s7], [sflag:$0xA], $0x4000, $0x38;
	[tilespmem:$0x18400] =	vst v63  }
0xdd: {  	_ =	swait.ge [sflag:s4], $0x4000  }
0xde: {  	[sflag:s4] =	ssyncset.done $0x0  }
0xdf: {  	[sflag:s4] =	ssyncadd.s32 $0xFFFFC000  }
0xe0: {  	[tilespmem:s7], [sflag:$0x4] =	stream.indirect.gather [hbm4b:s22+s19], $0x80, s29, s19, $0xb8;
	[tilespmem:$0x18400] =	vst v63  }
0xe1: {  	_ =	swait.ge [sflag:s24], $0x4000  }
0xe2: {  	[sflag:s24] =	ssyncset.done $0x0  }
0xe3: {  	s25 =	rddreg [dreg:$0x9];
	[sflag:s24] =	ssyncadd.s32 $0xFFFFC000  }
0xe4: {  	[hbm4b:s25+s2] =	stream.linear.scatter [tilespmem:s20], [sflag:$0xB], $0x4000, $0x38;
	[tilespmem:$0x18400] =	vst v63  }
0xe5: {  	_ =	swait.ge [sflag:s15], $0x4000  }
0xe6: {  	[sflag:s15] =	ssyncset.done $0x0  }
0xe7: {  	[sflag:s15] =	ssyncadd.s32 $0xFFFFC000  }
0xe8: {  	[tilespmem:s20], [sflag:$0x5] =	stream.indirect.gather [hbm4b:s8+s19], $0x80, s30, s19, $0xb8;
	[tilespmem:$0x18400] =	vst v63  }
0xe9: {  	_ =	swait.ge [sflag:s23], $0x4000  }
0xea: {  	[sflag:s23] =	ssyncset.done $0x0  }
0xeb: {  	s30 =	rddreg [dreg:$0xa];
	[sflag:s23] =	ssyncadd.s32 $0xFFFFC000  }
0xec: {  	[hbm4b:s30+s2] =	stream.linear.scatter [tilespmem:s18], [sflag:$0xC], $0x4000, $0x38;
	[tilespmem:$0x18400] =	vst v63  }
0xed: {  	_ =	swait.ge [sflag:s14], $0x4000  }
0xee: {  	[sflag:s14] =	ssyncset.done $0x0  }
0xef: {  	[sflag:s14] =	ssyncadd.s32 $0xFFFFC000  }
0xf0: {  	[tilespmem:s18], [sflag:$0x6] =	stream.indirect.gather [hbm4b:s8+s19], $0x80, s29, s19, $0xb8;
	[tilespmem:$0x18400] =	vst v63  }
0xf1: {  	_ =	swait.ge [sflag:s17], $0x4000  }
0xf2: {  	[sflag:s17] =	ssyncset.done $0x0  }
0xf3: {  	s30 =	rddreg [dreg:$0xb];
	[sflag:s17] =	ssyncadd.s32 $0xFFFFC000  }
0xf4: {  	[hbm4b:s30+s2] =	stream.linear.scatter [tilespmem:s11], [sflag:$0x7], $0x4000, $0x38;
	[tilespmem:$0x18400] =	vst v63  }
0xf5: {  	_ =	swait.ge [sflag:s6], $0x4000  }
0xf6: {  	[sflag:s6] =	ssyncset.done $0x0  }
0xf7: {  	[sflag:s6] =	ssyncadd.s32 $0xFFFFC000  }
0xf8: {  	[tilespmem:s11], [sflag:$0x1] =	stream.indirect.gather [hbm4b:s21+s19], $0x80, s28, s19, $0xb8;
	[tilespmem:$0x18400] =	vst v63  }
0xf9: {  	_ =	swait.ge [sflag:s16], $0x4000  }
0xfa: {  	[sflag:s16] =	ssyncset.done $0x0  }
0xfb: {  	s30 =	rddreg [dreg:$0xc];
	[sflag:s16] =	ssyncadd.s32 $0xFFFFC000  }
0xfc: {  	[hbm4b:s30+s2] =	stream.linear.scatter [tilespmem:s10], [sflag:$0x8], $0x4000, $0x38;
	[tilespmem:$0x18400] =	vst v63  }
0xfd: {  	_ =	swait.ge [sflag:s5], $0x4000  }
0xfe: {  	[sflag:s5] =	ssyncset.done $0x0  }
0xff: {  	[sflag:s5] =	ssyncadd.s32 $0xFFFFC000  }
0x100: {  	[tilespmem:s10], [sflag:$0x2] =	stream.indirect.gather [hbm4b:s22+s19], $0x80, s26, s19, $0xb8;
	[tilespmem:$0x18400] =	vst v63  }
0x101: {  	_ =	swait.ge [sflag:s13], $0x4000  }
0x102: {  	[sflag:s13] =	ssyncset.done $0x0  }
0x103: {  	s30 =	rddreg [dreg:$0xd];
	[sflag:s13] =	ssyncadd.s32 $0xFFFFC000  }
0x104: {  	[hbm4b:s30+s2] =	stream.linear.scatter [tilespmem:s9], [sflag:$0x9], $0x4000, $0x38;
	[tilespmem:$0x18400] =	vst v63  }
0x105: {  	_ =	swait.ge [sflag:s3], $0x4000  }
0x106: {  	[sflag:s3] =	ssyncset.done $0x0  }
0x107: {  	[sflag:s3] =	ssyncadd.s32 $0xFFFFC000  }
0x108: {  	[tilespmem:s9], [sflag:$0x3] =	stream.indirect.gather [hbm4b:s8+s19], $0x80, s28, s19, $0xb8;
	[tilespmem:$0x18400] =	vst v63  }
0x109: {  	_ =	swait.ge [sflag:s12], $0x4000  }
0x10a: {  	[sflag:s12] =	ssyncset.done $0x0  }
0x10b: {  	s30 =	rddreg [dreg:$0xe];
	[sflag:s12] =	ssyncadd.s32 $0xFFFFC000  }
0x10c: {  	[hbm4b:s30+s2] =	stream.linear.scatter [tilespmem:s7], [sflag:$0xA], $0x4000, $0x38;
	[tilespmem:$0x18400] =	vst v63  }
0x10d: {  	_ =	swait.ge [sflag:s4], $0x4000  }
0x10e: {  	[sflag:s4] =	ssyncset.done $0x0  }
0x10f: {  	[sflag:s4] =	ssyncadd.s32 $0xFFFFC000  }
0x110: {  	[tilespmem:s7], [sflag:$0x4] =	stream.indirect.gather [hbm4b:s8+s19], $0x80, s26, s19, $0xb8;
	[tilespmem:$0x18400] =	vst v63  }
0x111: {  	_ =	swait.ge [sflag:s24], $0x4000  }
0x112: {  	[sflag:s24] =	ssyncset.done $0x0  }
0x113: {  	s30 =	rddreg [dreg:$0xf];
	[sflag:s24] =	ssyncadd.s32 $0xFFFFC000  }
0x114: {  	[hbm4b:s30+s2] =	stream.linear.scatter [tilespmem:s20], [sflag:$0xB], $0x4000, $0x38;
	[tilespmem:$0x18400] =	vst v63  }
0x115: {  	_ =	swait.ge [sflag:s23], $0x4000  }
0x116: {  	[sflag:s23] =	ssyncset.done $0x0  }
0x117: {  	s30 =	rddreg [dreg:$0x10];
	[sflag:s23] =	ssyncadd.s32 $0xFFFFC000  }
0x118: {  	[hbm4b:s30+s2] =	stream.linear.scatter [tilespmem:s18], [sflag:$0xC], $0x4000, $0x38;
	[tilespmem:$0x18400] =	vst v63  }
0x119: {  	_ =	swait.ge [sflag:s17], $0x4000  }
0x11a: {  	[sflag:s17] =	ssyncset.done $0x0  }
0x11b: {  	s30 =	rddreg [dreg:$0x11];
	[sflag:s17] =	ssyncadd.s32 $0xFFFFC000  }
0x11c: {  	[hbm4b:s30+s2] =	stream.linear.scatter [tilespmem:s11], [sflag:$0x7], $0x4000, $0x38;
	[tilespmem:$0x18400] =	vst v63  }
0x11d: {  	_ =	swait.ge [sflag:s16], $0x4000  }
0x11e: {  	[sflag:s16] =	ssyncset.done $0x0  }
0x11f: {  	s30 =	rddreg [dreg:$0x12];
	[sflag:s16] =	ssyncadd.s32 $0xFFFFC000  }
0x120: {  	[hbm4b:s30+s2] =	stream.linear.scatter [tilespmem:s10], [sflag:$0x8], $0x4000, $0x38;
	[tilespmem:$0x18400] =	vst v63  }
0x121: {  	_ =	swait.ge [sflag:s13], $0x4000  }
0x122: {  	[sflag:s13] =	ssyncset.done $0x0  }
0x123: {  	s30 =	rddreg [dreg:$0x13];
	[sflag:s13] =	ssyncadd.s32 $0xFFFFC000  }
0x124: {  	[hbm4b:s30+s2] =	stream.linear.scatter [tilespmem:s9], [sflag:$0x9], $0x4000, $0x38;
	[tilespmem:$0x18400] =	vst v63  }
0x125: {  	_ =	swait.ge [sflag:s12], $0x4000  }
0x126: {  	[sflag:s12] =	ssyncset.done $0x0  }
0x127: {  	s30 =	rddreg [dreg:$0x14];
	[sflag:s12] =	ssyncadd.s32 $0xFFFFC000  }
0x128: {  	[hbm4b:s30+s2] =	stream.linear.scatter [tilespmem:s7], [sflag:$0xA], $0x4000, $0x38;
	[tilespmem:$0x18400] =	vst v63  }
0x129: {  	_ =	swait.ge [sflag:s15], $0x4000  }
0x12a: {  	[sflag:s15] =	ssyncset.done $0x0  }
0x12b: {  	[sflag:s15] =	ssyncadd.s32 $0xFFFFC000  }
0x12c: {  	_ =	swait.ge [sflag:s14], $0x4000  }
0x12d: {  	[sflag:s14] =	ssyncset.done $0x0  }
0x12e: {  	[sflag:s14] =	ssyncadd.s32 $0xFFFFC000  }
0x12f: {  	_ =	swait.ge [sflag:s6], $0x4000  }
0x130: {  	[sflag:s6] =	ssyncset.done $0x0  }
0x131: {  	[sflag:s6] =	ssyncadd.s32 $0xFFFFC000  }
0x132: {  	_ =	swait.ge [sflag:s5], $0x4000  }
0x133: {  	[sflag:s5] =	ssyncset.done $0x0  }
0x134: {  	p1 =	sne.s32 s1, $0x1;
	[sflag:s5] =	ssyncadd.s32 $0xFFFFC000  }
.Ltmp2:
0x135: {  	_ =	swait.ge [sflag:s3], $0x4000;
	(pc) =	sbr.rel @p1 .LBB2_2-.Ltmp2, $4  }
0x136: {  	[sflag:s3] =	ssyncset.done $0x0  }
0x137: {  	[sflag:s3] =	ssyncadd.s32 $0xFFFFC000  }
0x138: {  	_ =	swait.ge [sflag:s4], $0x4000  }
0x139: {  	s1 =	sadd.s32 $0xFFFFFFFF, s1;
	s25 =	rddreg [dreg:$0x3];
	[sflag:s4] =	ssyncset.done $0x0  }
.LBB2_3:
0x13a: {  	[sflag:s4] =	ssyncadd.s32 @p0 $0xFFFFC000  }
0x13b: {  	[tilespmem:s2], [sflag:$0xD] =	stream.linear.gather [hbm4b:s25+s2], $0x200, $0x38;
	[tilespmem:$0x18400] =	vst v63  }
0x13c: {  	_ =	swait.ge [sflag:s0], $0x200  }
0x13d: {  	[sflag:s0] =	ssyncset.done $0x0  }
0x13e: {  	s1 =	rddreg [dreg:$0x4];
	[sflag:s0] =	ssyncadd.s32 $0xFFFFFE00  }
0x13f: {  	[tilespmem:s31], [sflag:$0xD] =	stream.linear.gather [hbm4b:s1+s2], $0x200, $0x38;
	[tilespmem:$0x18400] =	vst v63  }
0x140: {  	_ =	swait.ge [sflag:s0], $0x200  }
0x141: {  	[sflag:s0] =	ssyncset.done $0x0  }
0x142: {  	[sflag:s0] =	ssyncadd.s32 $0xFFFFFE00  }
0x143: {  	[tilespmem:s11], [sflag:$0x1] =	stream.indirect.gather [hbm4b:s21+s19], $0x80, s2, s19, $0xb8;
	[tilespmem:$0x18400] =	vst v63  }
0x144: {  	_ = 	snop  }
0x145: {  	[tilespmem:s10], [sflag:$0x2] =	stream.indirect.gather [hbm4b:s22+s19], $0x80, s31, s19, $0xb8;
	[tilespmem:$0x18400] =	vst v63  }
0x146: {  	_ = 	snop  }
0x147: {  	[tilespmem:s9], [sflag:$0x3] =	stream.indirect.gather [hbm4b:s8+s19], $0x80, s2, s19, $0xb8;
	[tilespmem:$0x18400] =	vst v63  }
0x148: {  	_ = 	snop  }
0x149: {  	[tilespmem:s7], [sflag:$0x4] =	stream.indirect.gather [hbm4b:s8+s19], $0x80, s31, s19, $0xb8;
	[tilespmem:$0x18400] =	vst v63  }
0x14a: {  	_ = 	snop  }
0x14b: {  	[tilespmem:s20], [sflag:$0x5] =	stream.indirect.gather [hbm4b:s21+s19], $0x80, s19, s19, $0xb8;
	[tilespmem:$0x18400] =	vst v63  }
0x14c: {  	s30 =	simm.s32 $0x280  }
0x14d: {  	[tilespmem:s18], [sflag:$0x6] =	stream.indirect.gather [hbm4b:s22+s19], $0x80, s30, s19, $0xb8;
	[tilespmem:$0x18400] =	vst v63  }
0x14e: {  	_ =	swait.ge [sflag:s17], $0x4000  }
0x14f: {  	[sflag:s17] =	ssyncset.done $0x0  }
0x150: {  	s31 =	rddreg [dreg:$0x5];
	[sflag:s17] =	ssyncadd.s32 $0xFFFFC000  }
0x151: {  	[hbm4b:s31+s2] =	stream.linear.scatter [tilespmem:s11], [sflag:$0x7], $0x4000, $0x38;
	[tilespmem:$0x18400] =	vst v63  }
0x152: {  	_ =	swait.ge [sflag:s6], $0x4000  }
0x153: {  	[sflag:s6] =	ssyncset.done $0x0  }
0x154: {  	[sflag:s6] =	ssyncadd.s32 $0xFFFFC000  }
0x155: {  	[tilespmem:s11], [sflag:$0x1] =	stream.indirect.gather [hbm4b:s8+s19], $0x80, s19, s19, $0xb8;
	[tilespmem:$0x18400] =	vst v63  }
0x156: {  	_ =	swait.ge [sflag:s16], $0x4000  }
0x157: {  	[sflag:s16] =	ssyncset.done $0x0  }
0x158: {  	s25 =	rddreg [dreg:$0x6];
	[sflag:s16] =	ssyncadd.s32 $0xFFFFC000  }
0x159: {  	[hbm4b:s25+s2] =	stream.linear.scatter [tilespmem:s10], [sflag:$0x8], $0x4000, $0x38;
	[tilespmem:$0x18400] =	vst v63  }
0x15a: {  	_ =	swait.ge [sflag:s5], $0x4000  }
0x15b: {  	[sflag:s5] =	ssyncset.done $0x0  }
0x15c: {  	[sflag:s5] =	ssyncadd.s32 $0xFFFFC000  }
0x15d: {  	[tilespmem:s10], [sflag:$0x2] =	stream.indirect.gather [hbm4b:s8+s19], $0x80, s30, s19, $0xb8;
	[tilespmem:$0x18400] =	vst v63  }
0x15e: {  	_ =	swait.ge [sflag:s13], $0x4000  }
0x15f: {  	[sflag:s13] =	ssyncset.done $0x0  }
0x160: {  	s26 =	rddreg [dreg:$0x7];
	[sflag:s13] =	ssyncadd.s32 $0xFFFFC000  }
0x161: {  	[hbm4b:s26+s2] =	stream.linear.scatter [tilespmem:s9], [sflag:$0x9], $0x4000, $0x38;
	[tilespmem:$0x18400] =	vst v63  }
0x162: {  	_ =	swait.ge [sflag:s3], $0x4000  }
0x163: {  	[sflag:s3] =	ssyncset.done $0x0  }
0x164: {  	s28 =	simm.s32 $0x100;
	[sflag:s3] =	ssyncadd.s32 $0xFFFFC000  }
0x165: {  	[tilespmem:s9], [sflag:$0x3] =	stream.indirect.gather [hbm4b:s21+s19], $0x80, s28, s19, $0xb8;
	[tilespmem:$0x18400] =	vst v63  }
0x166: {  	_ =	swait.ge [sflag:s12], $0x4000  }
0x167: {  	[sflag:s12] =	ssyncset.done $0x0  }
0x168: {  	s29 =	rddreg [dreg:$0x8];
	[sflag:s12] =	ssyncadd.s32 $0xFFFFC000  }
0x169: {  	[hbm4b:s29+s2] =	stream.linear.scatter [tilespmem:s7], [sflag:$0xA], $0x4000, $0x38;
	[tilespmem:$0x18400] =	vst v63  }
0x16a: {  	_ =	swait.ge [sflag:s4], $0x4000  }
0x16b: {  	[sflag:s4] =	ssyncset.done $0x0  }
0x16c: {  	s30 =	simm.s32 $0x300;
	[sflag:s4] =	ssyncadd.s32 $0xFFFFC000  }
0x16d: {  	[tilespmem:s7], [sflag:$0x4] =	stream.indirect.gather [hbm4b:s22+s19], $0x80, s30, s19, $0xb8;
	[tilespmem:$0x18400] =	vst v63  }
0x16e: {  	_ =	swait.ge [sflag:s24], $0x4000  }
0x16f: {  	[sflag:s24] =	ssyncset.done $0x0  }
0x170: {  	s31 =	rddreg [dreg:$0x9];
	[sflag:s24] =	ssyncadd.s32 $0xFFFFC000  }
0x171: {  	[hbm4b:s31+s2] =	stream.linear.scatter [tilespmem:s20], [sflag:$0xB], $0x4000, $0x38;
	[tilespmem:$0x18400] =	vst v63  }
0x172: {  	_ =	swait.ge [sflag:s15], $0x4000  }
0x173: {  	[sflag:s15] =	ssyncset.done $0x0  }
0x174: {  	[sflag:s15] =	ssyncadd.s32 $0xFFFFC000  }
0x175: {  	[tilespmem:s20], [sflag:$0x5] =	stream.indirect.gather [hbm4b:s8+s19], $0x80, s28, s19, $0xb8;
	[tilespmem:$0x18400] =	vst v63  }
0x176: {  	_ =	swait.ge [sflag:s23], $0x4000  }
0x177: {  	[sflag:s23] =	ssyncset.done $0x0  }
0x178: {  	s25 =	rddreg [dreg:$0xa];
	[sflag:s23] =	ssyncadd.s32 $0xFFFFC000  }
0x179: {  	[hbm4b:s25+s2] =	stream.linear.scatter [tilespmem:s18], [sflag:$0xC], $0x4000, $0x38;
	[tilespmem:$0x18400] =	vst v63  }
0x17a: {  	_ =	swait.ge [sflag:s14], $0x4000  }
0x17b: {  	[sflag:s14] =	ssyncset.done $0x0  }
0x17c: {  	[sflag:s14] =	ssyncadd.s32 $0xFFFFC000  }
0x17d: {  	[tilespmem:s18], [sflag:$0x6] =	stream.indirect.gather [hbm4b:s8+s19], $0x80, s30, s19, $0xb8;
	[tilespmem:$0x18400] =	vst v63  }
0x17e: {  	_ =	swait.ge [sflag:s17], $0x4000  }
0x17f: {  	[sflag:s17] =	ssyncset.done $0x0  }
0x180: {  	s26 =	rddreg [dreg:$0xb];
	[sflag:s17] =	ssyncadd.s32 $0xFFFFC000  }
0x181: {  	[hbm4b:s26+s2] =	stream.linear.scatter [tilespmem:s11], [sflag:$0x7], $0x4000, $0x38;
	[tilespmem:$0x18400] =	vst v63  }
0x182: {  	_ =	swait.ge [sflag:s6], $0x4000  }
0x183: {  	[sflag:s6] =	ssyncset.done $0x0  }
0x184: {  	s28 =	simm.s32 $0x180;
	[sflag:s6] =	ssyncadd.s32 $0xFFFFC000  }
0x185: {  	[tilespmem:s11], [sflag:$0x1] =	stream.indirect.gather [hbm4b:s21+s19], $0x80, s28, s19, $0xb8;
	[tilespmem:$0x18400] =	vst v63  }
0x186: {  	_ =	swait.ge [sflag:s16], $0x4000  }
0x187: {  	[sflag:s16] =	ssyncset.done $0x0  }
0x188: {  	s29 =	rddreg [dreg:$0xc];
	[sflag:s16] =	ssyncadd.s32 $0xFFFFC000  }
0x189: {  	[hbm4b:s29+s2] =	stream.linear.scatter [tilespmem:s10], [sflag:$0x8], $0x4000, $0x38;
	[tilespmem:$0x18400] =	vst v63  }
0x18a: {  	_ =	swait.ge [sflag:s5], $0x4000  }
0x18b: {  	[sflag:s5] =	ssyncset.done $0x0  }
0x18c: {  	s30 =	simm.s32 $0x380;
	[sflag:s5] =	ssyncadd.s32 $0xFFFFC000  }
0x18d: {  	[tilespmem:s10], [sflag:$0x2] =	stream.indirect.gather [hbm4b:s22+s19], $0x80, s30, s19, $0xb8;
	[tilespmem:$0x18400] =	vst v63  }
0x18e: {  	_ =	swait.ge [sflag:s13], $0x4000  }
0x18f: {  	[sflag:s13] =	ssyncset.done $0x0  }
0x190: {  	s31 =	rddreg [dreg:$0xd];
	[sflag:s13] =	ssyncadd.s32 $0xFFFFC000  }
0x191: {  	[hbm4b:s31+s2] =	stream.linear.scatter [tilespmem:s9], [sflag:$0x9], $0x4000, $0x38;
	[tilespmem:$0x18400] =	vst v63  }
0x192: {  	_ =	swait.ge [sflag:s3], $0x4000  }
0x193: {  	[sflag:s3] =	ssyncset.done $0x0  }
0x194: {  	[sflag:s3] =	ssyncadd.s32 $0xFFFFC000  }
0x195: {  	[tilespmem:s9], [sflag:$0x3] =	stream.indirect.gather [hbm4b:s8+s19], $0x80, s28, s19, $0xb8;
	[tilespmem:$0x18400] =	vst v63  }
0x196: {  	_ =	swait.ge [sflag:s12], $0x4000  }
0x197: {  	[sflag:s12] =	ssyncset.done $0x0  }
0x198: {  	s21 =	rddreg [dreg:$0xe];
	[sflag:s12] =	ssyncadd.s32 $0xFFFFC000  }
0x199: {  	[hbm4b:s21+s2] =	stream.linear.scatter [tilespmem:s7], [sflag:$0xA], $0x4000, $0x38;
	[tilespmem:$0x18400] =	vst v63  }
0x19a: {  	_ =	swait.ge [sflag:s4], $0x4000  }
0x19b: {  	[sflag:s4] =	ssyncset.done $0x0  }
0x19c: {  	[sflag:s4] =	ssyncadd.s32 $0xFFFFC000  }
0x19d: {  	[tilespmem:s7], [sflag:$0x4] =	stream.indirect.gather [hbm4b:s8+s19], $0x80, s30, s19, $0xb8;
	[tilespmem:$0x18400] =	vst v63  }
0x19e: {  	_ =	swait.ge [sflag:s24], $0x4000  }
0x19f: {  	[sflag:s24] =	ssyncset.done $0x0  }
0x1a0: {  	s22 =	rddreg [dreg:$0xf];
	[sflag:s24] =	ssyncadd.s32 $0xFFFFC000  }
0x1a1: {  	[hbm4b:s22+s2] =	stream.linear.scatter [tilespmem:s20], [sflag:$0xB], $0x4000, $0x38;
	[tilespmem:$0x18400] =	vst v63  }
0x1a2: {  	_ =	swait.ge [sflag:s23], $0x4000  }
0x1a3: {  	[sflag:s23] =	ssyncset.done $0x0  }
0x1a4: {  	s25 =	rddreg [dreg:$0x10];
	[sflag:s23] =	ssyncadd.s32 $0xFFFFC000  }
0x1a5: {  	[hbm4b:s25+s2] =	stream.linear.scatter [tilespmem:s18], [sflag:$0xC], $0x4000, $0x38;
	[tilespmem:$0x18400] =	vst v63  }
0x1a6: {  	_ =	swait.ge [sflag:s17], $0x4000  }
0x1a7: {  	[sflag:s17] =	ssyncset.done $0x0  }
0x1a8: {  	s26 =	rddreg [dreg:$0x11];
	[sflag:s17] =	ssyncadd.s32 $0xFFFFC000  }
0x1a9: {  	[hbm4b:s26+s2] =	stream.linear.scatter [tilespmem:s11], [sflag:$0x7], $0x4000, $0x38;
	[tilespmem:$0x18400] =	vst v63  }
0x1aa: {  	_ =	swait.ge [sflag:s16], $0x4000  }
0x1ab: {  	[sflag:s16] =	ssyncset.done $0x0  }
0x1ac: {  	s28 =	rddreg [dreg:$0x12];
	[sflag:s16] =	ssyncadd.s32 $0xFFFFC000  }
0x1ad: {  	[hbm4b:s28+s2] =	stream.linear.scatter [tilespmem:s10], [sflag:$0x8], $0x4000, $0x38;
	[tilespmem:$0x18400] =	vst v63  }
0x1ae: {  	_ =	swait.ge [sflag:s13], $0x4000  }
0x1af: {  	[sflag:s13] =	ssyncset.done $0x0  }
0x1b0: {  	s29 =	rddreg [dreg:$0x13];
	[sflag:s13] =	ssyncadd.s32 $0xFFFFC000  }
0x1b1: {  	[hbm4b:s29+s2] =	stream.linear.scatter [tilespmem:s9], [sflag:$0x9], $0x4000, $0x38;
	[tilespmem:$0x18400] =	vst v63  }
0x1b2: {  	_ =	swait.ge [sflag:s12], $0x4000  }
0x1b3: {  	[sflag:s12] =	ssyncset.done $0x0  }
0x1b4: {  	s30 =	rddreg [dreg:$0x14];
	[sflag:s12] =	ssyncadd.s32 $0xFFFFC000  }
0x1b5: {  	[hbm4b:s30+s2] =	stream.linear.scatter [tilespmem:s7], [sflag:$0xA], $0x4000, $0x38;
	[tilespmem:$0x18400] =	vst v63  }
0x1b6: {  	_ =	swait.ge [sflag:s15], $0x4000  }
0x1b7: {  	[sflag:s15] =	ssyncset.done $0x0  }
0x1b8: {  	[sflag:s15] =	ssyncadd.s32 $0xFFFFC000  }
0x1b9: {  	_ =	swait.ge [sflag:s14], $0x4000  }
0x1ba: {  	[sflag:s14] =	ssyncset.done $0x0  }
0x1bb: {  	[sflag:s14] =	ssyncadd.s32 $0xFFFFC000  }
0x1bc: {  	_ =	swait.ge [sflag:s6], $0x4000  }
0x1bd: {  	[sflag:s6] =	ssyncset.done $0x0  }
0x1be: {  	[sflag:s6] =	ssyncadd.s32 $0xFFFFC000  }
0x1bf: {  	_ =	swait.ge [sflag:s5], $0x4000  }
0x1c0: {  	[sflag:s5] =	ssyncset.done $0x0  }
0x1c1: {  	[sflag:s5] =	ssyncadd.s32 $0xFFFFC000  }
0x1c2: {  	_ =	swait.ge [sflag:s3], $0x4000  }
0x1c3: {  	[sflag:s3] =	ssyncset.done $0x0  }
0x1c4: {  	[sflag:s3] =	ssyncadd.s32 $0xFFFFC000  }
0x1c5: {  	_ =	swait.ge [sflag:s4], $0x4000  }
0x1c6: {  	[sflag:s4] =	ssyncset.done $0x0  }
0x1c7: {  	[sflag:s4] =	ssyncadd.s32 $0xFFFFC000  }
0x1c8: {  	_ =	sfence.sel $0x180000  }
0x1c9: {  	[bflag:$0x0] =	sbarrier.arrive $0xFFFF  }
0x1ca: {  	_ =	strace $0x90000059  }
0x1cb: {  	s31 =	stileid.u32;
	[bflag:$0x2] =	sbarrier.arrive $0xFFFF  }
0x1cc: {  	p0 =	sne.s32 s31, $0x0;
	s0 =	rddreg [dreg:$0x2]  }
0x1cd: {  	s0 =	sadd.s32 @!p0 $0x100000, s0  }
0x1ce: {  	[sflag:s0] =	ssyncadd.tile.s32 @!p0 $0x1;
	_ =	shalt  }
.Lfunc_end2:
_tile_overlayer_lowered:
.L_overlay_start_2:
0x1cf: {  	(tag) =	ssettag $0x2  }
0x1d0: {  	s0 =	rddreg [dreg:$0x0];
	s2 =	stileid.u32  }
0x1d1: {  	s1 =	rddreg [dreg:$0x1];
	p0 =	sne.s32 s2, $0x0  }
0x1d2: {  	s3 =	rddreg [dreg:$0x2];
	[bflag:$0x3] =	sbarrier.arrive $0xFFFF;
	s2 =	simm.s32 @!p0 $0x1C0D  }
0x1d3: {  	[timem:s3], [sflag:s2] =	dma.local @!p0 [hbm:s0], s1  }
0x1d4: {  	s0 =	simm.s32 @!p0 $0xD  }
0x1d5: {  	_ =	swait.ge @!p0 [sflag:s0], s1  }
0x1d6: {  	s1 =	ssub.s32 @!p0 $0x0, s1;
	[sflag:s0] =	ssyncset.done @!p0 $0x0  }
0x1d7: {  	[sflag:s0] =	ssyncadd.s32 @!p0 s1  }
0x1d8: {  	[bflag:$0x3] =	sbarrier.arrive $0xFFFF  }
0x1d9: {  	_ =	shalt  }

// kernel: sparse-core-data-format-call.1.cloned.1.call-start
scs
called_computation.1_lowered:
.L_overlay_start_0:
0x0: {  	s2 =	sld [smem:$0x3FD9]  }
0x1: {  	s3 =	sld [smem:$0x3FFE];
	_ =	sdelay $0x1  }
0x2: {  	s1 =	srdreg.scid  }
0x3: {  	s0 =	sand.u32 $0x1, s1  }
0x4: {  	s18 =	sshll.u32 s0, $0xA;
	s2 =	sadd.s32 s3, s2  }
0x5: {  	s2 =	sadd.s32 s2, s18  }
0x6: {  	[smem:$0x3FBE] =	sst s2  }
0x7: {  	_ = 	snop  }
0x8: {  	(tm) =	ssettm $0x1  }
0x9: {  	s19 =	sld [smem:$0x3FFB];
	_ =	sdelay $0x3  }
0xa: {  	_ =	strace s19  }
0xb: {  	s2 =	sld [smem:$0x3FFC];
	_ =	sdelay $0x3  }
0xc: {  	_ =	strace s2  }
0xd: {  	s2 =	sld [smem:$0x3FFD];
	_ =	sdelay $0x3  }
0xe: {  	_ =	strace s2  }
0xf: {  	_ =	strace $0x8FFFFFFF  }
0x10: {  	s20 =	sld [smem:$0x3FDB];
	_ =	sdelay $0x1  }
0x11: {  	s21 =	simm.s32 $_scs_section_size  }
0x12: {  	s4 =	simm.s32 $_size__tile_overlayer_lowered;
	s5 =	simm.s32 $_tile_overlayer_lowered  }
0x13: {  	s6 =	simm.s32 $0x1BFF;
	s22 =	sshll.u32 s5, $0x1;
	s3 =	sadd.s32 s21, s20  }
0x14: {  	s23 =	simm.s32 $0x0;
	s4 =	sshll.u32 s4, $0x1;
	s5 =	sadd.s32 s22, s3  }
0x15: {  	[timem:s23], [sflag:s6] =	dma.local [hbm:s5], s4  }
0x16: {  	_ =	swait.ge [sflag:s6], s4  }
0x17: {  	s4 =	ssub.s32 $0x0, s4;
	[sflag:s6] =	ssyncset.done $0x0  }
0x18: {  	[sflag:s6] =	ssyncadd.s32 s4;
	_ =	sdelay $0x1  }
0x19: {  	s24 =	simm.s32 $0x1B8B  }
0x1a: {  	_ =	swait.ge [sflag:s24], $0x1  }
0x1b: {  	[sflag:s24] =	ssyncset.done $0x0  }
0x1c: {  	[sflag:s24] =	ssyncadd.s32 $0xFFFFFFFF  }
0x1d: {  	s4 =	sld [smem:$0x0]  }
0x1e: {  	s5 =	sand.u32 $0xFFFFFFFE, s1  }
0x1f: {  	p0 =	sne.s32 s1, s5  }
0x20: {  	s5 =	sshll.u32 @p0 s5, $0xE  }
0x21: {  	s5 =	sadd.s32 @p0 $0x11B8D, s5;
	s6 =	sshll.u32 @p0 s4, $0x11  }
0x22: {  	s5 =	sor.u32 @p0 s6, s5  }
0x23: {  	[sflag:s5] =	ssyncadd.remote.s32 @p0 $0x1;
	_ =	sdelay $0x1  }
0x24: {  	s5 =	simm.s32 @p0 $0x1B8D  }
0x25: {  	_ =	swait.eq @p0 [sflag:s5], $0x1  }
0x26: {  	[sflag:s5] =	ssyncadd.s32 @p0 $0xFFFFFFFF  }
0x27: {  	s6 =	sshll.u32 @!p0 s1, $0xE  }
0x28: {  	s6 =	sor.u32 @!p0 $0x4000, s6;
	s5 =	simm.s32 @!p0 $0x1B8D  }
0x29: {  	s4 =	sshll.u32 @!p0 s4, $0x11;
	s6 =	sadd.s32 @!p0 $0x11B8D, s6;
	_ =	swait.eq @!p0 [sflag:s5], $0x1  }
0x2a: {  	s4 =	sor.u32 @!p0 s4, s6;
	[sflag:s5] =	ssyncadd.s32 @!p0 $0xFFFFFFFF  }
0x2b: {  	s26 =	simm.s32 $0x1B8E;
	s25 =	sld [smem:$0x3FFE];
	[sflag:s4] =	ssyncadd.remote.s32 @!p0 $0x1  }
0x2c: {  	s27 =	simm.s32 $execute0_lowered;
	[smem:$0x3FD2] =	sst s26  }
0x2d: {  	s5 =	sshll.u32 s27, $0x1;
	_ =	strace $0x8000004C;
	[dreg:$0x1] =	wrdreg $0xFFFFFFFF  }
0x2e: {  	s28 =	simm.s32 $_size_execute0_lowered;
	s3 =	sadd.s32 s3, s5;
	[dreg:$0x0] =	wrdreg $0x0  }
0x2f: {  	s5 =	sshll.u32 s28, $0x1;
	[dreg:$0x2] =	wrdreg s3  }
0x30: {  	[dreg:$0x3] =	wrdreg s5  }
0x31: {  	[dreg:$0x4] =	wrdreg $0xC0  }
0x32: {  	_ =	task [dreg:s23], $0x5FFFF  }
0x33: {  	[dreg:$0x1] =	wrdreg $0xFFFFFFFF  }
0x34: {  	[dreg:$0x0] =	wrdreg $0x60  }
0x35: {  	[dreg:$0x2] =	wrdreg s25  }
0x36: {  	[dreg:$0x3] =	wrdreg $0x9  }
0x37: {  	_ =	task.clear_ibuf [dreg:s23], $0x4FFFF;
	_ =	strace $0x9000004C  }
0x38: {  	s29 =	simm.s32 $0x9;
	_ =	strace $0x8000004E  }
0x39: {  	_ =	swait.ge [sflag:s29], $0x1  }
0x3a: {  	[sflag:s29] =	ssyncadd.s32 $0xFFFFFFFF  }
0x3b: {  	_ =	strace $0x9000004E  }
0x3c: {  	_ =	sfence  }
0x3d: {  	s30 =	sld [smem:$0x0];
	_ =	sdelay $0x2  }
0x3e: {  	s31 =	sshll.u32 s1, $0xD;
	s1 =	sshrl.u32 s1, $0x2  }
0x3f: {  	s4 =	sand.u32 $0x4000, s31;
	s1 =	sadd.s32 s1, s30  }
0x40: {  	s0 =	sor.u32 s4, s0;
	s1 =	sshll.u32 s1, $0x11  }
0x41: {  	s0 =	sor.u32 s1, s0  }
0x42: {  	s0 =	sadd.s32 $0x8F2B, s0  }
0x43: {  	[sflag:s0] =	ssyncadd.remote.s32 $0x1  }
0x44: {  	_ =	sfence.sel $0xFFFF  }
0x45: {  	[dreg:$0x0] =	wrdreg $0xFFFFFFFF;
	(pc) =	sbr.abs _section_cstart, $3  }
0x46: {  	[dreg:$0x1] =	wrdreg $0xFFFFFFFF  }
0x47: {  	_ =	task.clear_ibuf [dreg:s23], $0x2FFFF;
	_ =	strace $0x9FFFFFFF  }
0x48: {  	(tm) =	ssettm $0x7FFFFFFF  }
0x49: {  	_ =	shalt  }
tec
execute0_lowered:
.L_overlay_start_1:
0x0: {  	(tag) =	ssettag $0x1  }
0x1: {  	s0 =	srdreg.scid  }
0x2: {  	s5 =	rddreg [dreg:$0x0];
	s1 =	stileid.u32;
	s4 =	simm.s32 $0x1  }
0x3: {  	s6 =	simm.s32 $0x2;
	s15 =	simm.s32 $0x0;
	p0 =	por $0x0, $0x0  }
0x4: {  	s8 =	simm.s32 $0x80;
	s14 =	simm.s32 $0x0;
	s2 =	sshll.u32 s0, $0x4  }
0x5: {  	s9 =	simm.s32 $0x0;
	s10 =	simm.s32 $0x0;
	s2 =	sand.u32 $0x10, s2  }
.Ltmp0:
0x6: {  	s12 =	simm.s32 $0x0;
	s3 =	sor.u32 s1, s2;
	(pc) =	sbr.rel .LBB1_1-.Ltmp0, $4  }
0x7: {  	s0 =	rddreg [dreg:$0x1];
	_ =	strace $0x8000004D;
	s3 =	sshll.u32 s3, $0x7  }
0x8: {  	s13 =	simm.s32 $0x0;
	[sflag:s4] =	ssyncpa.u1 $0x0;
	s7 =	ssub.s32 $0xF4200, s3  }
0x9: {  	s2 =	sadd.s32 $0x2DC9400, s5;
	[sflag:s6] =	ssyncpa.u1 $0x0;
	s6 =	sshrl.u32 s7, $0xC  }
0xa: {  	s5 =	sadd.s32 $0x356A800, s5;
	s11 =	smov.u32 s3;
	s7 =	sadd.s32 $0x2, s6  }
.LBB1_5:
0xb: {  	p1 =	slt.u32 s13, $0x2  }
0xc: {  	s17 =	smov.u32 s15;
	p2 =	sgt.s32 @!p1 s15, $0xF41C0;
	s16 =	sshra.s32 @!p1 s15, $0x1F  }
0xd: {  	p3 =	sgt.s32 @!p1 s14, $0x40;
	s18 =	sshra.s32 @!p1 s14, $0x1F;
	p2 =	por !p2, p1  }
0xe: {  	s15 =	sand.u32 @!p1 s16, s15;
	p3 =	por !p3, p1;
	s16 =	smov.u32 s14  }
0xf: {  	s14 =	sand.u32 @!p1 s18, s14;
	s17 =	simm.s32 @p2 $0xF41C0;
	s16 =	simm.s32 @p3 $0x40  }
0x10: {  	s15 =	ssub.s32 @!p1 s17, s15;
	s14 =	ssub.s32 @!p1 s16, s14  }
0x11: {  	s18 =	smov.u32 s12;
	s16 =	sadd.s32 @!p1 $0xFFF0BE40, s15;
	s17 =	sadd.s32 @!p1 $0xFFFFFFC0, s14  }
0x12: {  	s15 =	ssub.s32 @!p1 $0xF4240, s15;
	p2 =	sgt.s32 @!p1 s16, $0x7F;
	p3 =	sgt.s32 @!p1 s17, $0x3F  }
0x13: {  	s14 =	ssub.s32 @!p1 $0x80, s14;
	p2 =	por !p2, p1;
	p3 =	por !p3, p1  }
0x14: {  	s16 =	sadd.s32 $0x1000, s11;
	s15 =	simm.s32 @!p2 $0x0;
	s14 =	simm.s32 @!p3 $0x0  }
0x15: {  	p2 =	sgt.s32 s16, $0xF423F;
	s14 =	smul.u32 @!p1 s14, s15;
	s15 =	sadd.s32 $0x40, s12  }
0x16: {  	s18 =	smov.u32 @p2 s15  }
0x17: {  	s16 =	smov.u32 @p2 s3;
	p2 =	sgt.s32 s18, $0x3F  }
0x18: {  	s18 =	simm.s32 @p2 $0x0;
	p2 =	sne.s32 s13, s7  }
.Ltmp1:
0x19: {  	p0 =	por !p0, !p0;
	s17 =	simm.s32 @!p1 $0x2;
	(pc) =	sbr.rel @!p2 .LBB1_6-.Ltmp1, $4  }
0x1a: {  	s15 =	smov.u32 s9;
	s9 =	smov.u32 s11;
	s14 =	sand.u32 @!p1 $0x3FFFFFFF, s14  }
0x1b: {  	s11 =	smov.u32 s16;
	_ =	swait.ge @!p1 [sflag:s17], s14;
	s19 =	ssub.s32 @!p1 $0x0, s14  }
0x1c: {  	s14 =	smov.u32 s10;
	s13 =	sadd.s32 $0x1, s13;
	[sflag:s17] =	ssyncset.done @!p1 $0x0  }
0x1d: {  	s10 =	smov.u32 s12;
	s12 =	smov.u32 s18;
	[sflag:s17] =	ssyncadd.s32 @!p1 s19  }
.LBB1_1:
0x1e: {  	p1 =	sgt.u32 s13, s6  }
0x1f: {  	s16 =	sshrl.u32 @!p1 s12, $0x3  }
0x20: {  	s17 =	sshll.u32 @!p1 s11, $0x3;
	s16 =	smul.u32 @!p1 $0x7A1400, s16  }
0x21: {  	s18 =	sshll.u32 @!p1 s12, $0x7;
	s17 =	sand.u32 @!p1 $0xFFFFFC00, s17  }
0x22: {  	s16 =	sadd.s32 @!p1 s16, s17;
	s17 =	sand.u32 @!p1 $0x380, s18  }
0x23: {  	s18 =	sand.u32 @!p1 $0x7F, s11;
	s16 =	sor.u32 @!p1 s17, s16  }
0x24: {  	s17 =	sor.u32 @!p1 s18, s16  }
0x25: {  	s18 =	smulhi.u32 @!p1 $0x218D6287, s17;
	_ =	sdelay $0x1  }
0x26: {  	s16 =	smulhi.u32 @!p1 $0x218D6287, s16;
	s18 =	sshrl.u32 @!p1 s18, $0x11  }
0x27: {  	s18 =	smul.u32 @!p1 $0xF4280, s18  }
0x28: {  	s19 =	sxor.u32 @!p1 $0xFFFFFFFF, s13;
	s16 =	sshrl.u32 @!p1 s16, $0x11  }
0x29: {  	s19 =	sshll.u32 @!p1 s19, $0xD;
	s16 =	sand.u32 @!p1 $0x3F, s16;
	s17 =	ssub.s32 @!p1 s17, s18  }
0x2a: {  	s16 =	smul.u32 @!p1 $0x1E850, s16;
	s18 =	sshrl.u32 @!p1 s17, $0x3;
	s17 =	sand.u32 @!p1 $0x7, s17  }
0x2b: {  	s19 =	sand.u32 @!p1 $0x2000, s19;
	s18 =	sadd.s32 @!p1 s2, s18;
	s17 =	sshll.u32 @!p1 s17, $0x12  }
0x2c: {  	s16 =	sadd.s32 @!p1 s16, s18;
	s17 =	sor.u32 @!p1 $0x400, s17;
	s18 =	simm.s32 @!p1 $0x7A1400  }
0x2d: {  	[tilespmem:s19], [sflag:$0x1] =	stream.strided.gather @!p1 [hbm4b:s16+s17], $0x2000, s18, s17, $0x38;
	[tilespmem:$0x8100] =	vst v63  }
0x2e: {  	p1 =	seq.s32 s13, $0x0  }
0x2f: {  	p2 =	sge.u32 @!p1 s13, s7  }
0x30: {  	p1 =	por p1, p2  }
.Ltmp2:
0x31: {  	_ = 	snop;
	(pc) =	sbr.rel @p1 .LBB1_5-.Ltmp2, $1  }
0x32: {  	_ =	sdelay $0x3  }
0x33: {  	s16 =	simm.s32 $0x1  }
0x34: {  	_ =	swait.ge [sflag:s4], $0x2000;
	s16 =	simm.s32 @!p0 $0x0  }
0x35: {  	[sflag:s4] =	ssyncset.done $0x0;
	s17 =	sshll.u32 s16, $0xD  }
0x36: {  	[sflag:s4] =	ssyncadd.s32 $0xFFFFE000;
	s17 =	sor.u32 $0x40, s17  }
0x37: {  	s16 =	smul.u32 $0x8200, s16;
	v0 =	vld [tilespmem:s17+$0x30]  }
0x38: {  	v1 =	vld [tilespmem:s17+$0xFFFFFFD0]  }
0x39: {  	s16 =	sshrl.u32 s16, $0x2;
	v5 =	vld [tilespmem:s17+$0xFFFFFFE0]  }
0x3a: {  	v6 =	vld [tilespmem:s17+$0xFFFFFFF0];
	s19 =	sor.u32 $0x4000, s16  }
0x3b: {  	s31 =	sand.u32 $0x1, s13;
	v4 =	vld [tilespmem:s17+$0x0];
	s18 =	sadd.s32 $0x0, s19  }
0x3c: {  	v3 =	vld [tilespmem:s17+$0x10];
	s16 =	smul.u32 $0x8200, s31;
	[tilespmem:s18+$0x1C70 ss:$0x41] =	vst.msk $0xffff, v0  }
0x3d: {  	v2 =	vld [tilespmem:s17+$0x20];
	[tilespmem:s18+$0x410 ss:$0x41] =	vst.msk $0xffff, v1  }
0x3e: {  	s16 =	sshrl.u32 s16, $0x2;
	v1 =	vld [tilespmem:s17+$0xFFFFFFC0];
	[tilespmem:s18+$0x820 ss:$0x41] =	vst.msk $0xffff, v5;
	s17 =	sadd.s32 $0x80, s17  }
0x3f: {  	s20 =	simm.s32 $0x4;
	s21 =	simm.s32 $0x8;
	s16 =	sor.u32 $0x4000, s16;
	[tilespmem:s18+$0xC30 ss:$0x41] =	vst.msk $0xffff, v6;
	v0 =	vld [tilespmem:s17+$0x30]  }
.LBB1_3:
0x40: {  	p1 =	sne.s32 s21, $0xFC;
	v5 =	vld [tilespmem:s17+$0xFFFFFFD0];
	[tilespmem:s18+$0x1040 ss:$0x41] =	vst.msk $0xffff, v4  }
0x41: {  	v6 =	vld [tilespmem:s17+$0xFFFFFFE0];
	[tilespmem:s18+$0x1450 ss:$0x41] =	vst.msk $0xffff, v3  }
0x42: {  	s22 =	sshra.s32 s20, $0x2;
	s20 =	smov.u32 s21;
	v7 =	vld [tilespmem:s17+$0xFFFFFFF0];
	[tilespmem:s18+$0x1860 ss:$0x41] =	vst.msk $0xffff, v2  }
.Ltmp3:
0x43: {  	v4 =	vld [tilespmem:s17+$0x0];
	[tilespmem:s18+$0x0 ss:$0x41] =	vst.msk $0xffff, v1;
	s18 =	sadd.s32 s22, s19;
	(pc) =	sbr.rel @p1 .LBB1_3-.Ltmp3, $4  }
0x44: {  	v3 =	vld [tilespmem:s17+$0x10];
	[tilespmem:s18+$0x1C70 ss:$0x41] =	vst.msk $0xffff, v0  }
0x45: {  	[tilespmem:s18+$0x410 ss:$0x41] =	vst.msk $0xffff, v5;
	v2 =	vld [tilespmem:s17+$0x20]  }
0x46: {  	v1 =	vld [tilespmem:s17+$0xFFFFFFC0];
	[tilespmem:s18+$0x820 ss:$0x41] =	vst.msk $0xffff, v6;
	s17 =	sadd.s32 $0x80, s17  }
0x47: {  	s21 =	sadd.s32 $0x4, s21;
	v0 =	vld [tilespmem:s17+$0x30];
	[tilespmem:s18+$0xC30 ss:$0x41] =	vst.msk $0xffff, v7  }
0x48: {  	s21 =	sshll.u32 s9, $0x7;
	s22 =	sshll.u32 s10, $0x3;
	s20 =	sshra.s32 s20, $0x2  }
0x49: {  	p1 =	sgt.s32 s9, $0xF41C0;
	s30 =	sshra.s32 s9, $0x1F;
	s25 =	sshra.s32 s10, $0x1F  }
0x4a: {  	v5 =	vld [tilespmem:s17+$0xFFFFFFD0];
	s28 =	sshrl.u32 s10, $0x3;
	s23 =	sand.u32 $0xFFFFFC00, s21;
	s22 =	sand.u32 $0xFFFFFC00, s22  }
0x4b: {  	[tilespmem:s18+$0x1040 ss:$0x41] =	vst.msk $0xffff, v4;
	v58 =	vld [tilespmem:s17+$0xFFFFFFE0];
	s21 =	sand.u32 $0x380, s21;
	s19 =	sadd.s32 s20, s19;
	s22 =	sadd.s32 s22, s23  }
0x4c: {  	v59 =	vld [tilespmem:s17+$0xFFFFFFF0];
	[tilespmem:s18+$0x1450 ss:$0x41] =	vst.msk $0xffff, v3;
	s29 =	sor.u32 s21, s22;
	s21 =	smov.u32 s9;
	s22 =	sand.u32 s30, s9  }
0x4d: {  	v60 =	vld [tilespmem:s17+$0x0];
	[tilespmem:s18+$0x1860 ss:$0x41] =	vst.msk $0xffff, v2;
	s30 =	sand.u32 $0x7, s10;
	s20 =	sshrl.u32 s29, $0x7;
	s21 =	simm.s32 @!p1 $0xF41C0  }
0x4e: {  	v61 =	vld [tilespmem:s17+$0x10];
	[tilespmem:s18+$0x0 ss:$0x41] =	vst.msk $0xffff, v1;
	p1 =	sgt.s32 s10, $0x40;
	s24 =	ssub.s32 s21, s22;
	s21 =	smov.u32 s10  }
0x4f: {  	v62 =	vld [tilespmem:s17+$0x20];
	[tilespmem:s19+$0x1C70 ss:$0x41] =	vst.msk $0xffff, v0;
	s31 =	smulhi.u32 $0x218DEF5, s20;
	s22 =	sand.u32 s25, s10;
	s21 =	simm.s32 @!p1 $0x40  }
0x50: {  	v63 =	vld [tilespmem:s17+$0xFFFFFFC0];
	[tilespmem:s19+$0x410 ss:$0x41] =	vst.msk $0xffff, v5;
	s26 =	sadd.s32 $0xFFF0BE40, s24;
	s17 =	ssub.s32 $0xF4240, s24;
	s21 =	ssub.s32 s21, s22  }
0x51: {  	[tilespmem:s19+$0x820 ss:$0x41] =	vst.msk $0xffff, v58;
	s23 =	sshrl.u32 s31, $0xD;
	p1 =	sgt.s32 s26, $0x7F;
	s27 =	sadd.s32 $0xFFFFFFC0, s21  }
0x52: {  	[tilespmem:s19+$0xC30 ss:$0x41] =	vst.msk $0xffff, v59;
	s23 =	smul.u32 $0xF4240, s23;
	s18 =	ssub.s32 $0x80, s21;
	p2 =	sgt.s32 s27, $0x3F  }
.Ltmp4:
0x53: {  	[tilespmem:s19+$0x1040 ss:$0x41] =	vst.msk $0xffff, v60;
	s17 =	simm.s32 @p1 $0x0;
	s18 =	simm.s32 @p2 $0x0;
	(pc) =	sbr.rel .LBB1_5-.Ltmp4, $4  }
0x54: {  	s29 =	sand.u32 $0xF, s28;
	[tilespmem:s19+$0x1450 ss:$0x41] =	vst.msk $0xffff, v61;
	s20 =	ssub.s32 s20, s23;
	s17 =	smul.u32 s18, s17  }
0x55: {  	[tilespmem:s19+$0x1860 ss:$0x41] =	vst.msk $0xffff, v62;
	s21 =	sshll.u32 s30, $0x12;
	s20 =	sshll.u32 s20, $0x4;
	s18 =	sadd.s32 s5, s29  }
0x56: {  	[tilespmem:s19+$0x0 ss:$0x41] =	vst.msk $0xffff, v63;
	s31 =	sor.u32 $0x40, s21;
	s18 =	sadd.s32 s20, s18;
	s17 =	sand.u32 $0x3FFFFFFF, s17  }
0x57: {  	[hbm4b:s18+s31] =	stream.strided.scatter [tilespmem:s16], [sflag:$0x2], s17, s8, s31, $0x18;
	[tilespmem:$0x8100] =	vst v63  }
.LBB1_6:
0x58: {  	_ =	sfence.sel $0x180000  }
0x59: {  	s2 =	simm.s32 $0x1;
	[bflag:$0x0] =	sbarrier.arrive $0xFFFF  }
0x5a: {  	s31 =	simm.s32 $0x2;
	[sflag:s2] =	ssyncpa.u1 $0x1  }
0x5b: {  	[sflag:s31] =	ssyncpa.u1 $0x1  }
0x5c: {  	p0 =	sne.s32 s1, $0x0;
	_ =	strace $0x9000004D  }
0x5d: {  	s0 =	sadd.s32 @!p0 $0x100000, s0;
	[bflag:$0x2] =	sbarrier.arrive $0xFFFF  }
0x5e: {  	[sflag:s0] =	ssyncadd.tile.s32 @!p0 $0x1;
	_ =	shalt  }
.Lfunc_end1:
_tile_overlayer_lowered:
.L_overlay_start_2:
0x5f: {  	(tag) =	ssettag $0x2  }
0x60: {  	s0 =	rddreg [dreg:$0x0];
	s2 =	stileid.u32  }
0x61: {  	s1 =	rddreg [dreg:$0x1];
	p0 =	sne.s32 s2, $0x0  }
0x62: {  	s3 =	rddreg [dreg:$0x2];
	[bflag:$0x3] =	sbarrier.arrive $0xFFFF;
	s2 =	simm.s32 @!p0 $0x1C01  }
0x63: {  	[timem:s3], [sflag:s2] =	dma.local @!p0 [hbm:s0], s1  }
0x64: {  	s0 =	simm.s32 @!p0 $0x1  }
0x65: {  	_ =	swait.ge @!p0 [sflag:s0], s1  }
0x66: {  	s1 =	ssub.s32 @!p0 $0x0, s1;
	[sflag:s0] =	ssyncset.done @!p0 $0x0  }
0x67: {  	[sflag:s0] =	ssyncadd.s32 @!p0 s1  }
0x68: {  	[bflag:$0x3] =	sbarrier.arrive $0xFFFF  }
0x69: {  	_ =	shalt  }

// kernel: sparse-core-data-format-call.2.cloned.1.call-start
scs
called_computation.2_lowered:
.L_overlay_start_0:
0x0: {  	s2 =	sld [smem:$0x3FD9]  }
0x1: {  	s3 =	sld [smem:$0x3FFE];
	_ =	sdelay $0x1  }
0x2: {  	s1 =	srdreg.scid  }
0x3: {  	s0 =	sand.u32 $0x1, s1  }
0x4: {  	s18 =	sshll.u32 s0, $0xA;
	s2 =	sadd.s32 s3, s2  }
0x5: {  	s2 =	sadd.s32 s2, s18  }
0x6: {  	[smem:$0x3FBE] =	sst s2  }
0x7: {  	_ = 	snop  }
0x8: {  	(tm) =	ssettm $0x1  }
0x9: {  	s19 =	sld [smem:$0x3FFB];
	_ =	sdelay $0x3  }
0xa: {  	_ =	strace s19  }
0xb: {  	s2 =	sld [smem:$0x3FFC];
	_ =	sdelay $0x3  }
0xc: {  	_ =	strace s2  }
0xd: {  	s2 =	sld [smem:$0x3FFD];
	_ =	sdelay $0x3  }
0xe: {  	_ =	strace s2  }
0xf: {  	_ =	strace $0x8FFFFFFF  }
0x10: {  	s20 =	sld [smem:$0x3FDB];
	_ =	sdelay $0x1  }
0x11: {  	s21 =	simm.s32 $_scs_section_size  }
0x12: {  	s4 =	simm.s32 $_size__tile_overlayer_lowered;
	s5 =	simm.s32 $_tile_overlayer_lowered  }
0x13: {  	s6 =	simm.s32 $0x1BFF;
	s22 =	sshll.u32 s5, $0x1;
	s3 =	sadd.s32 s21, s20  }
0x14: {  	s23 =	simm.s32 $0x0;
	s4 =	sshll.u32 s4, $0x1;
	s5 =	sadd.s32 s22, s3  }
0x15: {  	[timem:s23], [sflag:s6] =	dma.local [hbm:s5], s4  }
0x16: {  	_ =	swait.ge [sflag:s6], s4  }
0x17: {  	s4 =	ssub.s32 $0x0, s4;
	[sflag:s6] =	ssyncset.done $0x0  }
0x18: {  	[sflag:s6] =	ssyncadd.s32 s4;
	_ =	sdelay $0x1  }
0x19: {  	s24 =	simm.s32 $0x1B8B  }
0x1a: {  	_ =	swait.ge [sflag:s24], $0x1  }
0x1b: {  	[sflag:s24] =	ssyncset.done $0x0  }
0x1c: {  	[sflag:s24] =	ssyncadd.s32 $0xFFFFFFFF  }
0x1d: {  	s4 =	sld [smem:$0x0]  }
0x1e: {  	s5 =	sand.u32 $0xFFFFFFFE, s1  }
0x1f: {  	p0 =	sne.s32 s1, s5  }
0x20: {  	s5 =	sshll.u32 @p0 s5, $0xE  }
0x21: {  	s5 =	sadd.s32 @p0 $0x11B8D, s5;
	s6 =	sshll.u32 @p0 s4, $0x11  }
0x22: {  	s5 =	sor.u32 @p0 s6, s5  }
0x23: {  	[sflag:s5] =	ssyncadd.remote.s32 @p0 $0x1;
	_ =	sdelay $0x1  }
0x24: {  	s5 =	simm.s32 @p0 $0x1B8D  }
0x25: {  	_ =	swait.eq @p0 [sflag:s5], $0x1  }
0x26: {  	[sflag:s5] =	ssyncadd.s32 @p0 $0xFFFFFFFF  }
0x27: {  	s6 =	sshll.u32 @!p0 s1, $0xE  }
0x28: {  	s6 =	sor.u32 @!p0 $0x4000, s6;
	s5 =	simm.s32 @!p0 $0x1B8D  }
0x29: {  	s4 =	sshll.u32 @!p0 s4, $0x11;
	s6 =	sadd.s32 @!p0 $0x11B8D, s6;
	_ =	swait.eq @!p0 [sflag:s5], $0x1  }
0x2a: {  	s4 =	sor.u32 @!p0 s4, s6;
	[sflag:s5] =	ssyncadd.s32 @!p0 $0xFFFFFFFF  }
0x2b: {  	s26 =	simm.s32 $0x1B8E;
	s25 =	sld [smem:$0x3FFE];
	[sflag:s4] =	ssyncadd.remote.s32 @!p0 $0x1  }
0x2c: {  	s27 =	simm.s32 $execute0_lowered;
	[smem:$0x3FD2] =	sst s26  }
0x2d: {  	s5 =	sshll.u32 s27, $0x1;
	_ =	strace $0x80000052;
	[dreg:$0x1] =	wrdreg $0xFFFFFFFF  }
0x2e: {  	s28 =	simm.s32 $_size_execute0_lowered;
	s3 =	sadd.s32 s3, s5;
	[dreg:$0x0] =	wrdreg $0x0  }
0x2f: {  	s5 =	sshll.u32 s28, $0x1;
	[dreg:$0x2] =	wrdreg s3  }
0x30: {  	[dreg:$0x3] =	wrdreg s5  }
0x31: {  	[dreg:$0x4] =	wrdreg $0xC0  }
0x32: {  	_ =	task [dreg:s23], $0x5FFFF  }
0x33: {  	[dreg:$0x1] =	wrdreg $0xFFFFFFFF  }
0x34: {  	[dreg:$0x0] =	wrdreg $0x60  }
0x35: {  	[dreg:$0x2] =	wrdreg s25  }
0x36: {  	[dreg:$0x3] =	wrdreg $0xB  }
0x37: {  	_ =	task.clear_ibuf [dreg:s23], $0x4FFFF;
	_ =	strace $0x90000052  }
0x38: {  	s29 =	simm.s32 $0xB;
	_ =	strace $0x80000054  }
0x39: {  	_ =	swait.ge [sflag:s29], $0x1  }
0x3a: {  	[sflag:s29] =	ssyncadd.s32 $0xFFFFFFFF  }
0x3b: {  	_ =	strace $0x90000054  }
0x3c: {  	_ =	sfence  }
0x3d: {  	s30 =	sld [smem:$0x0];
	_ =	sdelay $0x2  }
0x3e: {  	s31 =	sshll.u32 s1, $0xD;
	s1 =	sshrl.u32 s1, $0x2  }
0x3f: {  	s4 =	sand.u32 $0x4000, s31;
	s1 =	sadd.s32 s1, s30  }
0x40: {  	s0 =	sor.u32 s4, s0;
	s1 =	sshll.u32 s1, $0x11  }
0x41: {  	s0 =	sor.u32 s1, s0  }
0x42: {  	s0 =	sadd.s32 $0x8F2B, s0  }
0x43: {  	[sflag:s0] =	ssyncadd.remote.s32 $0x1  }
0x44: {  	_ =	sfence.sel $0xFFFF  }
0x45: {  	[dreg:$0x0] =	wrdreg $0xFFFFFFFF;
	(pc) =	sbr.abs _section_cstart, $3  }
0x46: {  	[dreg:$0x1] =	wrdreg $0xFFFFFFFF  }
0x47: {  	_ =	task.clear_ibuf [dreg:s23], $0x2FFFF;
	_ =	strace $0x9FFFFFFF  }
0x48: {  	(tm) =	ssettm $0x7FFFFFFF  }
0x49: {  	_ =	shalt  }
tec
execute0_lowered:
.L_overlay_start_1:
0x0: {  	(tag) =	ssettag $0x1  }
0x1: {  	s0 =	srdreg.scid;
	s6 =	rddreg [dreg:$0x0]  }
0x2: {  	s1 =	stileid.u32;
	s4 =	simm.s32 $0x1;
	s0 =	sshll.u32 s0, $0x4  }
0x3: {  	s7 =	simm.s32 $0x2;
	s11 =	simm.s32 $0x0;
	s2 =	sand.u32 $0x10, s0  }
.Ltmp0:
0x4: {  	s8 =	simm.s32 $0x1E8800;
	s2 =	sor.u32 s1, s2;
	(pc) =	sbr.rel .LBB1_1-.Ltmp0, $4  }
0x5: {  	s10 =	simm.s32 $0x0;
	s3 =	sadd.s32 $0xB74600, s6;
	s2 =	sshll.u32 s2, $0x7  }
0x6: {  	s0 =	rddreg [dreg:$0x1];
	_ =	strace $0x80000053;
	s5 =	ssub.s32 $0x3D080, s2  }
0x7: {  	s6 =	sadd.s32 $0x1315800, s6;
	[sflag:s4] =	ssyncpa.u1 $0x0;
	s5 =	sshrl.u32 s5, $0xC  }
0x8: {  	[sflag:s7] =	ssyncpa.u1 $0x0;
	s9 =	smov.u32 s2;
	s7 =	sor.u32 $0x2, s5  }
.LBB1_7:
0x9: {  	s13 =	sadd.s32 $0x1000, s9  }
0xa: {  	p1 =	sgt.s32 s13, $0x3D08F  }
0xb: {  	s13 =	smov.u32 @p1 s2;
	p1 =	sne.s32 s10, s7  }
.Ltmp1:
0xc: {  	p0 =	slt.u32 s10, $0x2;
	(pc) =	sbr.rel @!p1 .LBB1_8-.Ltmp1, $4  }
0xd: {  	s12 =	simm.s32 @!p0 $0x2  }
0xe: {  	_ =	swait.ge @!p0 [sflag:s12], $0x4000  }
0xf: {  	s14 =	sadd.s32 $0x1, s10;
	s11 =	smov.u32 s9;
	[sflag:s12] =	ssyncset.done @!p0 $0x0  }
0x10: {  	s10 =	smov.u32 s14;
	s9 =	smov.u32 s13;
	[sflag:s12] =	ssyncadd.s32 @!p0 $0xFFFFC000  }
.LBB1_1:
0x11: {  	p0 =	sgt.u32 s10, s5  }
0x12: {  	p1 =	sgt.s32 @!p0 s9, $0x3D010  }
0x13: {  	s12 =	smov.u32 s9;
	s13 =	sshra.s32 @!p0 s9, $0x1F;
	p1 =	por !p1, p0  }
0x14: {  	s13 =	sand.u32 @!p0 s13, s9;
	s12 =	simm.s32 @p1 $0x3D010  }
0x15: {  	s12 =	ssub.s32 @!p0 s12, s13  }
0x16: {  	s14 =	sxor.u32 @!p0 $0xFFFFFFFF, s10;
	s12 =	sadd.s32 @!p0 $0xFFFC2FF0, s12  }
0x17: {  	s15 =	simm.s32 @!p0 $0x40;
	s16 =	simm.s32 @!p0 $0x80;
	s13 =	sshll.u32 @!p0 s12, $0x9  }
0x18: {  	p1 =	sgt.s32 @!p0 s12, $0x7F;
	s12 =	ssub.s32 @!p0 $0x10000, s13;
	s13 =	sshll.u32 @!p0 s14, $0xE  }
0x19: {  	p1 =	por !p1, p0;
	s14 =	sshll.u32 @!p0 s9, $0x5;
	s12 =	sshrl.u32 @!p0 s12, $0x2  }
0x1a: {  	s13 =	sand.u32 @!p0 $0x4000, s13;
	s14 =	sadd.s32 @!p0 s3, s14;
	s12 =	simm.s32 @!p1 $0x0  }
0x1b: {  	[tilespmem:s13], [sflag:$0x1] =	stream.strided.gather @!p0 [hbm4b:s14+s15], s12, s16, s15, $0x38;
	[tilespmem:$0x10100] =	vst v63  }
0x1c: {  	p0 =	seq.s32 s10, $0x0  }
0x1d: {  	p1 =	sge.u32 @!p0 s10, s7  }
0x1e: {  	p0 =	por p0, p1  }
.Ltmp2:
0x1f: {  	_ = 	snop;
	(pc) =	sbr.rel @p0 .LBB1_7-.Ltmp2, $1  }
0x20: {  	_ =	sdelay $0x3  }
0x21: {  	p0 =	sgt.s32 s11, $0x3D010;
	s12 =	smov.u32 s11;
	s13 =	sshra.s32 s11, $0x1F  }
0x22: {  	s12 =	simm.s32 @!p0 $0x3D010;
	s13 =	sand.u32 s13, s11  }
0x23: {  	s12 =	ssub.s32 s12, s13  }
0x24: {  	s12 =	sadd.s32 $0xFFFC2FF0, s12  }
0x25: {  	s29 =	sshll.u32 s12, $0x9  }
0x26: {  	s30 =	sand.u32 $0x1, s10;
	s13 =	ssub.s32 $0x10000, s29  }
0x27: {  	s14 =	smul.u32 $0x10200, s30;
	p0 =	sgt.s32 s12, $0x7F;
	s12 =	sshrl.u32 s13, $0x2  }
0x28: {  	s12 =	simm.s32 @p0 $0x0  }
0x29: {  	s31 =	sshrl.u32 s14, $0x2;
	_ =	swait.ge [sflag:s4], s12  }
0x2a: {  	s14 =	simm.s32 $0x0;
	s12 =	ssub.s32 $0x0, s12;
	[sflag:s4] =	ssyncset.done $0x0  }
0x2b: {  	s13 =	sshll.u32 s30, $0xE;
	[sflag:s4] =	ssyncadd.s32 s12;
	s12 =	sor.u32 $0x8000, s31  }
.LBB1_3:
0x2c: {  	s15 =	sshll.u32 s14, $0x7  }
0x2d: {  	s15 =	sand.u32 $0x3FFFFF80, s15  }
0x2e: {  	s15 =	sadd.s32 s15, s13  }
0x2f: {  	v0 =	vmov s15;
	_ =	sdelay $0x1  }
0x30: {  	p0 =	por $0x1, $0x1;
	s15 =	simm.s32 $0x0  }
.LBB1_4:
0x31: {  	s16 =	sshll.u32 s15, $0x6  }
0x32: {  	s16 =	sand.u32 $0x3FFFFFC0, s16  }
0x33: {  	s31 =	smul.u32 $0x8100, s15;
	v1 =	vld.idx.msk [tilespmem:v0+s16+$0x0 ss:$0x1], $0xffff  }
0x34: {  	v2 =	vld.idx.msk [tilespmem:v0+s16+$0x10 ss:$0x1], $0xffff  }
0x35: {  	s15 =	sshra.s32 s31, $0x2;
	v3 =	vld.idx.msk [tilespmem:v0+s16+$0x20 ss:$0x1], $0xffff  }
0x36: {  	p1 =	por p0, p0;
	v4 =	vld.idx.msk [tilespmem:v0+s16+$0x30 ss:$0x1], $0xffff;
	s15 =	sadd.s32 s15, s12  }
.Ltmp3:
0x37: {  	s15 =	sadd.s32 s14, s15;
	(pc) =	sbr.rel @p1 .LBB1_4-.Ltmp3, $4  }
0x38: {  	[tilespmem:s15+$0x0 ss:$0x81] =	vst.msk $0xffff, v1  }
0x39: {  	[tilespmem:s15+$0x810 ss:$0x81] =	vst.msk $0xffff, v2  }
0x3a: {  	[tilespmem:s15+$0x1020 ss:$0x81] =	vst.msk $0xffff, v3  }
0x3b: {  	p0 =	por $0x0, $0x0;
	[tilespmem:s15+$0x1830 ss:$0x81] =	vst.msk $0xffff, v4;
	s15 =	simm.s32 $0x1  }
0x3c: {  	s14 =	sadd.s32 $0x1, s14  }
0x3d: {  	p0 =	sne.s32 s14, $0x80  }
.Ltmp4:
0x3e: {  	_ = 	snop;
	(pc) =	sbr.rel @p0 .LBB1_3-.Ltmp4, $1  }
0x3f: {  	_ =	sdelay $0x3  }
0x40: {  	s13 =	sshll.u32 s11, $0x3  }
0x41: {  	s13 =	sand.u32 $0xFFFFFC00, s13  }
0x42: {  	s14 =	sshrl.u32 s13, $0x8  }
0x43: {  	s14 =	smulhi.u32 $0x10C50B5, s14;
	_ =	sdelay $0x1  }
0x44: {  	s14 =	sshrl.u32 s14, $0x2  }
0x45: {  	s29 =	sand.u32 $0x7F, s11;
	s15 =	smul.u32 $0x3D100, s14  }
0x46: {  	s11 =	sor.u32 s29, s13  }
.Ltmp5:
0x47: {  	s30 =	sand.u32 $0x3F, s14;
	s11 =	ssub.s32 s11, s15;
	(pc) =	sbr.rel .LBB1_7-.Ltmp5, $4  }
0x48: {  	s13 =	smul.u32 $0x7A20, s30;
	s31 =	sshrl.u32 s11, $0x3;
	s11 =	sand.u32 $0x7, s11  }
0x49: {  	s14 =	sadd.s32 s6, s31;
	s11 =	sshll.u32 s11, $0x12  }
0x4a: {  	s13 =	sadd.s32 s13, s14;
	s11 =	sor.u32 $0x400, s11  }
0x4b: {  	[hbm4b:s13+s11] =	stream.strided.scatter [tilespmem:s12], [sflag:$0x2], $0x4000, s8, s11, $0x20;
	[tilespmem:$0x10100] =	vst v63  }
.LBB1_8:
0x4c: {  	_ =	sfence.sel $0x180000  }
0x4d: {  	s2 =	simm.s32 $0x1;
	[bflag:$0x0] =	sbarrier.arrive $0xFFFF  }
0x4e: {  	s31 =	simm.s32 $0x2;
	[sflag:s2] =	ssyncpa.u1 $0x1  }
0x4f: {  	[sflag:s31] =	ssyncpa.u1 $0x1  }
0x50: {  	p0 =	sne.s32 s1, $0x0;
	_ =	strace $0x90000053  }
0x51: {  	s0 =	sadd.s32 @!p0 $0x100000, s0;
	[bflag:$0x2] =	sbarrier.arrive $0xFFFF  }
0x52: {  	[sflag:s0] =	ssyncadd.tile.s32 @!p0 $0x1;
	_ =	shalt  }
.Lfunc_end1:
_tile_overlayer_lowered:
.L_overlay_start_2:
0x53: {  	(tag) =	ssettag $0x2  }
0x54: {  	s0 =	rddreg [dreg:$0x0];
	s2 =	stileid.u32  }
0x55: {  	s1 =	rddreg [dreg:$0x1];
	p0 =	sne.s32 s2, $0x0  }
0x56: {  	s3 =	rddreg [dreg:$0x2];
	[bflag:$0x3] =	sbarrier.arrive $0xFFFF;
	s2 =	simm.s32 @!p0 $0x1C01  }
0x57: {  	[timem:s3], [sflag:s2] =	dma.local @!p0 [hbm:s0], s1  }
0x58: {  	s0 =	simm.s32 @!p0 $0x1  }
0x59: {  	_ =	swait.ge @!p0 [sflag:s0], s1  }
0x5a: {  	s1 =	ssub.s32 @!p0 $0x0, s1;
	[sflag:s0] =	ssyncset.done @!p0 $0x0  }
0x5b: {  	[sflag:s0] =	ssyncadd.s32 @!p0 s1  }
0x5c: {  	[bflag:$0x3] =	sbarrier.arrive $0xFFFF  }
0x5d: {  	_ =	shalt  }

// kernel: sparse-core-data-format-call.3.cloned.1.call-start
scs
called_computation.3_lowered:
.L_overlay_start_0:
0x0: {  	s2 =	sld [smem:$0x3FD9]  }
0x1: {  	s3 =	sld [smem:$0x3FFE];
	_ =	sdelay $0x1  }
0x2: {  	s1 =	srdreg.scid  }
0x3: {  	s0 =	sand.u32 $0x1, s1  }
0x4: {  	s18 =	sshll.u32 s0, $0xA;
	s2 =	sadd.s32 s3, s2  }
0x5: {  	s2 =	sadd.s32 s2, s18  }
0x6: {  	[smem:$0x3FBE] =	sst s2  }
0x7: {  	_ = 	snop  }
0x8: {  	(tm) =	ssettm $0x1  }
0x9: {  	s19 =	sld [smem:$0x3FFB];
	_ =	sdelay $0x3  }
0xa: {  	_ =	strace s19  }
0xb: {  	s2 =	sld [smem:$0x3FFC];
	_ =	sdelay $0x3  }
0xc: {  	_ =	strace s2  }
0xd: {  	s2 =	sld [smem:$0x3FFD];
	_ =	sdelay $0x3  }
0xe: {  	_ =	strace s2  }
0xf: {  	_ =	strace $0x8FFFFFFF  }
0x10: {  	s20 =	sld [smem:$0x3FDB];
	_ =	sdelay $0x1  }
0x11: {  	s21 =	simm.s32 $_scs_section_size  }
0x12: {  	s4 =	simm.s32 $_size__tile_overlayer_lowered;
	s5 =	simm.s32 $_tile_overlayer_lowered  }
0x13: {  	s6 =	simm.s32 $0x1BFF;
	s22 =	sshll.u32 s5, $0x1;
	s3 =	sadd.s32 s21, s20  }
0x14: {  	s23 =	simm.s32 $0x0;
	s4 =	sshll.u32 s4, $0x1;
	s5 =	sadd.s32 s22, s3  }
0x15: {  	[timem:s23], [sflag:s6] =	dma.local [hbm:s5], s4  }
0x16: {  	_ =	swait.ge [sflag:s6], s4  }
0x17: {  	s4 =	ssub.s32 $0x0, s4;
	[sflag:s6] =	ssyncset.done $0x0  }
0x18: {  	[sflag:s6] =	ssyncadd.s32 s4;
	_ =	sdelay $0x1  }
0x19: {  	s24 =	simm.s32 $0x1B8B  }
0x1a: {  	_ =	swait.ge [sflag:s24], $0x1  }
0x1b: {  	[sflag:s24] =	ssyncset.done $0x0  }
0x1c: {  	[sflag:s24] =	ssyncadd.s32 $0xFFFFFFFF  }
0x1d: {  	s4 =	sld [smem:$0x0]  }
0x1e: {  	s5 =	sand.u32 $0xFFFFFFFE, s1  }
0x1f: {  	p0 =	sne.s32 s1, s5  }
0x20: {  	s5 =	sshll.u32 @p0 s5, $0xE  }
0x21: {  	s5 =	sadd.s32 @p0 $0x11B8D, s5;
	s6 =	sshll.u32 @p0 s4, $0x11  }
0x22: {  	s5 =	sor.u32 @p0 s6, s5  }
0x23: {  	[sflag:s5] =	ssyncadd.remote.s32 @p0 $0x1;
	_ =	sdelay $0x1  }
0x24: {  	s5 =	simm.s32 @p0 $0x1B8D  }
0x25: {  	_ =	swait.eq @p0 [sflag:s5], $0x1  }
0x26: {  	[sflag:s5] =	ssyncadd.s32 @p0 $0xFFFFFFFF  }
0x27: {  	s6 =	sshll.u32 @!p0 s1, $0xE  }
0x28: {  	s6 =	sor.u32 @!p0 $0x4000, s6;
	s5 =	simm.s32 @!p0 $0x1B8D  }
0x29: {  	s4 =	sshll.u32 @!p0 s4, $0x11;
	s6 =	sadd.s32 @!p0 $0x11B8D, s6;
	_ =	swait.eq @!p0 [sflag:s5], $0x1  }
0x2a: {  	s4 =	sor.u32 @!p0 s4, s6;
	[sflag:s5] =	ssyncadd.s32 @!p0 $0xFFFFFFFF  }
0x2b: {  	s26 =	simm.s32 $0x1B8E;
	s25 =	sld [smem:$0x3FFE];
	[sflag:s4] =	ssyncadd.remote.s32 @!p0 $0x1  }
0x2c: {  	s27 =	simm.s32 $execute0_lowered;
	[smem:$0x3FD2] =	sst s26  }
0x2d: {  	s5 =	sshll.u32 s27, $0x1;
	_ =	strace $0x80000049;
	[dreg:$0x1] =	wrdreg $0xFFFFFFFF  }
0x2e: {  	s28 =	simm.s32 $_size_execute0_lowered;
	s3 =	sadd.s32 s3, s5;
	[dreg:$0x0] =	wrdreg $0x0  }
0x2f: {  	s5 =	sshll.u32 s28, $0x1;
	[dreg:$0x2] =	wrdreg s3  }
0x30: {  	[dreg:$0x3] =	wrdreg s5  }
0x31: {  	[dreg:$0x4] =	wrdreg $0xC0  }
0x32: {  	_ =	task [dreg:s23], $0x5FFFF  }
0x33: {  	[dreg:$0x1] =	wrdreg $0xFFFFFFFF  }
0x34: {  	[dreg:$0x0] =	wrdreg $0x60  }
0x35: {  	[dreg:$0x2] =	wrdreg s25  }
0x36: {  	[dreg:$0x3] =	wrdreg $0xB  }
0x37: {  	_ =	task.clear_ibuf [dreg:s23], $0x4FFFF;
	_ =	strace $0x90000049  }
0x38: {  	s29 =	simm.s32 $0xB;
	_ =	strace $0x8000004B  }
0x39: {  	_ =	swait.ge [sflag:s29], $0x1  }
0x3a: {  	[sflag:s29] =	ssyncadd.s32 $0xFFFFFFFF  }
0x3b: {  	_ =	strace $0x9000004B  }
0x3c: {  	_ =	sfence  }
0x3d: {  	s30 =	sld [smem:$0x0];
	_ =	sdelay $0x2  }
0x3e: {  	s31 =	sshll.u32 s1, $0xD;
	s1 =	sshrl.u32 s1, $0x2  }
0x3f: {  	s4 =	sand.u32 $0x4000, s31;
	s1 =	sadd.s32 s1, s30  }
0x40: {  	s0 =	sor.u32 s4, s0;
	s1 =	sshll.u32 s1, $0x11  }
0x41: {  	s0 =	sor.u32 s1, s0  }
0x42: {  	s0 =	sadd.s32 $0x8F2B, s0  }
0x43: {  	[sflag:s0] =	ssyncadd.remote.s32 $0x1  }
0x44: {  	_ =	sfence.sel $0xFFFF  }
0x45: {  	[dreg:$0x0] =	wrdreg $0xFFFFFFFF;
	(pc) =	sbr.abs _section_cstart, $3  }
0x46: {  	[dreg:$0x1] =	wrdreg $0xFFFFFFFF  }
0x47: {  	_ =	task.clear_ibuf [dreg:s23], $0x2FFFF;
	_ =	strace $0x9FFFFFFF  }
0x48: {  	(tm) =	ssettm $0x7FFFFFFF  }
0x49: {  	_ =	shalt  }
tec
execute0_lowered:
.L_overlay_start_1:
0x0: {  	(tag) =	ssettag $0x1  }
0x1: {  	s0 =	srdreg.scid  }
0x2: {  	s5 =	rddreg [dreg:$0x0];
	s1 =	stileid.u32;
	s4 =	simm.s32 $0x1  }
0x3: {  	s6 =	simm.s32 $0x2;
	s15 =	simm.s32 $0x0;
	p0 =	por $0x0, $0x0  }
0x4: {  	s8 =	simm.s32 $0x80;
	s14 =	simm.s32 $0x0;
	s2 =	sshll.u32 s0, $0x4  }
0x5: {  	s9 =	simm.s32 $0x0;
	s10 =	simm.s32 $0x0;
	s2 =	sand.u32 $0x10, s2  }
.Ltmp0:
0x6: {  	s12 =	simm.s32 $0x0;
	s3 =	sor.u32 s1, s2;
	(pc) =	sbr.rel .LBB1_1-.Ltmp0, $4  }
0x7: {  	s0 =	rddreg [dreg:$0x1];
	_ =	strace $0x8000004A;
	s3 =	sshll.u32 s3, $0x7  }
0x8: {  	s13 =	simm.s32 $0x0;
	[sflag:s4] =	ssyncpa.u1 $0x0;
	s7 =	ssub.s32 $0xF4200, s3  }
0x9: {  	s2 =	sadd.s32 $0x16E5C00, s5;
	[sflag:s6] =	ssyncpa.u1 $0x0;
	s6 =	sshrl.u32 s7, $0xC  }
0xa: {  	s5 =	sadd.s32 $0x1E87000, s5;
	s11 =	smov.u32 s3;
	s7 =	sadd.s32 $0x2, s6  }
.LBB1_5:
0xb: {  	p1 =	slt.u32 s13, $0x2  }
0xc: {  	s17 =	smov.u32 s15;
	p2 =	sgt.s32 @!p1 s15, $0xF41C0;
	s16 =	sshra.s32 @!p1 s15, $0x1F  }
0xd: {  	p3 =	sgt.s32 @!p1 s14, $0x40;
	s18 =	sshra.s32 @!p1 s14, $0x1F;
	p2 =	por !p2, p1  }
0xe: {  	s15 =	sand.u32 @!p1 s16, s15;
	p3 =	por !p3, p1;
	s16 =	smov.u32 s14  }
0xf: {  	s14 =	sand.u32 @!p1 s18, s14;
	s17 =	simm.s32 @p2 $0xF41C0;
	s16 =	simm.s32 @p3 $0x40  }
0x10: {  	s15 =	ssub.s32 @!p1 s17, s15;
	s14 =	ssub.s32 @!p1 s16, s14  }
0x11: {  	s18 =	smov.u32 s12;
	s16 =	sadd.s32 @!p1 $0xFFF0BE40, s15;
	s17 =	sadd.s32 @!p1 $0xFFFFFFC0, s14  }
0x12: {  	s15 =	ssub.s32 @!p1 $0xF4240, s15;
	p2 =	sgt.s32 @!p1 s16, $0x7F;
	p3 =	sgt.s32 @!p1 s17, $0x3F  }
0x13: {  	s14 =	ssub.s32 @!p1 $0x80, s14;
	p2 =	por !p2, p1;
	p3 =	por !p3, p1  }
0x14: {  	s16 =	sadd.s32 $0x1000, s11;
	s15 =	simm.s32 @!p2 $0x0;
	s14 =	simm.s32 @!p3 $0x0  }
0x15: {  	p2 =	sgt.s32 s16, $0xF423F;
	s14 =	smul.u32 @!p1 s14, s15;
	s15 =	sadd.s32 $0x40, s12  }
0x16: {  	s18 =	smov.u32 @p2 s15  }
0x17: {  	s16 =	smov.u32 @p2 s3;
	p2 =	sgt.s32 s18, $0x3F  }
0x18: {  	s18 =	simm.s32 @p2 $0x0;
	p2 =	sne.s32 s13, s7  }
.Ltmp1:
0x19: {  	p0 =	por !p0, !p0;
	s17 =	simm.s32 @!p1 $0x2;
	(pc) =	sbr.rel @!p2 .LBB1_6-.Ltmp1, $4  }
0x1a: {  	s15 =	smov.u32 s9;
	s9 =	smov.u32 s11;
	s14 =	sand.u32 @!p1 $0x3FFFFFFF, s14  }
0x1b: {  	s11 =	smov.u32 s16;
	_ =	swait.ge @!p1 [sflag:s17], s14;
	s19 =	ssub.s32 @!p1 $0x0, s14  }
0x1c: {  	s14 =	smov.u32 s10;
	s13 =	sadd.s32 $0x1, s13;
	[sflag:s17] =	ssyncset.done @!p1 $0x0  }
0x1d: {  	s10 =	smov.u32 s12;
	s12 =	smov.u32 s18;
	[sflag:s17] =	ssyncadd.s32 @!p1 s19  }
.LBB1_1:
0x1e: {  	p1 =	sgt.u32 s13, s6  }
0x1f: {  	s16 =	sshrl.u32 @!p1 s12, $0x3  }
0x20: {  	s17 =	sshll.u32 @!p1 s11, $0x3;
	s16 =	smul.u32 @!p1 $0x7A1400, s16  }
0x21: {  	s18 =	sshll.u32 @!p1 s12, $0x7;
	s17 =	sand.u32 @!p1 $0xFFFFFC00, s17  }
0x22: {  	s16 =	sadd.s32 @!p1 s16, s17;
	s17 =	sand.u32 @!p1 $0x380, s18  }
0x23: {  	s18 =	sand.u32 @!p1 $0x7F, s11;
	s16 =	sor.u32 @!p1 s17, s16  }
0x24: {  	s17 =	sor.u32 @!p1 s18, s16  }
0x25: {  	s18 =	smulhi.u32 @!p1 $0x218D6287, s17;
	_ =	sdelay $0x1  }
0x26: {  	s16 =	smulhi.u32 @!p1 $0x218D6287, s16;
	s18 =	sshrl.u32 @!p1 s18, $0x11  }
0x27: {  	s18 =	smul.u32 @!p1 $0xF4280, s18  }
0x28: {  	s19 =	sxor.u32 @!p1 $0xFFFFFFFF, s13;
	s16 =	sshrl.u32 @!p1 s16, $0x11  }
0x29: {  	s19 =	sshll.u32 @!p1 s19, $0xD;
	s16 =	sand.u32 @!p1 $0x3F, s16;
	s17 =	ssub.s32 @!p1 s17, s18  }
0x2a: {  	s16 =	smul.u32 @!p1 $0x1E850, s16;
	s18 =	sshrl.u32 @!p1 s17, $0x3;
	s17 =	sand.u32 @!p1 $0x7, s17  }
0x2b: {  	s19 =	sand.u32 @!p1 $0x2000, s19;
	s18 =	sadd.s32 @!p1 s2, s18;
	s17 =	sshll.u32 @!p1 s17, $0x12  }
0x2c: {  	s16 =	sadd.s32 @!p1 s16, s18;
	s17 =	sor.u32 @!p1 $0x400, s17;
	s18 =	simm.s32 @!p1 $0x7A1400  }
0x2d: {  	[tilespmem:s19], [sflag:$0x1] =	stream.strided.gather @!p1 [hbm4b:s16+s17], $0x2000, s18, s17, $0x38;
	[tilespmem:$0x8100] =	vst v63  }
0x2e: {  	p1 =	seq.s32 s13, $0x0  }
0x2f: {  	p2 =	sge.u32 @!p1 s13, s7  }
0x30: {  	p1 =	por p1, p2  }
.Ltmp2:
0x31: {  	_ = 	snop;
	(pc) =	sbr.rel @p1 .LBB1_5-.Ltmp2, $1  }
0x32: {  	_ =	sdelay $0x3  }
0x33: {  	s16 =	simm.s32 $0x1  }
0x34: {  	_ =	swait.ge [sflag:s4], $0x2000;
	s16 =	simm.s32 @!p0 $0x0  }
0x35: {  	[sflag:s4] =	ssyncset.done $0x0;
	s17 =	sshll.u32 s16, $0xD  }
0x36: {  	[sflag:s4] =	ssyncadd.s32 $0xFFFFE000;
	s17 =	sor.u32 $0x40, s17  }
0x37: {  	s16 =	smul.u32 $0x8200, s16;
	v0 =	vld [tilespmem:s17+$0x30]  }
0x38: {  	v1 =	vld [tilespmem:s17+$0xFFFFFFD0]  }
0x39: {  	s16 =	sshrl.u32 s16, $0x2;
	v5 =	vld [tilespmem:s17+$0xFFFFFFE0]  }
0x3a: {  	v6 =	vld [tilespmem:s17+$0xFFFFFFF0];
	s19 =	sor.u32 $0x4000, s16  }
0x3b: {  	s31 =	sand.u32 $0x1, s13;
	v4 =	vld [tilespmem:s17+$0x0];
	s18 =	sadd.s32 $0x0, s19  }
0x3c: {  	v3 =	vld [tilespmem:s17+$0x10];
	s16 =	smul.u32 $0x8200, s31;
	[tilespmem:s18+$0x1C70 ss:$0x41] =	vst.msk $0xffff, v0  }
0x3d: {  	v2 =	vld [tilespmem:s17+$0x20];
	[tilespmem:s18+$0x410 ss:$0x41] =	vst.msk $0xffff, v1  }
0x3e: {  	s16 =	sshrl.u32 s16, $0x2;
	v1 =	vld [tilespmem:s17+$0xFFFFFFC0];
	[tilespmem:s18+$0x820 ss:$0x41] =	vst.msk $0xffff, v5;
	s17 =	sadd.s32 $0x80, s17  }
0x3f: {  	s20 =	simm.s32 $0x4;
	s21 =	simm.s32 $0x8;
	s16 =	sor.u32 $0x4000, s16;
	[tilespmem:s18+$0xC30 ss:$0x41] =	vst.msk $0xffff, v6;
	v0 =	vld [tilespmem:s17+$0x30]  }
.LBB1_3:
0x40: {  	p1 =	sne.s32 s21, $0xFC;
	v5 =	vld [tilespmem:s17+$0xFFFFFFD0];
	[tilespmem:s18+$0x1040 ss:$0x41] =	vst.msk $0xffff, v4  }
0x41: {  	v6 =	vld [tilespmem:s17+$0xFFFFFFE0];
	[tilespmem:s18+$0x1450 ss:$0x41] =	vst.msk $0xffff, v3  }
0x42: {  	s22 =	sshra.s32 s20, $0x2;
	s20 =	smov.u32 s21;
	v7 =	vld [tilespmem:s17+$0xFFFFFFF0];
	[tilespmem:s18+$0x1860 ss:$0x41] =	vst.msk $0xffff, v2  }
.Ltmp3:
0x43: {  	v4 =	vld [tilespmem:s17+$0x0];
	[tilespmem:s18+$0x0 ss:$0x41] =	vst.msk $0xffff, v1;
	s18 =	sadd.s32 s22, s19;
	(pc) =	sbr.rel @p1 .LBB1_3-.Ltmp3, $4  }
0x44: {  	v3 =	vld [tilespmem:s17+$0x10];
	[tilespmem:s18+$0x1C70 ss:$0x41] =	vst.msk $0xffff, v0  }
0x45: {  	[tilespmem:s18+$0x410 ss:$0x41] =	vst.msk $0xffff, v5;
	v2 =	vld [tilespmem:s17+$0x20]  }
0x46: {  	v1 =	vld [tilespmem:s17+$0xFFFFFFC0];
	[tilespmem:s18+$0x820 ss:$0x41] =	vst.msk $0xffff, v6;
	s17 =	sadd.s32 $0x80, s17  }
0x47: {  	s21 =	sadd.s32 $0x4, s21;
	v0 =	vld [tilespmem:s17+$0x30];
	[tilespmem:s18+$0xC30 ss:$0x41] =	vst.msk $0xffff, v7  }
0x48: {  	s21 =	sshll.u32 s9, $0x7;
	s22 =	sshll.u32 s10, $0x3;
	s20 =	sshra.s32 s20, $0x2  }
0x49: {  	p1 =	sgt.s32 s9, $0xF41C0;
	s30 =	sshra.s32 s9, $0x1F;
	s25 =	sshra.s32 s10, $0x1F  }
0x4a: {  	v5 =	vld [tilespmem:s17+$0xFFFFFFD0];
	s28 =	sshrl.u32 s10, $0x3;
	s23 =	sand.u32 $0xFFFFFC00, s21;
	s22 =	sand.u32 $0xFFFFFC00, s22  }
0x4b: {  	[tilespmem:s18+$0x1040 ss:$0x41] =	vst.msk $0xffff, v4;
	v58 =	vld [tilespmem:s17+$0xFFFFFFE0];
	s21 =	sand.u32 $0x380, s21;
	s19 =	sadd.s32 s20, s19;
	s22 =	sadd.s32 s22, s23  }
0x4c: {  	v59 =	vld [tilespmem:s17+$0xFFFFFFF0];
	[tilespmem:s18+$0x1450 ss:$0x41] =	vst.msk $0xffff, v3;
	s29 =	sor.u32 s21, s22;
	s21 =	smov.u32 s9;
	s22 =	sand.u32 s30, s9  }
0x4d: {  	v60 =	vld [tilespmem:s17+$0x0];
	[tilespmem:s18+$0x1860 ss:$0x41] =	vst.msk $0xffff, v2;
	s30 =	sand.u32 $0x7, s10;
	s20 =	sshrl.u32 s29, $0x7;
	s21 =	simm.s32 @!p1 $0xF41C0  }
0x4e: {  	v61 =	vld [tilespmem:s17+$0x10];
	[tilespmem:s18+$0x0 ss:$0x41] =	vst.msk $0xffff, v1;
	p1 =	sgt.s32 s10, $0x40;
	s24 =	ssub.s32 s21, s22;
	s21 =	smov.u32 s10  }
0x4f: {  	v62 =	vld [tilespmem:s17+$0x20];
	[tilespmem:s19+$0x1C70 ss:$0x41] =	vst.msk $0xffff, v0;
	s31 =	smulhi.u32 $0x218DEF5, s20;
	s22 =	sand.u32 s25, s10;
	s21 =	simm.s32 @!p1 $0x40  }
0x50: {  	v63 =	vld [tilespmem:s17+$0xFFFFFFC0];
	[tilespmem:s19+$0x410 ss:$0x41] =	vst.msk $0xffff, v5;
	s26 =	sadd.s32 $0xFFF0BE40, s24;
	s17 =	ssub.s32 $0xF4240, s24;
	s21 =	ssub.s32 s21, s22  }
0x51: {  	[tilespmem:s19+$0x820 ss:$0x41] =	vst.msk $0xffff, v58;
	s23 =	sshrl.u32 s31, $0xD;
	p1 =	sgt.s32 s26, $0x7F;
	s27 =	sadd.s32 $0xFFFFFFC0, s21  }
0x52: {  	[tilespmem:s19+$0xC30 ss:$0x41] =	vst.msk $0xffff, v59;
	s23 =	smul.u32 $0xF4240, s23;
	s18 =	ssub.s32 $0x80, s21;
	p2 =	sgt.s32 s27, $0x3F  }
.Ltmp4:
0x53: {  	[tilespmem:s19+$0x1040 ss:$0x41] =	vst.msk $0xffff, v60;
	s17 =	simm.s32 @p1 $0x0;
	s18 =	simm.s32 @p2 $0x0;
	(pc) =	sbr.rel .LBB1_5-.Ltmp4, $4  }
0x54: {  	s29 =	sand.u32 $0xF, s28;
	[tilespmem:s19+$0x1450 ss:$0x41] =	vst.msk $0xffff, v61;
	s20 =	ssub.s32 s20, s23;
	s17 =	smul.u32 s18, s17  }
0x55: {  	[tilespmem:s19+$0x1860 ss:$0x41] =	vst.msk $0xffff, v62;
	s21 =	sshll.u32 s30, $0x12;
	s20 =	sshll.u32 s20, $0x4;
	s18 =	sadd.s32 s5, s29  }
0x56: {  	[tilespmem:s19+$0x0 ss:$0x41] =	vst.msk $0xffff, v63;
	s31 =	sor.u32 $0x40, s21;
	s18 =	sadd.s32 s20, s18;
	s17 =	sand.u32 $0x3FFFFFFF, s17  }
0x57: {  	[hbm4b:s18+s31] =	stream.strided.scatter [tilespmem:s16], [sflag:$0x2], s17, s8, s31, $0x18;
	[tilespmem:$0x8100] =	vst v63  }
.LBB1_6:
0x58: {  	_ =	sfence.sel $0x180000  }
0x59: {  	s2 =	simm.s32 $0x1;
	[bflag:$0x0] =	sbarrier.arrive $0xFFFF  }
0x5a: {  	s31 =	simm.s32 $0x2;
	[sflag:s2] =	ssyncpa.u1 $0x1  }
0x5b: {  	[sflag:s31] =	ssyncpa.u1 $0x1  }
0x5c: {  	p0 =	sne.s32 s1, $0x0;
	_ =	strace $0x9000004A  }
0x5d: {  	s0 =	sadd.s32 @!p0 $0x100000, s0;
	[bflag:$0x2] =	sbarrier.arrive $0xFFFF  }
0x5e: {  	[sflag:s0] =	ssyncadd.tile.s32 @!p0 $0x1;
	_ =	shalt  }
.Lfunc_end1:
_tile_overlayer_lowered:
.L_overlay_start_2:
0x5f: {  	(tag) =	ssettag $0x2  }
0x60: {  	s0 =	rddreg [dreg:$0x0];
	s2 =	stileid.u32  }
0x61: {  	s1 =	rddreg [dreg:$0x1];
	p0 =	sne.s32 s2, $0x0  }
0x62: {  	s3 =	rddreg [dreg:$0x2];
	[bflag:$0x3] =	sbarrier.arrive $0xFFFF;
	s2 =	simm.s32 @!p0 $0x1C01  }
0x63: {  	[timem:s3], [sflag:s2] =	dma.local @!p0 [hbm:s0], s1  }
0x64: {  	s0 =	simm.s32 @!p0 $0x1  }
0x65: {  	_ =	swait.ge @!p0 [sflag:s0], s1  }
0x66: {  	s1 =	ssub.s32 @!p0 $0x0, s1;
	[sflag:s0] =	ssyncset.done @!p0 $0x0  }
0x67: {  	[sflag:s0] =	ssyncadd.s32 @!p0 s1  }
0x68: {  	[bflag:$0x3] =	sbarrier.arrive $0xFFFF  }
0x69: {  	_ =	shalt  }

// kernel: sparse-core-data-format-call.4.cloned.1.call-start
scs
called_computation.4_lowered:
.L_overlay_start_0:
0x0: {  	s2 =	sld [smem:$0x3FD9]  }
0x1: {  	s3 =	sld [smem:$0x3FFE];
	_ =	sdelay $0x1  }
0x2: {  	s1 =	srdreg.scid  }
0x3: {  	s0 =	sand.u32 $0x1, s1  }
0x4: {  	s18 =	sshll.u32 s0, $0xA;
	s2 =	sadd.s32 s3, s2  }
0x5: {  	s2 =	sadd.s32 s2, s18  }
0x6: {  	[smem:$0x3FBE] =	sst s2  }
0x7: {  	_ = 	snop  }
0x8: {  	(tm) =	ssettm $0x1  }
0x9: {  	s19 =	sld [smem:$0x3FFB];
	_ =	sdelay $0x3  }
0xa: {  	_ =	strace s19  }
0xb: {  	s2 =	sld [smem:$0x3FFC];
	_ =	sdelay $0x3  }
0xc: {  	_ =	strace s2  }
0xd: {  	s2 =	sld [smem:$0x3FFD];
	_ =	sdelay $0x3  }
0xe: {  	_ =	strace s2  }
0xf: {  	_ =	strace $0x8FFFFFFF  }
0x10: {  	s20 =	sld [smem:$0x3FDB];
	_ =	sdelay $0x1  }
0x11: {  	s21 =	simm.s32 $_scs_section_size  }
0x12: {  	s4 =	simm.s32 $_size__tile_overlayer_lowered;
	s5 =	simm.s32 $_tile_overlayer_lowered  }
0x13: {  	s6 =	simm.s32 $0x1BFF;
	s22 =	sshll.u32 s5, $0x1;
	s3 =	sadd.s32 s21, s20  }
0x14: {  	s23 =	simm.s32 $0x0;
	s4 =	sshll.u32 s4, $0x1;
	s5 =	sadd.s32 s22, s3  }
0x15: {  	[timem:s23], [sflag:s6] =	dma.local [hbm:s5], s4  }
0x16: {  	_ =	swait.ge [sflag:s6], s4  }
0x17: {  	s4 =	ssub.s32 $0x0, s4;
	[sflag:s6] =	ssyncset.done $0x0  }
0x18: {  	[sflag:s6] =	ssyncadd.s32 s4;
	_ =	sdelay $0x1  }
0x19: {  	s24 =	simm.s32 $0x1B8B  }
0x1a: {  	_ =	swait.ge [sflag:s24], $0x1  }
0x1b: {  	[sflag:s24] =	ssyncset.done $0x0  }
0x1c: {  	[sflag:s24] =	ssyncadd.s32 $0xFFFFFFFF  }
0x1d: {  	s4 =	sld [smem:$0x0]  }
0x1e: {  	s5 =	sand.u32 $0xFFFFFFFE, s1  }
0x1f: {  	p0 =	sne.s32 s1, s5  }
0x20: {  	s5 =	sshll.u32 @p0 s5, $0xE  }
0x21: {  	s5 =	sadd.s32 @p0 $0x11B8D, s5;
	s6 =	sshll.u32 @p0 s4, $0x11  }
0x22: {  	s5 =	sor.u32 @p0 s6, s5  }
0x23: {  	[sflag:s5] =	ssyncadd.remote.s32 @p0 $0x1;
	_ =	sdelay $0x1  }
0x24: {  	s5 =	simm.s32 @p0 $0x1B8D  }
0x25: {  	_ =	swait.eq @p0 [sflag:s5], $0x1  }
0x26: {  	[sflag:s5] =	ssyncadd.s32 @p0 $0xFFFFFFFF  }
0x27: {  	s6 =	sshll.u32 @!p0 s1, $0xE  }
0x28: {  	s6 =	sor.u32 @!p0 $0x4000, s6;
	s5 =	simm.s32 @!p0 $0x1B8D  }
0x29: {  	s4 =	sshll.u32 @!p0 s4, $0x11;
	s6 =	sadd.s32 @!p0 $0x11B8D, s6;
	_ =	swait.eq @!p0 [sflag:s5], $0x1  }
0x2a: {  	s4 =	sor.u32 @!p0 s4, s6;
	[sflag:s5] =	ssyncadd.s32 @!p0 $0xFFFFFFFF  }
0x2b: {  	s26 =	simm.s32 $0x1B8E;
	s25 =	sld [smem:$0x3FFE];
	[sflag:s4] =	ssyncadd.remote.s32 @!p0 $0x1  }
0x2c: {  	s27 =	simm.s32 $execute0_lowered;
	[smem:$0x3FD2] =	sst s26  }
0x2d: {  	s5 =	sshll.u32 s27, $0x1;
	_ =	strace $0x8000004F;
	[dreg:$0x1] =	wrdreg $0xFFFFFFFF  }
0x2e: {  	s28 =	simm.s32 $_size_execute0_lowered;
	s3 =	sadd.s32 s3, s5;
	[dreg:$0x0] =	wrdreg $0x0  }
0x2f: {  	s5 =	sshll.u32 s28, $0x1;
	[dreg:$0x2] =	wrdreg s3  }
0x30: {  	[dreg:$0x3] =	wrdreg s5  }
0x31: {  	[dreg:$0x4] =	wrdreg $0xC0  }
0x32: {  	_ =	task [dreg:s23], $0x5FFFF  }
0x33: {  	[dreg:$0x1] =	wrdreg $0xFFFFFFFF  }
0x34: {  	[dreg:$0x0] =	wrdreg $0x60  }
0x35: {  	[dreg:$0x2] =	wrdreg s25  }
0x36: {  	[dreg:$0x3] =	wrdreg $0xA  }
0x37: {  	_ =	task.clear_ibuf [dreg:s23], $0x4FFFF;
	_ =	strace $0x9000004F  }
0x38: {  	s29 =	simm.s32 $0xA;
	_ =	strace $0x80000051  }
0x39: {  	_ =	swait.ge [sflag:s29], $0x1  }
0x3a: {  	[sflag:s29] =	ssyncadd.s32 $0xFFFFFFFF  }
0x3b: {  	_ =	strace $0x90000051  }
0x3c: {  	_ =	sfence  }
0x3d: {  	s30 =	sld [smem:$0x0];
	_ =	sdelay $0x2  }
0x3e: {  	s31 =	sshll.u32 s1, $0xD;
	s1 =	sshrl.u32 s1, $0x2  }
0x3f: {  	s4 =	sand.u32 $0x4000, s31;
	s1 =	sadd.s32 s1, s30  }
0x40: {  	s0 =	sor.u32 s4, s0;
	s1 =	sshll.u32 s1, $0x11  }
0x41: {  	s0 =	sor.u32 s1, s0  }
0x42: {  	s0 =	sadd.s32 $0x8F2B, s0  }
0x43: {  	[sflag:s0] =	ssyncadd.remote.s32 $0x1  }
0x44: {  	_ =	sfence.sel $0xFFFF  }
0x45: {  	[dreg:$0x0] =	wrdreg $0xFFFFFFFF;
	(pc) =	sbr.abs _section_cstart, $3  }
0x46: {  	[dreg:$0x1] =	wrdreg $0xFFFFFFFF  }
0x47: {  	_ =	task.clear_ibuf [dreg:s23], $0x2FFFF;
	_ =	strace $0x9FFFFFFF  }
0x48: {  	(tm) =	ssettm $0x7FFFFFFF  }
0x49: {  	_ =	shalt  }
tec
execute0_lowered:
.L_overlay_start_1:
0x0: {  	(tag) =	ssettag $0x1  }
0x1: {  	s0 =	srdreg.scid;
	s6 =	rddreg [dreg:$0x0]  }
0x2: {  	s1 =	stileid.u32;
	s4 =	simm.s32 $0x1;
	s0 =	sshll.u32 s0, $0x4  }
0x3: {  	s7 =	simm.s32 $0x2;
	s11 =	simm.s32 $0x0;
	s2 =	sand.u32 $0x10, s0  }
.Ltmp0:
0x4: {  	s8 =	simm.s32 $0x1E8800;
	s2 =	sor.u32 s1, s2;
	(pc) =	sbr.rel .LBB1_1-.Ltmp0, $4  }
0x5: {  	s10 =	simm.s32 $0x0;
	s3 =	sadd.s32 $0x2400, s6;
	s2 =	sshll.u32 s2, $0x7  }
0x6: {  	s0 =	rddreg [dreg:$0x1];
	_ =	strace $0x80000050;
	s5 =	ssub.s32 $0x3D080, s2  }
0x7: {  	s6 =	sadd.s32 $0x7A3600, s6;
	[sflag:s4] =	ssyncpa.u1 $0x0;
	s5 =	sshrl.u32 s5, $0xC  }
0x8: {  	[sflag:s7] =	ssyncpa.u1 $0x0;
	s9 =	smov.u32 s2;
	s7 =	sor.u32 $0x2, s5  }
.LBB1_7:
0x9: {  	s13 =	sadd.s32 $0x1000, s9  }
0xa: {  	p1 =	sgt.s32 s13, $0x3D08F  }
0xb: {  	s13 =	smov.u32 @p1 s2;
	p1 =	sne.s32 s10, s7  }
.Ltmp1:
0xc: {  	p0 =	slt.u32 s10, $0x2;
	(pc) =	sbr.rel @!p1 .LBB1_8-.Ltmp1, $4  }
0xd: {  	s12 =	simm.s32 @!p0 $0x2  }
0xe: {  	_ =	swait.ge @!p0 [sflag:s12], $0x4000  }
0xf: {  	s14 =	sadd.s32 $0x1, s10;
	s11 =	smov.u32 s9;
	[sflag:s12] =	ssyncset.done @!p0 $0x0  }
0x10: {  	s10 =	smov.u32 s14;
	s9 =	smov.u32 s13;
	[sflag:s12] =	ssyncadd.s32 @!p0 $0xFFFFC000  }
.LBB1_1:
0x11: {  	p0 =	sgt.u32 s10, s5  }
0x12: {  	p1 =	sgt.s32 @!p0 s9, $0x3D010  }
0x13: {  	s12 =	smov.u32 s9;
	s13 =	sshra.s32 @!p0 s9, $0x1F;
	p1 =	por !p1, p0  }
0x14: {  	s13 =	sand.u32 @!p0 s13, s9;
	s12 =	simm.s32 @p1 $0x3D010  }
0x15: {  	s12 =	ssub.s32 @!p0 s12, s13  }
0x16: {  	s14 =	sxor.u32 @!p0 $0xFFFFFFFF, s10;
	s12 =	sadd.s32 @!p0 $0xFFFC2FF0, s12  }
0x17: {  	s15 =	simm.s32 @!p0 $0x40;
	s16 =	simm.s32 @!p0 $0x80;
	s13 =	sshll.u32 @!p0 s12, $0x9  }
0x18: {  	p1 =	sgt.s32 @!p0 s12, $0x7F;
	s12 =	ssub.s32 @!p0 $0x10000, s13;
	s13 =	sshll.u32 @!p0 s14, $0xE  }
0x19: {  	p1 =	por !p1, p0;
	s14 =	sshll.u32 @!p0 s9, $0x5;
	s12 =	sshrl.u32 @!p0 s12, $0x2  }
0x1a: {  	s13 =	sand.u32 @!p0 $0x4000, s13;
	s14 =	sadd.s32 @!p0 s3, s14;
	s12 =	simm.s32 @!p1 $0x0  }
0x1b: {  	[tilespmem:s13], [sflag:$0x1] =	stream.strided.gather @!p0 [hbm4b:s14+s15], s12, s16, s15, $0x38;
	[tilespmem:$0x10100] =	vst v63  }
0x1c: {  	p0 =	seq.s32 s10, $0x0  }
0x1d: {  	p1 =	sge.u32 @!p0 s10, s7  }
0x1e: {  	p0 =	por p0, p1  }
.Ltmp2:
0x1f: {  	_ = 	snop;
	(pc) =	sbr.rel @p0 .LBB1_7-.Ltmp2, $1  }
0x20: {  	_ =	sdelay $0x3  }
0x21: {  	p0 =	sgt.s32 s11, $0x3D010;
	s12 =	smov.u32 s11;
	s13 =	sshra.s32 s11, $0x1F  }
0x22: {  	s12 =	simm.s32 @!p0 $0x3D010;
	s13 =	sand.u32 s13, s11  }
0x23: {  	s12 =	ssub.s32 s12, s13  }
0x24: {  	s12 =	sadd.s32 $0xFFFC2FF0, s12  }
0x25: {  	s29 =	sshll.u32 s12, $0x9  }
0x26: {  	s30 =	sand.u32 $0x1, s10;
	s13 =	ssub.s32 $0x10000, s29  }
0x27: {  	s14 =	smul.u32 $0x10200, s30;
	p0 =	sgt.s32 s12, $0x7F;
	s12 =	sshrl.u32 s13, $0x2  }
0x28: {  	s12 =	simm.s32 @p0 $0x0  }
0x29: {  	s31 =	sshrl.u32 s14, $0x2;
	_ =	swait.ge [sflag:s4], s12  }
0x2a: {  	s14 =	simm.s32 $0x0;
	s12 =	ssub.s32 $0x0, s12;
	[sflag:s4] =	ssyncset.done $0x0  }
0x2b: {  	s13 =	sshll.u32 s30, $0xE;
	[sflag:s4] =	ssyncadd.s32 s12;
	s12 =	sor.u32 $0x8000, s31  }
.LBB1_3:
0x2c: {  	s15 =	sshll.u32 s14, $0x7  }
0x2d: {  	s15 =	sand.u32 $0x3FFFFF80, s15  }
0x2e: {  	s15 =	sadd.s32 s15, s13  }
0x2f: {  	v0 =	vmov s15;
	_ =	sdelay $0x1  }
0x30: {  	p0 =	por $0x1, $0x1;
	s15 =	simm.s32 $0x0  }
.LBB1_4:
0x31: {  	s16 =	sshll.u32 s15, $0x6  }
0x32: {  	s16 =	sand.u32 $0x3FFFFFC0, s16  }
0x33: {  	s31 =	smul.u32 $0x8100, s15;
	v1 =	vld.idx.msk [tilespmem:v0+s16+$0x0 ss:$0x1], $0xffff  }
0x34: {  	v2 =	vld.idx.msk [tilespmem:v0+s16+$0x10 ss:$0x1], $0xffff  }
0x35: {  	s15 =	sshra.s32 s31, $0x2;
	v3 =	vld.idx.msk [tilespmem:v0+s16+$0x20 ss:$0x1], $0xffff  }
0x36: {  	p1 =	por p0, p0;
	v4 =	vld.idx.msk [tilespmem:v0+s16+$0x30 ss:$0x1], $0xffff;
	s15 =	sadd.s32 s15, s12  }
.Ltmp3:
0x37: {  	s15 =	sadd.s32 s14, s15;
	(pc) =	sbr.rel @p1 .LBB1_4-.Ltmp3, $4  }
0x38: {  	[tilespmem:s15+$0x0 ss:$0x81] =	vst.msk $0xffff, v1  }
0x39: {  	[tilespmem:s15+$0x810 ss:$0x81] =	vst.msk $0xffff, v2  }
0x3a: {  	[tilespmem:s15+$0x1020 ss:$0x81] =	vst.msk $0xffff, v3  }
0x3b: {  	p0 =	por $0x0, $0x0;
	[tilespmem:s15+$0x1830 ss:$0x81] =	vst.msk $0xffff, v4;
	s15 =	simm.s32 $0x1  }
0x3c: {  	s14 =	sadd.s32 $0x1, s14  }
0x3d: {  	p0 =	sne.s32 s14, $0x80  }
.Ltmp4:
0x3e: {  	_ = 	snop;
	(pc) =	sbr.rel @p0 .LBB1_3-.Ltmp4, $1  }
0x3f: {  	_ =	sdelay $0x3  }
0x40: {  	s13 =	sshll.u32 s11, $0x3  }
0x41: {  	s13 =	sand.u32 $0xFFFFFC00, s13  }
0x42: {  	s14 =	sshrl.u32 s13, $0x8  }
0x43: {  	s14 =	smulhi.u32 $0x10C50B5, s14;
	_ =	sdelay $0x1  }
0x44: {  	s14 =	sshrl.u32 s14, $0x2  }
0x45: {  	s29 =	sand.u32 $0x7F, s11;
	s15 =	smul.u32 $0x3D100, s14  }
0x46: {  	s11 =	sor.u32 s29, s13  }
.Ltmp5:
0x47: {  	s30 =	sand.u32 $0x3F, s14;
	s11 =	ssub.s32 s11, s15;
	(pc) =	sbr.rel .LBB1_7-.Ltmp5, $4  }
0x48: {  	s13 =	smul.u32 $0x7A20, s30;
	s31 =	sshrl.u32 s11, $0x3;
	s11 =	sand.u32 $0x7, s11  }
0x49: {  	s14 =	sadd.s32 s6, s31;
	s11 =	sshll.u32 s11, $0x12  }
0x4a: {  	s13 =	sadd.s32 s13, s14;
	s11 =	sor.u32 $0x400, s11  }
0x4b: {  	[hbm4b:s13+s11] =	stream.strided.scatter [tilespmem:s12], [sflag:$0x2], $0x4000, s8, s11, $0x20;
	[tilespmem:$0x10100] =	vst v63  }
.LBB1_8:
0x4c: {  	_ =	sfence.sel $0x180000  }
0x4d: {  	s2 =	simm.s32 $0x1;
	[bflag:$0x0] =	sbarrier.arrive $0xFFFF  }
0x4e: {  	s31 =	simm.s32 $0x2;
	[sflag:s2] =	ssyncpa.u1 $0x1  }
0x4f: {  	[sflag:s31] =	ssyncpa.u1 $0x1  }
0x50: {  	p0 =	sne.s32 s1, $0x0;
	_ =	strace $0x90000050  }
0x51: {  	s0 =	sadd.s32 @!p0 $0x100000, s0;
	[bflag:$0x2] =	sbarrier.arrive $0xFFFF  }
0x52: {  	[sflag:s0] =	ssyncadd.tile.s32 @!p0 $0x1;
	_ =	shalt  }
.Lfunc_end1:
_tile_overlayer_lowered:
.L_overlay_start_2:
0x53: {  	(tag) =	ssettag $0x2  }
0x54: {  	s0 =	rddreg [dreg:$0x0];
	s2 =	stileid.u32  }
0x55: {  	s1 =	rddreg [dreg:$0x1];
	p0 =	sne.s32 s2, $0x0  }
0x56: {  	s3 =	rddreg [dreg:$0x2];
	[bflag:$0x3] =	sbarrier.arrive $0xFFFF;
	s2 =	simm.s32 @!p0 $0x1C01  }
0x57: {  	[timem:s3], [sflag:s2] =	dma.local @!p0 [hbm:s0], s1  }
0x58: {  	s0 =	simm.s32 @!p0 $0x1  }
0x59: {  	_ =	swait.ge @!p0 [sflag:s0], s1  }
0x5a: {  	s1 =	ssub.s32 @!p0 $0x0, s1;
	[sflag:s0] =	ssyncset.done @!p0 $0x0  }
0x5b: {  	[sflag:s0] =	ssyncadd.s32 @!p0 s1  }
0x5c: {  	[bflag:$0x3] =	sbarrier.arrive $0xFFFF  }
0x5d: {  	_ =	shalt  }

// kernel: sparse-core-data-format-call.5.cloned.1.call-start
scs
called_computation.5_lowered:
.L_overlay_start_0:
0x0: {  	s1 =	sld [smem:$0x3FD9]  }
0x1: {  	s2 =	sld [smem:$0x3FFE];
	_ =	sdelay $0x1  }
0x2: {  	s3 =	srdreg.scid  }
0x3: {  	s0 =	sand.u32 $0x1, s3  }
0x4: {  	s17 =	sshll.u32 s0, $0xA;
	s1 =	sadd.s32 s2, s1  }
0x5: {  	s1 =	sadd.s32 s1, s17  }
0x6: {  	[smem:$0x3FBE] =	sst s1  }
0x7: {  	_ = 	snop  }
0x8: {  	(tm) =	ssettm $0x1  }
0x9: {  	s18 =	sld [smem:$0x3FFB];
	_ =	sdelay $0x3  }
0xa: {  	_ =	strace s18  }
0xb: {  	s1 =	sld [smem:$0x3FFC];
	_ =	sdelay $0x3  }
0xc: {  	_ =	strace s1  }
0xd: {  	s1 =	sld [smem:$0x3FFD];
	_ =	sdelay $0x3  }
0xe: {  	_ =	strace s1  }
0xf: {  	_ =	strace $0x8FFFFFFF  }
0x10: {  	s19 =	sld [smem:$0x3FDB];
	_ =	sdelay $0x1  }
0x11: {  	s20 =	simm.s32 $_scs_section_size  }
0x12: {  	s4 =	simm.s32 $_size__tile_overlayer_lowered;
	s5 =	simm.s32 $_tile_overlayer_lowered  }
0x13: {  	s23 =	simm.s32 $0x1BFF;
	s22 =	sshll.u32 s5, $0x1;
	s1 =	sadd.s32 s20, s19  }
0x14: {  	s6 =	simm.s32 $0x0;
	s21 =	sshll.u32 s4, $0x1;
	s4 =	sadd.s32 s22, s1  }
0x15: {  	[timem:s6], [sflag:s23] =	dma.local [hbm:s4], s21  }
0x16: {  	_ =	swait.ge [sflag:s23], s21  }
0x17: {  	s2 =	ssub.s32 $0x0, s21;
	[sflag:s23] =	ssyncset.done $0x0  }
0x18: {  	[sflag:s23] =	ssyncadd.s32 s2;
	_ =	sdelay $0x1  }
0x19: {  	s24 =	simm.s32 $0x1B8B  }
0x1a: {  	_ =	swait.ge [sflag:s24], $0x1  }
0x1b: {  	[sflag:s24] =	ssyncset.done $0x0  }
0x1c: {  	s26 =	simm.s32 $0x1B8E;
	s25 =	sld [smem:$0x3FFE];
	[sflag:s24] =	ssyncadd.s32 $0xFFFFFFFF  }
0x1d: {  	s27 =	simm.s32 $execute0_lowered;
	[smem:$0x3FD2] =	sst s26  }
0x1e: {  	s4 =	sshll.u32 s27, $0x1;
	_ =	strace $0x80000046;
	[dreg:$0x1] =	wrdreg $0xFFFFFFFF  }
0x1f: {  	s28 =	simm.s32 $_size_execute0_lowered;
	s1 =	sadd.s32 s1, s4;
	[dreg:$0x0] =	wrdreg $0x0  }
0x20: {  	s4 =	sshll.u32 s28, $0x1;
	[dreg:$0x2] =	wrdreg s1  }
0x21: {  	[dreg:$0x3] =	wrdreg s4  }
0x22: {  	[dreg:$0x4] =	wrdreg $0xC0  }
0x23: {  	_ =	task [dreg:s6], $0x5FFFF  }
0x24: {  	[dreg:$0x1] =	wrdreg $0xFFFFFFFF  }
0x25: {  	[dreg:$0x0] =	wrdreg $0x60  }
0x26: {  	[dreg:$0x2] =	wrdreg s25  }
0x27: {  	[dreg:$0x3] =	wrdreg $0xA  }
0x28: {  	_ =	task.clear_ibuf [dreg:s6], $0x4FFFF;
	_ =	strace $0x90000046  }
0x29: {  	s29 =	simm.s32 $0xA;
	_ =	strace $0x80000048  }
0x2a: {  	_ =	swait.ge [sflag:s29], $0x1  }
0x2b: {  	[sflag:s29] =	ssyncadd.s32 $0xFFFFFFFF  }
0x2c: {  	_ =	strace $0x90000048  }
0x2d: {  	_ =	sfence  }
0x2e: {  	s30 =	sld [smem:$0x0];
	_ =	sdelay $0x2  }
0x2f: {  	s31 =	sshll.u32 s3, $0xD;
	s3 =	sshrl.u32 s3, $0x2  }
0x30: {  	s2 =	sand.u32 $0x4000, s31;
	s1 =	sadd.s32 s3, s30  }
0x31: {  	s0 =	sor.u32 s2, s0;
	s1 =	sshll.u32 s1, $0x11  }
0x32: {  	s0 =	sor.u32 s1, s0  }
0x33: {  	s0 =	sadd.s32 $0x8F2B, s0  }
0x34: {  	[sflag:s0] =	ssyncadd.remote.s32 $0x1  }
0x35: {  	_ =	sfence.sel $0xFFFF  }
0x36: {  	[dreg:$0x0] =	wrdreg $0xFFFFFFFF;
	(pc) =	sbr.abs _section_cstart, $3  }
0x37: {  	[dreg:$0x1] =	wrdreg $0xFFFFFFFF  }
0x38: {  	_ =	task.clear_ibuf [dreg:s6], $0x2FFFF;
	_ =	strace $0x9FFFFFFF  }
0x39: {  	(tm) =	ssettm $0x7FFFFFFF  }
tec
execute0_lowered:
.L_overlay_start_1:
0x0: {  	(tag) =	ssettag $0x1  }
0x1: {  	s0 =	srdreg.scid  }
0x2: {  	s5 =	rddreg [dreg:$0x0];
	s1 =	stileid.u32;
	s4 =	simm.s32 $0x1  }
0x3: {  	s6 =	simm.s32 $0x2;
	s15 =	simm.s32 $0x0;
	p0 =	por $0x0, $0x0  }
0x4: {  	s8 =	simm.s32 $0x80;
	s14 =	simm.s32 $0x0;
	s2 =	sshll.u32 s0, $0x4  }
0x5: {  	s9 =	simm.s32 $0x0;
	s10 =	simm.s32 $0x0;
	s2 =	sand.u32 $0x10, s2  }
.Ltmp0:
0x6: {  	s12 =	simm.s32 $0x0;
	s3 =	sor.u32 s1, s2;
	(pc) =	sbr.rel .LBB1_1-.Ltmp0, $4  }
0x7: {  	s0 =	rddreg [dreg:$0x1];
	_ =	strace $0x80000047;
	s3 =	sshll.u32 s3, $0x7  }
0x8: {  	s13 =	simm.s32 $0x0;
	[sflag:s4] =	ssyncpa.u1 $0x0;
	s7 =	ssub.s32 $0xF4200, s3  }
0x9: {  	s2 =	sadd.s32 $0x2400, s5;
	[sflag:s6] =	ssyncpa.u1 $0x0;
	s6 =	sshrl.u32 s7, $0xC  }
0xa: {  	s5 =	sadd.s32 $0x7A3800, s5;
	s11 =	smov.u32 s3;
	s7 =	sadd.s32 $0x2, s6  }
.LBB1_5:
0xb: {  	p1 =	slt.u32 s13, $0x2  }
0xc: {  	s17 =	smov.u32 s15;
	p2 =	sgt.s32 @!p1 s15, $0xF41C0;
	s16 =	sshra.s32 @!p1 s15, $0x1F  }
0xd: {  	p3 =	sgt.s32 @!p1 s14, $0x40;
	s18 =	sshra.s32 @!p1 s14, $0x1F;
	p2 =	por !p2, p1  }
0xe: {  	s15 =	sand.u32 @!p1 s16, s15;
	p3 =	por !p3, p1;
	s16 =	smov.u32 s14  }
0xf: {  	s14 =	sand.u32 @!p1 s18, s14;
	s17 =	simm.s32 @p2 $0xF41C0;
	s16 =	simm.s32 @p3 $0x40  }
0x10: {  	s15 =	ssub.s32 @!p1 s17, s15;
	s14 =	ssub.s32 @!p1 s16, s14  }
0x11: {  	s18 =	smov.u32 s12;
	s16 =	sadd.s32 @!p1 $0xFFF0BE40, s15;
	s17 =	sadd.s32 @!p1 $0xFFFFFFC0, s14  }
0x12: {  	s15 =	ssub.s32 @!p1 $0xF4240, s15;
	p2 =	sgt.s32 @!p1 s16, $0x7F;
	p3 =	sgt.s32 @!p1 s17, $0x3F  }
0x13: {  	s14 =	ssub.s32 @!p1 $0x80, s14;
	p2 =	por !p2, p1;
	p3 =	por !p3, p1  }
0x14: {  	s16 =	sadd.s32 $0x1000, s11;
	s15 =	simm.s32 @!p2 $0x0;
	s14 =	simm.s32 @!p3 $0x0  }
0x15: {  	p2 =	sgt.s32 s16, $0xF423F;
	s14 =	smul.u32 @!p1 s14, s15;
	s15 =	sadd.s32 $0x40, s12  }
0x16: {  	s18 =	smov.u32 @p2 s15  }
0x17: {  	s16 =	smov.u32 @p2 s3;
	p2 =	sgt.s32 s18, $0x3F  }
0x18: {  	s18 =	simm.s32 @p2 $0x0;
	p2 =	sne.s32 s13, s7  }
.Ltmp1:
0x19: {  	p0 =	por !p0, !p0;
	s17 =	simm.s32 @!p1 $0x2;
	(pc) =	sbr.rel @!p2 .LBB1_6-.Ltmp1, $4  }
0x1a: {  	s15 =	smov.u32 s9;
	s9 =	smov.u32 s11;
	s14 =	sand.u32 @!p1 $0x3FFFFFFF, s14  }
0x1b: {  	s11 =	smov.u32 s16;
	_ =	swait.ge @!p1 [sflag:s17], s14;
	s19 =	ssub.s32 @!p1 $0x0, s14  }
0x1c: {  	s14 =	smov.u32 s10;
	s13 =	sadd.s32 $0x1, s13;
	[sflag:s17] =	ssyncset.done @!p1 $0x0  }
0x1d: {  	s10 =	smov.u32 s12;
	s12 =	smov.u32 s18;
	[sflag:s17] =	ssyncadd.s32 @!p1 s19  }
.LBB1_1:
0x1e: {  	p1 =	sgt.u32 s13, s6  }
0x1f: {  	s16 =	sshrl.u32 @!p1 s12, $0x3  }
0x20: {  	s17 =	sshll.u32 @!p1 s11, $0x3;
	s16 =	smul.u32 @!p1 $0x7A1400, s16  }
0x21: {  	s18 =	sshll.u32 @!p1 s12, $0x7;
	s17 =	sand.u32 @!p1 $0xFFFFFC00, s17  }
0x22: {  	s16 =	sadd.s32 @!p1 s16, s17;
	s17 =	sand.u32 @!p1 $0x380, s18  }
0x23: {  	s18 =	sand.u32 @!p1 $0x7F, s11;
	s16 =	sor.u32 @!p1 s17, s16  }
0x24: {  	s17 =	sor.u32 @!p1 s18, s16  }
0x25: {  	s18 =	smulhi.u32 @!p1 $0x218D6287, s17;
	_ =	sdelay $0x1  }
0x26: {  	s16 =	smulhi.u32 @!p1 $0x218D6287, s16;
	s18 =	sshrl.u32 @!p1 s18, $0x11  }
0x27: {  	s18 =	smul.u32 @!p1 $0xF4280, s18  }
0x28: {  	s19 =	sxor.u32 @!p1 $0xFFFFFFFF, s13;
	s16 =	sshrl.u32 @!p1 s16, $0x11  }
0x29: {  	s19 =	sshll.u32 @!p1 s19, $0xD;
	s16 =	sand.u32 @!p1 $0x3F, s16;
	s17 =	ssub.s32 @!p1 s17, s18  }
0x2a: {  	s16 =	smul.u32 @!p1 $0x1E850, s16;
	s18 =	sshrl.u32 @!p1 s17, $0x3;
	s17 =	sand.u32 @!p1 $0x7, s17  }
0x2b: {  	s19 =	sand.u32 @!p1 $0x2000, s19;
	s18 =	sadd.s32 @!p1 s2, s18;
	s17 =	sshll.u32 @!p1 s17, $0x12  }
0x2c: {  	s16 =	sadd.s32 @!p1 s16, s18;
	s17 =	sor.u32 @!p1 $0x400, s17;
	s18 =	simm.s32 @!p1 $0x7A1400  }
0x2d: {  	[tilespmem:s19], [sflag:$0x1] =	stream.strided.gather @!p1 [hbm4b:s16+s17], $0x2000, s18, s17, $0x38;
	[tilespmem:$0x8100] =	vst v63  }
0x2e: {  	p1 =	seq.s32 s13, $0x0  }
0x2f: {  	p2 =	sge.u32 @!p1 s13, s7  }
0x30: {  	p1 =	por p1, p2  }
.Ltmp2:
0x31: {  	_ = 	snop;
	(pc) =	sbr.rel @p1 .LBB1_5-.Ltmp2, $1  }
0x32: {  	_ =	sdelay $0x3  }
0x33: {  	s16 =	simm.s32 $0x1  }
0x34: {  	_ =	swait.ge [sflag:s4], $0x2000;
	s16 =	simm.s32 @!p0 $0x0  }
0x35: {  	[sflag:s4] =	ssyncset.done $0x0;
	s17 =	sshll.u32 s16, $0xD  }
0x36: {  	[sflag:s4] =	ssyncadd.s32 $0xFFFFE000;
	s17 =	sor.u32 $0x40, s17  }
0x37: {  	s16 =	smul.u32 $0x8200, s16;
	v0 =	vld [tilespmem:s17+$0x30]  }
0x38: {  	v1 =	vld [tilespmem:s17+$0xFFFFFFD0]  }
0x39: {  	s16 =	sshrl.u32 s16, $0x2;
	v5 =	vld [tilespmem:s17+$0xFFFFFFE0]  }
0x3a: {  	v6 =	vld [tilespmem:s17+$0xFFFFFFF0];
	s19 =	sor.u32 $0x4000, s16  }
0x3b: {  	s31 =	sand.u32 $0x1, s13;
	v4 =	vld [tilespmem:s17+$0x0];
	s18 =	sadd.s32 $0x0, s19  }
0x3c: {  	v3 =	vld [tilespmem:s17+$0x10];
	s16 =	smul.u32 $0x8200, s31;
	[tilespmem:s18+$0x1C70 ss:$0x41] =	vst.msk $0xffff, v0  }
0x3d: {  	v2 =	vld [tilespmem:s17+$0x20];
	[tilespmem:s18+$0x410 ss:$0x41] =	vst.msk $0xffff, v1  }
0x3e: {  	s16 =	sshrl.u32 s16, $0x2;
	v1 =	vld [tilespmem:s17+$0xFFFFFFC0];
	[tilespmem:s18+$0x820 ss:$0x41] =	vst.msk $0xffff, v5;
	s17 =	sadd.s32 $0x80, s17  }
0x3f: {  	s20 =	simm.s32 $0x4;
	s21 =	simm.s32 $0x8;
	s16 =	sor.u32 $0x4000, s16;
	[tilespmem:s18+$0xC30 ss:$0x41] =	vst.msk $0xffff, v6;
	v0 =	vld [tilespmem:s17+$0x30]  }
.LBB1_3:
0x40: {  	p1 =	sne.s32 s21, $0xFC;
	v5 =	vld [tilespmem:s17+$0xFFFFFFD0];
	[tilespmem:s18+$0x1040 ss:$0x41] =	vst.msk $0xffff, v4  }
0x41: {  	v6 =	vld [tilespmem:s17+$0xFFFFFFE0];
	[tilespmem:s18+$0x1450 ss:$0x41] =	vst.msk $0xffff, v3  }
0x42: {  	s22 =	sshra.s32 s20, $0x2;
	s20 =	smov.u32 s21;
	v7 =	vld [tilespmem:s17+$0xFFFFFFF0];
	[tilespmem:s18+$0x1860 ss:$0x41] =	vst.msk $0xffff, v2  }
.Ltmp3:
0x43: {  	v4 =	vld [tilespmem:s17+$0x0];
	[tilespmem:s18+$0x0 ss:$0x41] =	vst.msk $0xffff, v1;
	s18 =	sadd.s32 s22, s19;
	(pc) =	sbr.rel @p1 .LBB1_3-.Ltmp3, $4  }
0x44: {  	v3 =	vld [tilespmem:s17+$0x10];
	[tilespmem:s18+$0x1C70 ss:$0x41] =	vst.msk $0xffff, v0  }
0x45: {  	[tilespmem:s18+$0x410 ss:$0x41] =	vst.msk $0xffff, v5;
	v2 =	vld [tilespmem:s17+$0x20]  }
0x46: {  	v1 =	vld [tilespmem:s17+$0xFFFFFFC0];
	[tilespmem:s18+$0x820 ss:$0x41] =	vst.msk $0xffff, v6;
	s17 =	sadd.s32 $0x80, s17  }
0x47: {  	s21 =	sadd.s32 $0x4, s21;
	v0 =	vld [tilespmem:s17+$0x30];
	[tilespmem:s18+$0xC30 ss:$0x41] =	vst.msk $0xffff, v7  }
0x48: {  	s21 =	sshll.u32 s9, $0x7;
	s22 =	sshll.u32 s10, $0x3;
	s20 =	sshra.s32 s20, $0x2  }
0x49: {  	p1 =	sgt.s32 s9, $0xF41C0;
	s30 =	sshra.s32 s9, $0x1F;
	s25 =	sshra.s32 s10, $0x1F  }
0x4a: {  	v5 =	vld [tilespmem:s17+$0xFFFFFFD0];
	s28 =	sshrl.u32 s10, $0x3;
	s23 =	sand.u32 $0xFFFFFC00, s21;
	s22 =	sand.u32 $0xFFFFFC00, s22  }
0x4b: {  	[tilespmem:s18+$0x1040 ss:$0x41] =	vst.msk $0xffff, v4;
	v58 =	vld [tilespmem:s17+$0xFFFFFFE0];
	s21 =	sand.u32 $0x380, s21;
	s19 =	sadd.s32 s20, s19;
	s22 =	sadd.s32 s22, s23  }
0x4c: {  	v59 =	vld [tilespmem:s17+$0xFFFFFFF0];
	[tilespmem:s18+$0x1450 ss:$0x41] =	vst.msk $0xffff, v3;
	s29 =	sor.u32 s21, s22;
	s21 =	smov.u32 s9;
	s22 =	sand.u32 s30, s9  }
0x4d: {  	v60 =	vld [tilespmem:s17+$0x0];
	[tilespmem:s18+$0x1860 ss:$0x41] =	vst.msk $0xffff, v2;
	s30 =	sand.u32 $0x7, s10;
	s20 =	sshrl.u32 s29, $0x7;
	s21 =	simm.s32 @!p1 $0xF41C0  }
0x4e: {  	v61 =	vld [tilespmem:s17+$0x10];
	[tilespmem:s18+$0x0 ss:$0x41] =	vst.msk $0xffff, v1;
	p1 =	sgt.s32 s10, $0x40;
	s24 =	ssub.s32 s21, s22;
	s21 =	smov.u32 s10  }
0x4f: {  	v62 =	vld [tilespmem:s17+$0x20];
	[tilespmem:s19+$0x1C70 ss:$0x41] =	vst.msk $0xffff, v0;
	s31 =	smulhi.u32 $0x218DEF5, s20;
	s22 =	sand.u32 s25, s10;
	s21 =	simm.s32 @!p1 $0x40  }
0x50: {  	v63 =	vld [tilespmem:s17+$0xFFFFFFC0];
	[tilespmem:s19+$0x410 ss:$0x41] =	vst.msk $0xffff, v5;
	s26 =	sadd.s32 $0xFFF0BE40, s24;
	s17 =	ssub.s32 $0xF4240, s24;
	s21 =	ssub.s32 s21, s22  }
0x51: {  	[tilespmem:s19+$0x820 ss:$0x41] =	vst.msk $0xffff, v58;
	s23 =	sshrl.u32 s31, $0xD;
	p1 =	sgt.s32 s26, $0x7F;
	s27 =	sadd.s32 $0xFFFFFFC0, s21  }
0x52: {  	[tilespmem:s19+$0xC30 ss:$0x41] =	vst.msk $0xffff, v59;
	s23 =	smul.u32 $0xF4240, s23;
	s18 =	ssub.s32 $0x80, s21;
	p2 =	sgt.s32 s27, $0x3F  }
.Ltmp4:
0x53: {  	[tilespmem:s19+$0x1040 ss:$0x41] =	vst.msk $0xffff, v60;
	s17 =	simm.s32 @p1 $0x0;
	s18 =	simm.s32 @p2 $0x0;
	(pc) =	sbr.rel .LBB1_5-.Ltmp4, $4  }
0x54: {  	s29 =	sand.u32 $0xF, s28;
	[tilespmem:s19+$0x1450 ss:$0x41] =	vst.msk $0xffff, v61;
	s20 =	ssub.s32 s20, s23;
	s17 =	smul.u32 s18, s17  }
0x55: {  	[tilespmem:s19+$0x1860 ss:$0x41] =	vst.msk $0xffff, v62;
	s21 =	sshll.u32 s30, $0x12;
	s20 =	sshll.u32 s20, $0x4;
	s18 =	sadd.s32 s5, s29  }
0x56: {  	[tilespmem:s19+$0x0 ss:$0x41] =	vst.msk $0xffff, v63;
	s31 =	sor.u32 $0x40, s21;
	s18 =	sadd.s32 s20, s18;
	s17 =	sand.u32 $0x3FFFFFFF, s17  }
0x57: {  	[hbm4b:s18+s31] =	stream.strided.scatter [tilespmem:s16], [sflag:$0x2], s17, s8, s31, $0x18;
	[tilespmem:$0x8100] =	vst v63  }
.LBB1_6:
0x58: {  	_ =	sfence.sel $0x180000  }
0x59: {  	s2 =	simm.s32 $0x1;
	[bflag:$0x0] =	sbarrier.arrive $0xFFFF  }
0x5a: {  	s31 =	simm.s32 $0x2;
	[sflag:s2] =	ssyncpa.u1 $0x1  }
0x5b: {  	[sflag:s31] =	ssyncpa.u1 $0x1  }
0x5c: {  	p0 =	sne.s32 s1, $0x0;
	_ =	strace $0x90000047  }
0x5d: {  	s0 =	sadd.s32 @!p0 $0x100000, s0;
	[bflag:$0x2] =	sbarrier.arrive $0xFFFF  }
0x5e: {  	[sflag:s0] =	ssyncadd.tile.s32 @!p0 $0x1;
	_ =	shalt  }
.Lfunc_end1:
_tile_overlayer_lowered:
.L_overlay_start_2:
0x5f: {  	(tag) =	ssettag $0x2  }
0x60: {  	s0 =	rddreg [dreg:$0x0];
	s2 =	stileid.u32  }
0x61: {  	s1 =	rddreg [dreg:$0x1];
	p0 =	sne.s32 s2, $0x0  }
0x62: {  	s3 =	rddreg [dreg:$0x2];
	[bflag:$0x3] =	sbarrier.arrive $0xFFFF;
	s2 =	simm.s32 @!p0 $0x1C01  }
0x63: {  	[timem:s3], [sflag:s2] =	dma.local @!p0 [hbm:s0], s1  }
0x64: {  	s0 =	simm.s32 @!p0 $0x1  }
0x65: {  	_ =	swait.ge @!p0 [sflag:s0], s1  }
0x66: {  	s1 =	ssub.s32 @!p0 $0x0, s1;
	[sflag:s0] =	ssyncset.done @!p0 $0x0  }
0x67: {  	[sflag:s0] =	ssyncadd.s32 @!p0 s1  }
0x68: {  	[bflag:$0x3] =	sbarrier.arrive $0xFFFF  }
0x69: {  	_ =	shalt  }

// kernel: sparse-core-data-format-call.cloned.1.call-start
scs
called_computation_lowered:
.L_overlay_start_0:
0x0: {  	s2 =	sld [smem:$0x3FD9]  }
0x1: {  	s3 =	sld [smem:$0x3FFE];
	_ =	sdelay $0x1  }
0x2: {  	s1 =	srdreg.scid  }
0x3: {  	s0 =	sand.u32 $0x1, s1  }
0x4: {  	s18 =	sshll.u32 s0, $0xA;
	s2 =	sadd.s32 s3, s2  }
0x5: {  	s2 =	sadd.s32 s2, s18  }
0x6: {  	[smem:$0x3FBE] =	sst s2  }
0x7: {  	_ = 	snop  }
0x8: {  	(tm) =	ssettm $0x1  }
0x9: {  	s19 =	sld [smem:$0x3FFB];
	_ =	sdelay $0x3  }
0xa: {  	_ =	strace s19  }
0xb: {  	s2 =	sld [smem:$0x3FFC];
	_ =	sdelay $0x3  }
0xc: {  	_ =	strace s2  }
0xd: {  	s2 =	sld [smem:$0x3FFD];
	_ =	sdelay $0x3  }
0xe: {  	_ =	strace s2  }
0xf: {  	_ =	strace $0x8FFFFFFF  }
0x10: {  	s20 =	sld [smem:$0x3FDB];
	_ =	sdelay $0x1  }
0x11: {  	s21 =	simm.s32 $_scs_section_size  }
0x12: {  	s4 =	simm.s32 $_size__tile_overlayer_lowered;
	s5 =	simm.s32 $_tile_overlayer_lowered  }
0x13: {  	s6 =	simm.s32 $0x1BFF;
	s22 =	sshll.u32 s5, $0x1;
	s3 =	sadd.s32 s21, s20  }
0x14: {  	s23 =	simm.s32 $0x0;
	s4 =	sshll.u32 s4, $0x1;
	s5 =	sadd.s32 s22, s3  }
0x15: {  	[timem:s23], [sflag:s6] =	dma.local [hbm:s5], s4  }
0x16: {  	_ =	swait.ge [sflag:s6], s4  }
0x17: {  	s4 =	ssub.s32 $0x0, s4;
	[sflag:s6] =	ssyncset.done $0x0  }
0x18: {  	[sflag:s6] =	ssyncadd.s32 s4;
	_ =	sdelay $0x1  }
0x19: {  	s24 =	simm.s32 $0x1B8B  }
0x1a: {  	_ =	swait.ge [sflag:s24], $0x1  }
0x1b: {  	[sflag:s24] =	ssyncset.done $0x0  }
0x1c: {  	[sflag:s24] =	ssyncadd.s32 $0xFFFFFFFF  }
0x1d: {  	s4 =	sld [smem:$0x0]  }
0x1e: {  	s5 =	sand.u32 $0xFFFFFFFE, s1  }
0x1f: {  	p0 =	sne.s32 s1, s5  }
0x20: {  	s5 =	sshll.u32 @p0 s5, $0xE  }
0x21: {  	s5 =	sadd.s32 @p0 $0x11B8D, s5;
	s6 =	sshll.u32 @p0 s4, $0x11  }
0x22: {  	s5 =	sor.u32 @p0 s6, s5  }
0x23: {  	[sflag:s5] =	ssyncadd.remote.s32 @p0 $0x1;
	_ =	sdelay $0x1  }
0x24: {  	s5 =	simm.s32 @p0 $0x1B8D  }
0x25: {  	_ =	swait.eq @p0 [sflag:s5], $0x1  }
0x26: {  	[sflag:s5] =	ssyncadd.s32 @p0 $0xFFFFFFFF  }
0x27: {  	s6 =	sshll.u32 @!p0 s1, $0xE  }
0x28: {  	s6 =	sor.u32 @!p0 $0x4000, s6;
	s5 =	simm.s32 @!p0 $0x1B8D  }
0x29: {  	s4 =	sshll.u32 @!p0 s4, $0x11;
	s6 =	sadd.s32 @!p0 $0x11B8D, s6;
	_ =	swait.eq @!p0 [sflag:s5], $0x1  }
0x2a: {  	s4 =	sor.u32 @!p0 s4, s6;
	[sflag:s5] =	ssyncadd.s32 @!p0 $0xFFFFFFFF  }
0x2b: {  	s26 =	simm.s32 $0x1B8E;
	s25 =	sld [smem:$0x3FFE];
	[sflag:s4] =	ssyncadd.remote.s32 @!p0 $0x1  }
0x2c: {  	s27 =	simm.s32 $execute0_lowered;
	[smem:$0x3FD2] =	sst s26  }
0x2d: {  	s5 =	sshll.u32 s27, $0x1;
	_ =	strace $0x80000055;
	[dreg:$0x1] =	wrdreg $0xFFFFFFFF  }
0x2e: {  	s28 =	simm.s32 $_size_execute0_lowered;
	s3 =	sadd.s32 s3, s5;
	[dreg:$0x0] =	wrdreg $0x0  }
0x2f: {  	s5 =	sshll.u32 s28, $0x1;
	[dreg:$0x2] =	wrdreg s3  }
0x30: {  	[dreg:$0x3] =	wrdreg s5  }
0x31: {  	[dreg:$0x4] =	wrdreg $0xC0  }
0x32: {  	_ =	task [dreg:s23], $0x5FFFF  }
0x33: {  	[dreg:$0x1] =	wrdreg $0xFFFFFFFF  }
0x34: {  	[dreg:$0x0] =	wrdreg $0x60  }
0x35: {  	[dreg:$0x2] =	wrdreg s25  }
0x36: {  	[dreg:$0x3] =	wrdreg $0x9  }
0x37: {  	_ =	task.clear_ibuf [dreg:s23], $0x4FFFF;
	_ =	strace $0x90000055  }
0x38: {  	s29 =	simm.s32 $0x9;
	_ =	strace $0x80000057  }
0x39: {  	_ =	swait.ge [sflag:s29], $0x1  }
0x3a: {  	[sflag:s29] =	ssyncadd.s32 $0xFFFFFFFF  }
0x3b: {  	_ =	strace $0x90000057  }
0x3c: {  	_ =	sfence  }
0x3d: {  	s30 =	sld [smem:$0x0];
	_ =	sdelay $0x2  }
0x3e: {  	s31 =	sshll.u32 s1, $0xD;
	s1 =	sshrl.u32 s1, $0x2  }
0x3f: {  	s4 =	sand.u32 $0x4000, s31;
	s1 =	sadd.s32 s1, s30  }
0x40: {  	s0 =	sor.u32 s4, s0;
	s1 =	sshll.u32 s1, $0x11  }
0x41: {  	s0 =	sor.u32 s1, s0  }
0x42: {  	s0 =	sadd.s32 $0x8F2B, s0  }
0x43: {  	[sflag:s0] =	ssyncadd.remote.s32 $0x1  }
0x44: {  	_ =	sfence.sel $0xFFFF  }
0x45: {  	[dreg:$0x0] =	wrdreg $0xFFFFFFFF;
	(pc) =	sbr.abs _section_cstart, $3  }
0x46: {  	[dreg:$0x1] =	wrdreg $0xFFFFFFFF  }
0x47: {  	_ =	task.clear_ibuf [dreg:s23], $0x2FFFF;
	_ =	strace $0x9FFFFFFF  }
0x48: {  	(tm) =	ssettm $0x7FFFFFFF  }
0x49: {  	_ =	shalt  }
tec
execute0_lowered:
.L_overlay_start_1:
0x0: {  	(tag) =	ssettag $0x1  }
0x1: {  	s0 =	srdreg.scid;
	s6 =	rddreg [dreg:$0x0]  }
0x2: {  	s1 =	stileid.u32;
	s4 =	simm.s32 $0x1;
	s0 =	sshll.u32 s0, $0x4  }
0x3: {  	s7 =	simm.s32 $0x2;
	s11 =	simm.s32 $0x0;
	s2 =	sand.u32 $0x10, s0  }
.Ltmp0:
0x4: {  	s8 =	simm.s32 $0x1E8800;
	s2 =	sor.u32 s1, s2;
	(pc) =	sbr.rel .LBB1_1-.Ltmp0, $4  }
0x5: {  	s10 =	simm.s32 $0x0;
	s3 =	sadd.s32 $0x16E6800, s6;
	s2 =	sshll.u32 s2, $0x7  }
0x6: {  	s0 =	rddreg [dreg:$0x1];
	_ =	strace $0x80000056;
	s5 =	ssub.s32 $0x3D080, s2  }
0x7: {  	s6 =	sadd.s32 $0x1E87A00, s6;
	[sflag:s4] =	ssyncpa.u1 $0x0;
	s5 =	sshrl.u32 s5, $0xC  }
0x8: {  	[sflag:s7] =	ssyncpa.u1 $0x0;
	s9 =	smov.u32 s2;
	s7 =	sor.u32 $0x2, s5  }
.LBB1_7:
0x9: {  	s13 =	sadd.s32 $0x1000, s9  }
0xa: {  	p1 =	sgt.s32 s13, $0x3D08F  }
0xb: {  	s13 =	smov.u32 @p1 s2;
	p1 =	sne.s32 s10, s7  }
.Ltmp1:
0xc: {  	p0 =	slt.u32 s10, $0x2;
	(pc) =	sbr.rel @!p1 .LBB1_8-.Ltmp1, $4  }
0xd: {  	s12 =	simm.s32 @!p0 $0x2  }
0xe: {  	_ =	swait.ge @!p0 [sflag:s12], $0x4000  }
0xf: {  	s14 =	sadd.s32 $0x1, s10;
	s11 =	smov.u32 s9;
	[sflag:s12] =	ssyncset.done @!p0 $0x0  }
0x10: {  	s10 =	smov.u32 s14;
	s9 =	smov.u32 s13;
	[sflag:s12] =	ssyncadd.s32 @!p0 $0xFFFFC000  }
.LBB1_1:
0x11: {  	p0 =	sgt.u32 s10, s5  }
0x12: {  	p1 =	sgt.s32 @!p0 s9, $0x3D010  }
0x13: {  	s12 =	smov.u32 s9;
	s13 =	sshra.s32 @!p0 s9, $0x1F;
	p1 =	por !p1, p0  }
0x14: {  	s13 =	sand.u32 @!p0 s13, s9;
	s12 =	simm.s32 @p1 $0x3D010  }
0x15: {  	s12 =	ssub.s32 @!p0 s12, s13  }
0x16: {  	s14 =	sxor.u32 @!p0 $0xFFFFFFFF, s10;
	s12 =	sadd.s32 @!p0 $0xFFFC2FF0, s12  }
0x17: {  	s15 =	simm.s32 @!p0 $0x40;
	s16 =	simm.s32 @!p0 $0x80;
	s13 =	sshll.u32 @!p0 s12, $0x9  }
0x18: {  	p1 =	sgt.s32 @!p0 s12, $0x7F;
	s12 =	ssub.s32 @!p0 $0x10000, s13;
	s13 =	sshll.u32 @!p0 s14, $0xE  }
0x19: {  	p1 =	por !p1, p0;
	s14 =	sshll.u32 @!p0 s9, $0x5;
	s12 =	sshrl.u32 @!p0 s12, $0x2  }
0x1a: {  	s13 =	sand.u32 @!p0 $0x4000, s13;
	s14 =	sadd.s32 @!p0 s3, s14;
	s12 =	simm.s32 @!p1 $0x0  }
0x1b: {  	[tilespmem:s13], [sflag:$0x1] =	stream.strided.gather @!p0 [hbm4b:s14+s15], s12, s16, s15, $0x38;
	[tilespmem:$0x10100] =	vst v63  }
0x1c: {  	p0 =	seq.s32 s10, $0x0  }
0x1d: {  	p1 =	sge.u32 @!p0 s10, s7  }
0x1e: {  	p0 =	por p0, p1  }
.Ltmp2:
0x1f: {  	_ = 	snop;
	(pc) =	sbr.rel @p0 .LBB1_7-.Ltmp2, $1  }
0x20: {  	_ =	sdelay $0x3  }
0x21: {  	p0 =	sgt.s32 s11, $0x3D010;
	s12 =	smov.u32 s11;
	s13 =	sshra.s32 s11, $0x1F  }
0x22: {  	s12 =	simm.s32 @!p0 $0x3D010;
	s13 =	sand.u32 s13, s11  }
0x23: {  	s12 =	ssub.s32 s12, s13  }
0x24: {  	s12 =	sadd.s32 $0xFFFC2FF0, s12  }
0x25: {  	s29 =	sshll.u32 s12, $0x9  }
0x26: {  	s30 =	sand.u32 $0x1, s10;
	s13 =	ssub.s32 $0x10000, s29  }
0x27: {  	s14 =	smul.u32 $0x10200, s30;
	p0 =	sgt.s32 s12, $0x7F;
	s12 =	sshrl.u32 s13, $0x2  }
0x28: {  	s12 =	simm.s32 @p0 $0x0  }
0x29: {  	s31 =	sshrl.u32 s14, $0x2;
	_ =	swait.ge [sflag:s4], s12  }
0x2a: {  	s14 =	simm.s32 $0x0;
	s12 =	ssub.s32 $0x0, s12;
	[sflag:s4] =	ssyncset.done $0x0  }
0x2b: {  	s13 =	sshll.u32 s30, $0xE;
	[sflag:s4] =	ssyncadd.s32 s12;
	s12 =	sor.u32 $0x8000, s31  }
.LBB1_3:
0x2c: {  	s15 =	sshll.u32 s14, $0x7  }
0x2d: {  	s15 =	sand.u32 $0x3FFFFF80, s15  }
0x2e: {  	s15 =	sadd.s32 s15, s13  }
0x2f: {  	v0 =	vmov s15;
	_ =	sdelay $0x1  }
0x30: {  	p0 =	por $0x1, $0x1;
	s15 =	simm.s32 $0x0  }
.LBB1_4:
0x31: {  	s16 =	sshll.u32 s15, $0x6  }
0x32: {  	s16 =	sand.u32 $0x3FFFFFC0, s16  }
0x33: {  	s31 =	smul.u32 $0x8100, s15;
	v1 =	vld.idx.msk [tilespmem:v0+s16+$0x0 ss:$0x1], $0xffff  }
0x34: {  	v2 =	vld.idx.msk [tilespmem:v0+s16+$0x10 ss:$0x1], $0xffff  }
0x35: {  	s15 =	sshra.s32 s31, $0x2;
	v3 =	vld.idx.msk [tilespmem:v0+s16+$0x20 ss:$0x1], $0xffff  }
0x36: {  	p1 =	por p0, p0;
	v4 =	vld.idx.msk [tilespmem:v0+s16+$0x30 ss:$0x1], $0xffff;
	s15 =	sadd.s32 s15, s12  }
.Ltmp3:
0x37: {  	s15 =	sadd.s32 s14, s15;
	(pc) =	sbr.rel @p1 .LBB1_4-.Ltmp3, $4  }
0x38: {  	[tilespmem:s15+$0x0 ss:$0x81] =	vst.msk $0xffff, v1  }
0x39: {  	[tilespmem:s15+$0x810 ss:$0x81] =	vst.msk $0xffff, v2  }
0x3a: {  	[tilespmem:s15+$0x1020 ss:$0x81] =	vst.msk $0xffff, v3  }
0x3b: {  	p0 =	por $0x0, $0x0;
	[tilespmem:s15+$0x1830 ss:$0x81] =	vst.msk $0xffff, v4;
	s15 =	simm.s32 $0x1  }
0x3c: {  	s14 =	sadd.s32 $0x1, s14  }
0x3d: {  	p0 =	sne.s32 s14, $0x80  }
.Ltmp4:
0x3e: {  	_ = 	snop;
	(pc) =	sbr.rel @p0 .LBB1_3-.Ltmp4, $1  }
0x3f: {  	_ =	sdelay $0x3  }
0x40: {  	s13 =	sshll.u32 s11, $0x3  }
0x41: {  	s13 =	sand.u32 $0xFFFFFC00, s13  }
0x42: {  	s14 =	sshrl.u32 s13, $0x8  }
0x43: {  	s14 =	smulhi.u32 $0x10C50B5, s14;
	_ =	sdelay $0x1  }
0x44: {  	s14 =	sshrl.u32 s14, $0x2  }
0x45: {  	s29 =	sand.u32 $0x7F, s11;
	s15 =	smul.u32 $0x3D100, s14  }
0x46: {  	s11 =	sor.u32 s29, s13  }
.Ltmp5:
0x47: {  	s30 =	sand.u32 $0x3F, s14;
	s11 =	ssub.s32 s11, s15;
	(pc) =	sbr.rel .LBB1_7-.Ltmp5, $4  }
0x48: {  	s13 =	smul.u32 $0x7A20, s30;
	s31 =	sshrl.u32 s11, $0x3;
	s11 =	sand.u32 $0x7, s11  }
0x49: {  	s14 =	sadd.s32 s6, s31;
	s11 =	sshll.u32 s11, $0x12  }
0x4a: {  	s13 =	sadd.s32 s13, s14;
	s11 =	sor.u32 $0x400, s11  }
0x4b: {  	[hbm4b:s13+s11] =	stream.strided.scatter [tilespmem:s12], [sflag:$0x2], $0x4000, s8, s11, $0x20;
	[tilespmem:$0x10100] =	vst v63  }
.LBB1_8:
0x4c: {  	_ =	sfence.sel $0x180000  }
0x4d: {  	s2 =	simm.s32 $0x1;
	[bflag:$0x0] =	sbarrier.arrive $0xFFFF  }
0x4e: {  	s31 =	simm.s32 $0x2;
	[sflag:s2] =	ssyncpa.u1 $0x1  }
0x4f: {  	[sflag:s31] =	ssyncpa.u1 $0x1  }
0x50: {  	p0 =	sne.s32 s1, $0x0;
	_ =	strace $0x90000056  }
0x51: {  	s0 =	sadd.s32 @!p0 $0x100000, s0;
	[bflag:$0x2] =	sbarrier.arrive $0xFFFF  }
0x52: {  	[sflag:s0] =	ssyncadd.tile.s32 @!p0 $0x1;
	_ =	shalt  }
.Lfunc_end1:
_tile_overlayer_lowered:
.L_overlay_start_2:
0x53: {  	(tag) =	ssettag $0x2  }
0x54: {  	s0 =	rddreg [dreg:$0x0];
	s2 =	stileid.u32  }
0x55: {  	s1 =	rddreg [dreg:$0x1];
	p0 =	sne.s32 s2, $0x0  }
0x56: {  	s3 =	rddreg [dreg:$0x2];
	[bflag:$0x3] =	sbarrier.arrive $0xFFFF;
	s2 =	simm.s32 @!p0 $0x1C01  }
0x57: {  	[timem:s3], [sflag:s2] =	dma.local @!p0 [hbm:s0], s1  }
0x58: {  	s0 =	simm.s32 @!p0 $0x1  }
0x59: {  	_ =	swait.ge @!p0 [sflag:s0], s1  }
0x5a: {  	s1 =	ssub.s32 @!p0 $0x0, s1;
	[sflag:s0] =	ssyncset.done @!p0 $0x0  }
0x5b: {  	[sflag:s0] =	ssyncadd.s32 @!p0 s1  }
0x5c: {  	[bflag:$0x3] =	sbarrier.arrive $0xFFFF  }
0x5d: {  	_ =	shalt  }

</sc_bundles>
